<compile_context>
chip_gen: v7x
topology: tpu7x:2x2x1
jax: 0.10.2.dev20260603
libtpu: 0.0.44.dev20260713+nightly
codegen_flags: <defaults>
</compile_context>

<pallas_src>
import functools

import jax
import jax.numpy as jnp
from jax import lax
from jax.experimental import pallas as pl
from jax.experimental.pallas import tpu as pltpu
from jax.experimental.pallas import tpu_sc as plsc

VOXEL_SHAPE = (4, 200, 200)
V = VOXEL_SHAPE[0] * VOXEL_SHAPE[1] * VOXEL_SHAPE[2]
NCAM = 6
C = 32
D, H, W = 32, 32, 60
DHW = D * H * W

NC, NS, L = 2, 16, 16
NW = NC * NS
CH = 512
CPW = 10
STRIDE = V // NW
NBUF = 2
GROUPS = CH // L
IGNORE = -1

_mesh = plsc.VectorSubcoreMesh(
    core_axis_name="c", subcore_axis_name="s", num_cores=NC, num_subcores=NS
)


@functools.partial(
    pl.kernel,
    out_type=jax.ShapeDtypeStruct((C, V), jnp.float32),
    mesh=_mesh,
    scratch_types=(
        [pltpu.VMEM((NCAM * CH,), jnp.int32) for _ in range(4 * NBUF)]
        + [pltpu.VMEM((CH,), jnp.int32) for _ in range(NCAM * NBUF)]
        + [pltpu.VMEM((CH, C), jnp.float32) for _ in range(NBUF)]
        + [pltpu.VMEM((C, CH + 1), jnp.float32) for _ in range(NBUF)]
        + [pltpu.SemaphoreType.DMA for _ in range(3 * NBUF)]
    ),
    compiler_params=pltpu.CompilerParams(
        use_tc_tiling_on_sc=False, needs_layout_passes=False
    ),
)
def _fastray_sc(table, uu, vv, dd, va, out, *scratch):
    uub = scratch[0:NBUF]
    vvb = scratch[NBUF : 2 * NBUF]
    ddb = scratch[2 * NBUF : 3 * NBUF]
    vab = scratch[3 * NBUF : 4 * NBUF]
    k = 4 * NBUF
    idxb = [scratch[k + b * NCAM : k + (b + 1) * NCAM] for b in range(NBUF)]
    k += NCAM * NBUF
    accb = scratch[k : k + NBUF]
    acct = scratch[k + NBUF : k + 2 * NBUF]
    gsem = scratch[k + 2 * NBUF : k + 3 * NBUF]
    ssem = scratch[k + 3 * NBUF : k + 4 * NBUF]
    lsem = scratch[k + 4 * NBUF : k + 5 * NBUF]

    wid = lax.axis_index("s") * NC + lax.axis_index("c")
    base0 = jnp.where(wid == NW - 1, V - CH * CPW, wid * STRIDE)

    rows_lo = lax.iota(jnp.int32, 16)
    rows_hi = rows_lo + 16

    def drain_and_store(i, b, store_pred=None):
        base = base0 + (i * NBUF + b) * CH
        for n in range(NCAM):
            pltpu.make_async_copy(
                table.at[plsc.Indices(idxb[b][n], ignored_value=IGNORE)],
                accb[b],
                gsem[b],
            ).wait()

        def _wait_prev_store():
            pltpu.make_async_copy(
                acct[b].at[:, pl.ds(0, CH)], out.at[:, pl.ds(0, CH)], ssem[b]
            ).wait()

        if store_pred is None:
            _wait_prev_store()
        else:
            pl.when(store_pred)(_wait_prev_store)

        def trow(r, _, b=b):
            cols = jnp.full((16,), r, jnp.int32)
            plsc.store_scatter(acct[b], [rows_lo, cols], accb[b][r, pl.ds(0, L)])
            plsc.store_scatter(acct[b], [rows_hi, cols], accb[b][r, pl.ds(L, L)])
            return 0

        lax.fori_loop(0, CH, trow, 0)
        pltpu.async_copy(
            acct[b].at[:, pl.ds(0, CH)], out.at[:, pl.ds(base, CH)], ssem[b]
        )

    def super_body(i, carry):
        bases = [base0 + (i * NBUF + b) * CH for b in range(NBUF)]
        stage = []
        for b in range(NBUF):
            for n in range(NCAM):
                src = pl.ds(n * V + bases[b], CH)
                dst = pl.ds(n * CH, CH)
                for arr, buf in ((uu, uub), (vv, vvb), (dd, ddb), (va, vab)):
                    stage.append(
                        pltpu.async_copy(arr.at[src], buf[b].at[dst], lsem[b])
                    )

        @pl.when(i > 0)
        def _():
            for b in range(NBUF):
                drain_and_store(i - 1, b, store_pred=i > 1)

        for h in stage:
            h.wait()
        for b in range(NBUF):

            def grp(g, _, b=b):
                for n in range(NCAM):
                    off = pl.ds(n * CH + g * L, L)
                    lin = (
                        ddb[b][off] * (H * W)
                        + vvb[b][off] * W
                        + uub[b][off]
                        + n * DHW
                    )
                    idxb[b][n][pl.ds(g * L, L)] = lin | (vab[b][off] - 1)
                return 0

            lax.fori_loop(0, GROUPS, grp, 0)

            def zrow(r, _, b=b):
                z = jnp.zeros((L,), jnp.float32)
                accb[b][r * 2, pl.ds(0, L)] = z
                accb[b][r * 2, pl.ds(L, L)] = z
                accb[b][r * 2 + 1, pl.ds(0, L)] = z
                accb[b][r * 2 + 1, pl.ds(L, L)] = z
                return 0

            lax.fori_loop(0, CH // 2, zrow, 0)

        for n in range(NCAM):
            for b in range(NBUF):
                pltpu.async_copy(
                    table.at[plsc.Indices(idxb[b][n], ignored_value=IGNORE)],
                    accb[b],
                    gsem[b],
                    add=True,
                )
        return carry

    steps = CPW // NBUF
    lax.fori_loop(0, steps, super_body, 0)
    for b in range(NBUF):
        drain_and_store(steps - 1, b)
    for b in range(NBUF):
        pltpu.make_async_copy(
            acct[b].at[:, pl.ds(0, CH)], out.at[:, pl.ds(0, CH)], ssem[b]
        ).wait()


def kernel(camera_features, uu, vv, dd, valid):
    B = camera_features.shape[0]
    feat = camera_features.reshape(NCAM, C, DHW)
    table = jnp.swapaxes(feat, 1, 2).reshape(NCAM * DHW, C)
    out = _fastray_sc(
        table,
        uu.reshape(-1),
        vv.reshape(-1),
        dd.reshape(-1),
        valid.astype(jnp.int32).reshape(-1),
    )
    return out.reshape(B, C, *VOXEL_SHAPE)

# --- scband reference (transcript-rebuilt; emitter-appended) ---
"""Pipeline reference for scband-fast-ray-spatial-transform-59287728554436 (READ-ONLY COPY).

The authoritative reference and input builder live on the scoring server;
editing this copy changes nothing except your own understanding.
"""

import jax, jax.numpy as jnp
import numpy as np

VOXEL_SHAPE = (4, 200, 200)

def setup_inputs(seed: int = 0) -> dict:
    key = jax.random.key(seed)
    k1, k2, k3, k4, k5 = jax.random.split(key, 5)
    # camera features: [B, N_cam, C, D, H, W]
    # H = 512 // 16 = 32, W = 960 // 16 = 60, D = ray_distance_num_channel = 32
    camera_features = jax.random.normal(k1, (1, 6, 32, 32, 32, 60), dtype=jnp.float32)
    n_voxels = VOXEL_SHAPE[0] * VOXEL_SHAPE[1] * VOXEL_SHAPE[2]  # 160000
    # FastRay lookup table: per-camera pixel/ray-depth index for every voxel
    uu = jax.random.randint(k2, (6, n_voxels), 0, 60, dtype=jnp.int32)
    vv = jax.random.randint(k3, (6, n_voxels), 0, 32, dtype=jnp.int32)
    dd = jax.random.randint(k4, (6, n_voxels), 0, 32, dtype=jnp.int32)
    valid = jax.random.randint(k5, (6, n_voxels), 0, 2, dtype=jnp.int32).astype(bool)
    return {"camera_features": camera_features, "uu": uu, "vv": vv, "dd": dd, "valid": valid}


def reference(camera_features, uu, vv, dd, valid):
    # FastRay spatial transform: for every voxel, gather the (d, v, u) cell of each
    # camera's ray-distance feature volume (via the precomputed LUT), mask out
    # voxels that do not project into the camera, and accumulate over cameras.
    B, N, C, D, H, W = camera_features.shape
    V = uu.shape[1]
    flat = camera_features.reshape(B, N, C, D * H * W)
    # flat linear index into the (D, H, W) feature volume per voxel per camera
    lin_idx = dd.astype(jnp.int32) * (H * W) + vv.astype(jnp.int32) * W + uu.astype(jnp.int32)
    lin_idx = jnp.where(valid, lin_idx, 0)  # invalid voxels gather slot 0, masked below
    idx_b = jnp.broadcast_to(lin_idx[None, :, None, :], (B, N, C, V))
    gathered = jnp.take_along_axis(flat, idx_b, axis=3)  # [B, N, C, V]
    gathered = jnp.where(valid[None, :, None, :], gathered, 0.0)
    # scatter/accumulate camera contributions into the shared voxel grid
    voxel_feat = jnp.sum(gathered, axis=1)  # [B, C, V]
    voxel_feat = voxel_feat.reshape(B, C, VOXEL_SHAPE[0], VOXEL_SHAPE[1], VOXEL_SHAPE[2])
    return voxel_feat

if __name__ == "__main__":
    import jax
    _d = setup_inputs()
    print(jax.jit(kernel)(*tuple(_d.values())))

</pallas_src>

<mosaic_0001>
#map = affine_map<(d0, d1) -> (0, 0)>
#map1 = affine_map<(d0, d1) -> (0)>
module attributes {stable_mosaic.version = 14 : i64} {
  func.func @_fastray_sc(%arg0: i32, %arg1: i32, %arg2: memref<368640x32xf32, #tpu.memory_space<hbm>>, %arg3: memref<960000xi32, #tpu.memory_space<hbm>>, %arg4: memref<960000xi32, #tpu.memory_space<hbm>>, %arg5: memref<960000xi32, #tpu.memory_space<hbm>>, %arg6: memref<960000xi32, #tpu.memory_space<hbm>>, %arg7: memref<32x160000xf32, #tpu.memory_space<hbm>>, %arg8: memref<3072xi32, #tpu.memory_space<vmem>>, %arg9: memref<3072xi32, #tpu.memory_space<vmem>>, %arg10: memref<3072xi32, #tpu.memory_space<vmem>>, %arg11: memref<3072xi32, #tpu.memory_space<vmem>>, %arg12: memref<3072xi32, #tpu.memory_space<vmem>>, %arg13: memref<3072xi32, #tpu.memory_space<vmem>>, %arg14: memref<3072xi32, #tpu.memory_space<vmem>>, %arg15: memref<3072xi32, #tpu.memory_space<vmem>>, %arg16: memref<512xi32, #tpu.memory_space<vmem>>, %arg17: memref<512xi32, #tpu.memory_space<vmem>>, %arg18: memref<512xi32, #tpu.memory_space<vmem>>, %arg19: memref<512xi32, #tpu.memory_space<vmem>>, %arg20: memref<512xi32, #tpu.memory_space<vmem>>, %arg21: memref<512xi32, #tpu.memory_space<vmem>>, %arg22: memref<512xi32, #tpu.memory_space<vmem>>, %arg23: memref<512xi32, #tpu.memory_space<vmem>>, %arg24: memref<512xi32, #tpu.memory_space<vmem>>, %arg25: memref<512xi32, #tpu.memory_space<vmem>>, %arg26: memref<512xi32, #tpu.memory_space<vmem>>, %arg27: memref<512xi32, #tpu.memory_space<vmem>>, %arg28: memref<512x32xf32, #tpu.memory_space<vmem>>, %arg29: memref<512x32xf32, #tpu.memory_space<vmem>>, %arg30: memref<32x513xf32, #tpu.memory_space<vmem>>, %arg31: memref<32x513xf32, #tpu.memory_space<vmem>>, %arg32: memref<!tpu.dma_semaphore, #tpu.memory_space<semaphore_mem>>, %arg33: memref<!tpu.dma_semaphore, #tpu.memory_space<semaphore_mem>>, %arg34: memref<!tpu.dma_semaphore, #tpu.memory_space<semaphore_mem>>, %arg35: memref<!tpu.dma_semaphore, #tpu.memory_space<semaphore_mem>>, %arg36: memref<!tpu.dma_semaphore, #tpu.memory_space<semaphore_mem>>, %arg37: memref<!tpu.dma_semaphore, #tpu.memory_space<semaphore_mem>>) attributes {dimension_semantics = [#tpu.dimension_semantics<core_parallel>, #tpu.dimension_semantics<subcore_parallel>], iteration_bounds = array<i64: 2, 16>, scalar_prefetch = 0 : i64, scratch_operands = 30 : i64, tpu.core_type = #tpu.core_type<sc_vector_subcore>, window_params = [{transform_indices = #map}, {transform_indices = #map1}, {transform_indices = #map1}, {transform_indices = #map1}, {transform_indices = #map1}, {transform_indices = #map}]} {
    %mul3A = arith.constant 2 : i32
    %mul3A_0 = arith.muli %arg1, %mul3A : i32
    %add3A = arith.addi %mul3A_0, %arg0 : i32
    %eq3A = arith.constant 31 : i32
    %eq3A_1 = arith.cmpi eq, %add3A, %eq3A : i32
    %mul3A_2 = arith.constant 5000 : i32
    %mul3A_3 = arith.muli %add3A, %mul3A_2 : i32
    %jit3A = arith.constant 154880 : i32
    %select_n3A = arith.select %eq3A_1, %jit3A, %mul3A_3 : i32
    %iota3A = tpu.iota {dimensions = array<i32: 0>} : vector<16xi32>
    %add3A_4 = arith.constant 16 : i32
    %add3A_5 = vector.broadcast %add3A_4 : i32 to vector<16xi32>
    %add3A_6 = arith.addi %iota3A, %add3A_5 : vector<16xi32>
    %scan3A = arith.constant 0 : i32
    %scan3A_7 = arith.constant 0 : i32
    %scan3A_8 = arith.constant 5 : i32
    %scan3A_9 = arith.addi %scan3A_7, %scan3A_8 : i32
    %scan3A_10 = arith.constant 1 : i32
    scf.for %scan3A_132 = %scan3A_7 to %scan3A_9 step %scan3A_10  : i32 {
      %mul3A_133 = arith.constant 2 : i32
      %mul3A_134 = arith.muli %scan3A_132, %mul3A_133 : i32
      %add3A_135 = arith.constant 0 : i32
      %add3A_136 = arith.addi %mul3A_134, %add3A_135 : i32
      %mul3A_137 = arith.constant 512 : i32
      %mul3A_138 = arith.muli %add3A_136, %mul3A_137 : i32
      %add3A_139 = arith.addi %select_n3A, %mul3A_138 : i32
      %mul3A_140 = arith.constant 2 : i32
      %mul3A_141 = arith.muli %scan3A_132, %mul3A_140 : i32
      %add3A_142 = arith.constant 1 : i32
      %add3A_143 = arith.addi %mul3A_141, %add3A_142 : i32
      %mul3A_144 = arith.constant 512 : i32
      %mul3A_145 = arith.muli %add3A_143, %mul3A_144 : i32
      %add3A_146 = arith.addi %select_n3A, %mul3A_145 : i32
      %add3A_147 = arith.constant 0 : i32
      %add3A_148 = arith.addi %add3A_147, %add3A_139 : i32
      %dma_start3A_149 = arith.constant 0 : i32
      %dma_start3A_150 = tpu.memref_slice %arg8[%dma_start3A_149] : memref<3072xi32, #tpu.memory_space<vmem>> -> memref<512xi32, #tpu.memory_space<vmem>>
      %dma_start3A_151 = tpu.memref_slice %arg3[%add3A_148] : memref<960000xi32, #tpu.memory_space<hbm>> -> memref<512xi32, #tpu.memory_space<hbm>>
      %dma_start3A_152 = arith.constant 0 : i32
      %dma_start3A_153 = tpu.memref_slice %arg8[%dma_start3A_152] : memref<3072xi32, #tpu.memory_space<vmem>> -> memref<512xi32, #tpu.memory_space<vmem>>
      %dma_start3A_154 = tpu.memref_slice %arg3[%add3A_148] : memref<960000xi32, #tpu.memory_space<hbm>> -> memref<512xi32, #tpu.memory_space<hbm>>
      tpu.enqueue_dma source(%dma_start3A_154 : memref<512xi32, #tpu.memory_space<hbm>>) target(%dma_start3A_153 : memref<512xi32, #tpu.memory_space<vmem>>) target_semaphore(%arg36 : memref<!tpu.dma_semaphore, #tpu.memory_space<semaphore_mem>>)
      %dma_start3A_155 = arith.constant 0 : i32
      %dma_start3A_156 = tpu.memref_slice %arg10[%dma_start3A_155] : memref<3072xi32, #tpu.memory_space<vmem>> -> memref<512xi32, #tpu.memory_space<vmem>>
      %dma_start3A_157 = tpu.memref_slice %arg4[%add3A_148] : memref<960000xi32, #tpu.memory_space<hbm>> -> memref<512xi32, #tpu.memory_space<hbm>>
      %dma_start3A_158 = arith.constant 0 : i32
      %dma_start3A_159 = tpu.memref_slice %arg10[%dma_start3A_158] : memref<3072xi32, #tpu.memory_space<vmem>> -> memref<512xi32, #tpu.memory_space<vmem>>
      %dma_start3A_160 = tpu.memref_slice %arg4[%add3A_148] : memref<960000xi32, #tpu.memory_space<hbm>> -> memref<512xi32, #tpu.memory_space<hbm>>
      tpu.enqueue_dma source(%dma_start3A_160 : memref<512xi32, #tpu.memory_space<hbm>>) target(%dma_start3A_159 : memref<512xi32, #tpu.memory_space<vmem>>) target_semaphore(%arg36 : memref<!tpu.dma_semaphore, #tpu.memory_space<semaphore_mem>>)
      %dma_start3A_161 = arith.constant 0 : i32
      %dma_start3A_162 = tpu.memref_slice %arg12[%dma_start3A_161] : memref<3072xi32, #tpu.memory_space<vmem>> -> memref<512xi32, #tpu.memory_space<vmem>>
      %dma_start3A_163 = tpu.memref_slice %arg5[%add3A_148] : memref<960000xi32, #tpu.memory_space<hbm>> -> memref<512xi32, #tpu.memory_space<hbm>>
      %dma_start3A_164 = arith.constant 0 : i32
      %dma_start3A_165 = tpu.memref_slice %arg12[%dma_start3A_164] : memref<3072xi32, #tpu.memory_space<vmem>> -> memref<512xi32, #tpu.memory_space<vmem>>
      %dma_start3A_166 = tpu.memref_slice %arg5[%add3A_148] : memref<960000xi32, #tpu.memory_space<hbm>> -> memref<512xi32, #tpu.memory_space<hbm>>
      tpu.enqueue_dma source(%dma_start3A_166 : memref<512xi32, #tpu.memory_space<hbm>>) target(%dma_start3A_165 : memref<512xi32, #tpu.memory_space<vmem>>) target_semaphore(%arg36 : memref<!tpu.dma_semaphore, #tpu.memory_space<semaphore_mem>>)
      %dma_start3A_167 = arith.constant 0 : i32
      %dma_start3A_168 = tpu.memref_slice %arg14[%dma_start3A_167] : memref<3072xi32, #tpu.memory_space<vmem>> -> memref<512xi32, #tpu.memory_space<vmem>>
      %dma_start3A_169 = tpu.memref_slice %arg6[%add3A_148] : memref<960000xi32, #tpu.memory_space<hbm>> -> memref<512xi32, #tpu.memory_space<hbm>>
      %dma_start3A_170 = arith.constant 0 : i32
      %dma_start3A_171 = tpu.memref_slice %arg14[%dma_start3A_170] : memref<3072xi32, #tpu.memory_space<vmem>> -> memref<512xi32, #tpu.memory_space<vmem>>
      %dma_start3A_172 = tpu.memref_slice %arg6[%add3A_148] : memref<960000xi32, #tpu.memory_space<hbm>> -> memref<512xi32, #tpu.memory_space<hbm>>
      tpu.enqueue_dma source(%dma_start3A_172 : memref<512xi32, #tpu.memory_space<hbm>>) target(%dma_start3A_171 : memref<512xi32, #tpu.memory_space<vmem>>) target_semaphore(%arg36 : memref<!tpu.dma_semaphore, #tpu.memory_space<semaphore_mem>>)
      %add3A_173 = arith.constant 160000 : i32
      %add3A_174 = arith.addi %add3A_173, %add3A_139 : i32
      %dma_start3A_175 = arith.constant 512 : i32
      %dma_start3A_176 = tpu.memref_slice %arg8[%dma_start3A_175] : memref<3072xi32, #tpu.memory_space<vmem>> -> memref<512xi32, #tpu.memory_space<vmem>>
      %dma_start3A_177 = tpu.memref_slice %arg3[%add3A_174] : memref<960000xi32, #tpu.memory_space<hbm>> -> memref<512xi32, #tpu.memory_space<hbm>>
      %dma_start3A_178 = arith.constant 512 : i32
      %dma_start3A_179 = tpu.memref_slice %arg8[%dma_start3A_178] : memref<3072xi32, #tpu.memory_space<vmem>> -> memref<512xi32, #tpu.memory_space<vmem>>
      %dma_start3A_180 = tpu.memref_slice %arg3[%add3A_174] : memref<960000xi32, #tpu.memory_space<hbm>> -> memref<512xi32, #tpu.memory_space<hbm>>
      tpu.enqueue_dma source(%dma_start3A_180 : memref<512xi32, #tpu.memory_space<hbm>>) target(%dma_start3A_179 : memref<512xi32, #tpu.memory_space<vmem>>) target_semaphore(%arg36 : memref<!tpu.dma_semaphore, #tpu.memory_space<semaphore_mem>>)
      %dma_start3A_181 = arith.constant 512 : i32
      %dma_start3A_182 = tpu.memref_slice %arg10[%dma_start3A_181] : memref<3072xi32, #tpu.memory_space<vmem>> -> memref<512xi32, #tpu.memory_space<vmem>>
      %dma_start3A_183 = tpu.memref_slice %arg4[%add3A_174] : memref<960000xi32, #tpu.memory_space<hbm>> -> memref<512xi32, #tpu.memory_space<hbm>>
      %dma_start3A_184 = arith.constant 512 : i32
      %dma_start3A_185 = tpu.memref_slice %arg10[%dma_start3A_184] : memref<3072xi32, #tpu.memory_space<vmem>> -> memref<512xi32, #tpu.memory_space<vmem>>
      %dma_start3A_186 = tpu.memref_slice %arg4[%add3A_174] : memref<960000xi32, #tpu.memory_space<hbm>> -> memref<512xi32, #tpu.memory_space<hbm>>
      tpu.enqueue_dma source(%dma_start3A_186 : memref<512xi32, #tpu.memory_space<hbm>>) target(%dma_start3A_185 : memref<512xi32, #tpu.memory_space<vmem>>) target_semaphore(%arg36 : memref<!tpu.dma_semaphore, #tpu.memory_space<semaphore_mem>>)
      %dma_start3A_187 = arith.constant 512 : i32
      %dma_start3A_188 = tpu.memref_slice %arg12[%dma_start3A_187] : memref<3072xi32, #tpu.memory_space<vmem>> -> memref<512xi32, #tpu.memory_space<vmem>>
      %dma_start3A_189 = tpu.memref_slice %arg5[%add3A_174] : memref<960000xi32, #tpu.memory_space<hbm>> -> memref<512xi32, #tpu.memory_space<hbm>>
      %dma_start3A_190 = arith.constant 512 : i32
      %dma_start3A_191 = tpu.memref_slice %arg12[%dma_start3A_190] : memref<3072xi32, #tpu.memory_space<vmem>> -> memref<512xi32, #tpu.memory_space<vmem>>
      %dma_start3A_192 = tpu.memref_slice %arg5[%add3A_174] : memref<960000xi32, #tpu.memory_space<hbm>> -> memref<512xi32, #tpu.memory_space<hbm>>
      tpu.enqueue_dma source(%dma_start3A_192 : memref<512xi32, #tpu.memory_space<hbm>>) target(%dma_start3A_191 : memref<512xi32, #tpu.memory_space<vmem>>) target_semaphore(%arg36 : memref<!tpu.dma_semaphore, #tpu.memory_space<semaphore_mem>>)
      %dma_start3A_193 = arith.constant 512 : i32
      %dma_start3A_194 = tpu.memref_slice %arg14[%dma_start3A_193] : memref<3072xi32, #tpu.memory_space<vmem>> -> memref<512xi32, #tpu.memory_space<vmem>>
      %dma_start3A_195 = tpu.memref_slice %arg6[%add3A_174] : memref<960000xi32, #tpu.memory_space<hbm>> -> memref<512xi32, #tpu.memory_space<hbm>>
      %dma_start3A_196 = arith.constant 512 : i32
      %dma_start3A_197 = tpu.memref_slice %arg14[%dma_start3A_196] : memref<3072xi32, #tpu.memory_space<vmem>> -> memref<512xi32, #tpu.memory_space<vmem>>
      %dma_start3A_198 = tpu.memref_slice %arg6[%add3A_174] : memref<960000xi32, #tpu.memory_space<hbm>> -> memref<512xi32, #tpu.memory_space<hbm>>
      tpu.enqueue_dma source(%dma_start3A_198 : memref<512xi32, #tpu.memory_space<hbm>>) target(%dma_start3A_197 : memref<512xi32, #tpu.memory_space<vmem>>) target_semaphore(%arg36 : memref<!tpu.dma_semaphore, #tpu.memory_space<semaphore_mem>>)
      %add3A_199 = arith.constant 320000 : i32
      %add3A_200 = arith.addi %add3A_199, %add3A_139 : i32
      %dma_start3A_201 = arith.constant 1024 : i32
      %dma_start3A_202 = tpu.memref_slice %arg8[%dma_start3A_201] : memref<3072xi32, #tpu.memory_space<vmem>> -> memref<512xi32, #tpu.memory_space<vmem>>
      %dma_start3A_203 = tpu.memref_slice %arg3[%add3A_200] : memref<960000xi32, #tpu.memory_space<hbm>> -> memref<512xi32, #tpu.memory_space<hbm>>
      %dma_start3A_204 = arith.constant 1024 : i32
      %dma_start3A_205 = tpu.memref_slice %arg8[%dma_start3A_204] : memref<3072xi32, #tpu.memory_space<vmem>> -> memref<512xi32, #tpu.memory_space<vmem>>
      %dma_start3A_206 = tpu.memref_slice %arg3[%add3A_200] : memref<960000xi32, #tpu.memory_space<hbm>> -> memref<512xi32, #tpu.memory_space<hbm>>
      tpu.enqueue_dma source(%dma_start3A_206 : memref<512xi32, #tpu.memory_space<hbm>>) target(%dma_start3A_205 : memref<512xi32, #tpu.memory_space<vmem>>) target_semaphore(%arg36 : memref<!tpu.dma_semaphore, #tpu.memory_space<semaphore_mem>>)
      %dma_start3A_207 = arith.constant 1024 : i32
      %dma_start3A_208 = tpu.memref_slice %arg10[%dma_start3A_207] : memref<3072xi32, #tpu.memory_space<vmem>> -> memref<512xi32, #tpu.memory_space<vmem>>
      %dma_start3A_209 = tpu.memref_slice %arg4[%add3A_200] : memref<960000xi32, #tpu.memory_space<hbm>> -> memref<512xi32, #tpu.memory_space<hbm>>
      %dma_start3A_210 = arith.constant 1024 : i32
      %dma_start3A_211 = tpu.memref_slice %arg10[%dma_start3A_210] : memref<3072xi32, #tpu.memory_space<vmem>> -> memref<512xi32, #tpu.memory_space<vmem>>
      %dma_start3A_212 = tpu.memref_slice %arg4[%add3A_200] : memref<960000xi32, #tpu.memory_space<hbm>> -> memref<512xi32, #tpu.memory_space<hbm>>
      tpu.enqueue_dma source(%dma_start3A_212 : memref<512xi32, #tpu.memory_space<hbm>>) target(%dma_start3A_211 : memref<512xi32, #tpu.memory_space<vmem>>) target_semaphore(%arg36 : memref<!tpu.dma_semaphore, #tpu.memory_space<semaphore_mem>>)
      %dma_start3A_213 = arith.constant 1024 : i32
      %dma_start3A_214 = tpu.memref_slice %arg12[%dma_start3A_213] : memref<3072xi32, #tpu.memory_space<vmem>> -> memref<512xi32, #tpu.memory_space<vmem>>
      %dma_start3A_215 = tpu.memref_slice %arg5[%add3A_200] : memref<960000xi32, #tpu.memory_space<hbm>> -> memref<512xi32, #tpu.memory_space<hbm>>
      %dma_start3A_216 = arith.constant 1024 : i32
      %dma_start3A_217 = tpu.memref_slice %arg12[%dma_start3A_216] : memref<3072xi32, #tpu.memory_space<vmem>> -> memref<512xi32, #tpu.memory_space<vmem>>
      %dma_start3A_218 = tpu.memref_slice %arg5[%add3A_200] : memref<960000xi32, #tpu.memory_space<hbm>> -> memref<512xi32, #tpu.memory_space<hbm>>
      tpu.enqueue_dma source(%dma_start3A_218 : memref<512xi32, #tpu.memory_space<hbm>>) target(%dma_start3A_217 : memref<512xi32, #tpu.memory_space<vmem>>) target_semaphore(%arg36 : memref<!tpu.dma_semaphore, #tpu.memory_space<semaphore_mem>>)
      %dma_start3A_219 = arith.constant 1024 : i32
      %dma_start3A_220 = tpu.memref_slice %arg14[%dma_start3A_219] : memref<3072xi32, #tpu.memory_space<vmem>> -> memref<512xi32, #tpu.memory_space<vmem>>
      %dma_start3A_221 = tpu.memref_slice %arg6[%add3A_200] : memref<960000xi32, #tpu.memory_space<hbm>> -> memref<512xi32, #tpu.memory_space<hbm>>
      %dma_start3A_222 = arith.constant 1024 : i32
      %dma_start3A_223 = tpu.memref_slice %arg14[%dma_start3A_222] : memref<3072xi32, #tpu.memory_space<vmem>> -> memref<512xi32, #tpu.memory_space<vmem>>
      %dma_start3A_224 = tpu.memref_slice %arg6[%add3A_200] : memref<960000xi32, #tpu.memory_space<hbm>> -> memref<512xi32, #tpu.memory_space<hbm>>
      tpu.enqueue_dma source(%dma_start3A_224 : memref<512xi32, #tpu.memory_space<hbm>>) target(%dma_start3A_223 : memref<512xi32, #tpu.memory_space<vmem>>) target_semaphore(%arg36 : memref<!tpu.dma_semaphore, #tpu.memory_space<semaphore_mem>>)
      %add3A_225 = arith.constant 480000 : i32
      %add3A_226 = arith.addi %add3A_225, %add3A_139 : i32
      %dma_start3A_227 = arith.constant 1536 : i32
      %dma_start3A_228 = tpu.memref_slice %arg8[%dma_start3A_227] : memref<3072xi32, #tpu.memory_space<vmem>> -> memref<512xi32, #tpu.memory_space<vmem>>
      %dma_start3A_229 = tpu.memref_slice %arg3[%add3A_226] : memref<960000xi32, #tpu.memory_space<hbm>> -> memref<512xi32, #tpu.memory_space<hbm>>
      %dma_start3A_230 = arith.constant 1536 : i32
      %dma_start3A_231 = tpu.memref_slice %arg8[%dma_start3A_230] : memref<3072xi32, #tpu.memory_space<vmem>> -> memref<512xi32, #tpu.memory_space<vmem>>
      %dma_start3A_232 = tpu.memref_slice %arg3[%add3A_226] : memref<960000xi32, #tpu.memory_space<hbm>> -> memref<512xi32, #tpu.memory_space<hbm>>
      tpu.enqueue_dma source(%dma_start3A_232 : memref<512xi32, #tpu.memory_space<hbm>>) target(%dma_start3A_231 : memref<512xi32, #tpu.memory_space<vmem>>) target_semaphore(%arg36 : memref<!tpu.dma_semaphore, #tpu.memory_space<semaphore_mem>>)
      %dma_start3A_233 = arith.constant 1536 : i32
      %dma_start3A_234 = tpu.memref_slice %arg10[%dma_start3A_233] : memref<3072xi32, #tpu.memory_space<vmem>> -> memref<512xi32, #tpu.memory_space<vmem>>
      %dma_start3A_235 = tpu.memref_slice %arg4[%add3A_226] : memref<960000xi32, #tpu.memory_space<hbm>> -> memref<512xi32, #tpu.memory_space<hbm>>
      %dma_start3A_236 = arith.constant 1536 : i32
      %dma_start3A_237 = tpu.memref_slice %arg10[%dma_start3A_236] : memref<3072xi32, #tpu.memory_space<vmem>> -> memref<512xi32, #tpu.memory_space<vmem>>
      %dma_start3A_238 = tpu.memref_slice %arg4[%add3A_226] : memref<960000xi32, #tpu.memory_space<hbm>> -> memref<512xi32, #tpu.memory_space<hbm>>
      tpu.enqueue_dma source(%dma_start3A_238 : memref<512xi32, #tpu.memory_space<hbm>>) target(%dma_start3A_237 : memref<512xi32, #tpu.memory_space<vmem>>) target_semaphore(%arg36 : memref<!tpu.dma_semaphore, #tpu.memory_space<semaphore_mem>>)
      %dma_start3A_239 = arith.constant 1536 : i32
      %dma_start3A_240 = tpu.memref_slice %arg12[%dma_start3A_239] : memref<3072xi32, #tpu.memory_space<vmem>> -> memref<512xi32, #tpu.memory_space<vmem>>
      %dma_start3A_241 = tpu.memref_slice %arg5[%add3A_226] : memref<960000xi32, #tpu.memory_space<hbm>> -> memref<512xi32, #tpu.memory_space<hbm>>
      %dma_start3A_242 = arith.constant 1536 : i32
      %dma_start3A_243 = tpu.memref_slice %arg12[%dma_start3A_242] : memref<3072xi32, #tpu.memory_space<vmem>> -> memref<512xi32, #tpu.memory_space<vmem>>
      %dma_start3A_244 = tpu.memref_slice %arg5[%add3A_226] : memref<960000xi32, #tpu.memory_space<hbm>> -> memref<512xi32, #tpu.memory_space<hbm>>
      tpu.enqueue_dma source(%dma_start3A_244 : memref<512xi32, #tpu.memory_space<hbm>>) target(%dma_start3A_243 : memref<512xi32, #tpu.memory_space<vmem>>) target_semaphore(%arg36 : memref<!tpu.dma_semaphore, #tpu.memory_space<semaphore_mem>>)
      %dma_start3A_245 = arith.constant 1536 : i32
      %dma_start3A_246 = tpu.memref_slice %arg14[%dma_start3A_245] : memref<3072xi32, #tpu.memory_space<vmem>> -> memref<512xi32, #tpu.memory_space<vmem>>
      %dma_start3A_247 = tpu.memref_slice %arg6[%add3A_226] : memref<960000xi32, #tpu.memory_space<hbm>> -> memref<512xi32, #tpu.memory_space<hbm>>
      %dma_start3A_248 = arith.constant 1536 : i32
      %dma_start3A_249 = tpu.memref_slice %arg14[%dma_start3A_248] : memref<3072xi32, #tpu.memory_space<vmem>> -> memref<512xi32, #tpu.memory_space<vmem>>
      %dma_start3A_250 = tpu.memref_slice %arg6[%add3A_226] : memref<960000xi32, #tpu.memory_space<hbm>> -> memref<512xi32, #tpu.memory_space<hbm>>
      tpu.enqueue_dma source(%dma_start3A_250 : memref<512xi32, #tpu.memory_space<hbm>>) target(%dma_start3A_249 : memref<512xi32, #tpu.memory_space<vmem>>) target_semaphore(%arg36 : memref<!tpu.dma_semaphore, #tpu.memory_space<semaphore_mem>>)
      %add3A_251 = arith.constant 640000 : i32
      %add3A_252 = arith.addi %add3A_251, %add3A_139 : i32
      %dma_start3A_253 = arith.constant 2048 : i32
      %dma_start3A_254 = tpu.memref_slice %arg8[%dma_start3A_253] : memref<3072xi32, #tpu.memory_space<vmem>> -> memref<512xi32, #tpu.memory_space<vmem>>
      %dma_start3A_255 = tpu.memref_slice %arg3[%add3A_252] : memref<960000xi32, #tpu.memory_space<hbm>> -> memref<512xi32, #tpu.memory_space<hbm>>
      %dma_start3A_256 = arith.constant 2048 : i32
      %dma_start3A_257 = tpu.memref_slice %arg8[%dma_start3A_256] : memref<3072xi32, #tpu.memory_space<vmem>> -> memref<512xi32, #tpu.memory_space<vmem>>
      %dma_start3A_258 = tpu.memref_slice %arg3[%add3A_252] : memref<960000xi32, #tpu.memory_space<hbm>> -> memref<512xi32, #tpu.memory_space<hbm>>
      tpu.enqueue_dma source(%dma_start3A_258 : memref<512xi32, #tpu.memory_space<hbm>>) target(%dma_start3A_257 : memref<512xi32, #tpu.memory_space<vmem>>) target_semaphore(%arg36 : memref<!tpu.dma_semaphore, #tpu.memory_space<semaphore_mem>>)
      %dma_start3A_259 = arith.constant 2048 : i32
      %dma_start3A_260 = tpu.memref_slice %arg10[%dma_start3A_259] : memref<3072xi32, #tpu.memory_space<vmem>> -> memref<512xi32, #tpu.memory_space<vmem>>
      %dma_start3A_261 = tpu.memref_slice %arg4[%add3A_252] : memref<960000xi32, #tpu.memory_space<hbm>> -> memref<512xi32, #tpu.memory_space<hbm>>
      %dma_start3A_262 = arith.constant 2048 : i32
      %dma_start3A_263 = tpu.memref_slice %arg10[%dma_start3A_262] : memref<3072xi32, #tpu.memory_space<vmem>> -> memref<512xi32, #tpu.memory_space<vmem>>
      %dma_start3A_264 = tpu.memref_slice %arg4[%add3A_252] : memref<960000xi32, #tpu.memory_space<hbm>> -> memref<512xi32, #tpu.memory_space<hbm>>
      tpu.enqueue_dma source(%dma_start3A_264 : memref<512xi32, #tpu.memory_space<hbm>>) target(%dma_start3A_263 : memref<512xi32, #tpu.memory_space<vmem>>) target_semaphore(%arg36 : memref<!tpu.dma_semaphore, #tpu.memory_space<semaphore_mem>>)
      %dma_start3A_265 = arith.constant 2048 : i32
      %dma_start3A_266 = tpu.memref_slice %arg12[%dma_start3A_265] : memref<3072xi32, #tpu.memory_space<vmem>> -> memref<512xi32, #tpu.memory_space<vmem>>
      %dma_start3A_267 = tpu.memref_slice %arg5[%add3A_252] : memref<960000xi32, #tpu.memory_space<hbm>> -> memref<512xi32, #tpu.memory_space<hbm>>
      %dma_start3A_268 = arith.constant 2048 : i32
      %dma_start3A_269 = tpu.memref_slice %arg12[%dma_start3A_268] : memref<3072xi32, #tpu.memory_space<vmem>> -> memref<512xi32, #tpu.memory_space<vmem>>
      %dma_start3A_270 = tpu.memref_slice %arg5[%add3A_252] : memref<960000xi32, #tpu.memory_space<hbm>> -> memref<512xi32, #tpu.memory_space<hbm>>
      tpu.enqueue_dma source(%dma_start3A_270 : memref<512xi32, #tpu.memory_space<hbm>>) target(%dma_start3A_269 : memref<512xi32, #tpu.memory_space<vmem>>) target_semaphore(%arg36 : memref<!tpu.dma_semaphore, #tpu.memory_space<semaphore_mem>>)
      %dma_start3A_271 = arith.constant 2048 : i32
      %dma_start3A_272 = tpu.memref_slice %arg14[%dma_start3A_271] : memref<3072xi32, #tpu.memory_space<vmem>> -> memref<512xi32, #tpu.memory_space<vmem>>
      %dma_start3A_273 = tpu.memref_slice %arg6[%add3A_252] : memref<960000xi32, #tpu.memory_space<hbm>> -> memref<512xi32, #tpu.memory_space<hbm>>
      %dma_start3A_274 = arith.constant 2048 : i32
      %dma_start3A_275 = tpu.memref_slice %arg14[%dma_start3A_274] : memref<3072xi32, #tpu.memory_space<vmem>> -> memref<512xi32, #tpu.memory_space<vmem>>
      %dma_start3A_276 = tpu.memref_slice %arg6[%add3A_252] : memref<960000xi32, #tpu.memory_space<hbm>> -> memref<512xi32, #tpu.memory_space<hbm>>
      tpu.enqueue_dma source(%dma_start3A_276 : memref<512xi32, #tpu.memory_space<hbm>>) target(%dma_start3A_275 : memref<512xi32, #tpu.memory_space<vmem>>) target_semaphore(%arg36 : memref<!tpu.dma_semaphore, #tpu.memory_space<semaphore_mem>>)
      %add3A_277 = arith.constant 800000 : i32
      %add3A_278 = arith.addi %add3A_277, %add3A_139 : i32
      %dma_start3A_279 = arith.constant 2560 : i32
      %dma_start3A_280 = tpu.memref_slice %arg8[%dma_start3A_279] : memref<3072xi32, #tpu.memory_space<vmem>> -> memref<512xi32, #tpu.memory_space<vmem>>
      %dma_start3A_281 = tpu.memref_slice %arg3[%add3A_278] : memref<960000xi32, #tpu.memory_space<hbm>> -> memref<512xi32, #tpu.memory_space<hbm>>
      %dma_start3A_282 = arith.constant 2560 : i32
      %dma_start3A_283 = tpu.memref_slice %arg8[%dma_start3A_282] : memref<3072xi32, #tpu.memory_space<vmem>> -> memref<512xi32, #tpu.memory_space<vmem>>
      %dma_start3A_284 = tpu.memref_slice %arg3[%add3A_278] : memref<960000xi32, #tpu.memory_space<hbm>> -> memref<512xi32, #tpu.memory_space<hbm>>
      tpu.enqueue_dma source(%dma_start3A_284 : memref<512xi32, #tpu.memory_space<hbm>>) target(%dma_start3A_283 : memref<512xi32, #tpu.memory_space<vmem>>) target_semaphore(%arg36 : memref<!tpu.dma_semaphore, #tpu.memory_space<semaphore_mem>>)
      %dma_start3A_285 = arith.constant 2560 : i32
      %dma_start3A_286 = tpu.memref_slice %arg10[%dma_start3A_285] : memref<3072xi32, #tpu.memory_space<vmem>> -> memref<512xi32, #tpu.memory_space<vmem>>
      %dma_start3A_287 = tpu.memref_slice %arg4[%add3A_278] : memref<960000xi32, #tpu.memory_space<hbm>> -> memref<512xi32, #tpu.memory_space<hbm>>
      %dma_start3A_288 = arith.constant 2560 : i32
      %dma_start3A_289 = tpu.memref_slice %arg10[%dma_start3A_288] : memref<3072xi32, #tpu.memory_space<vmem>> -> memref<512xi32, #tpu.memory_space<vmem>>
      %dma_start3A_290 = tpu.memref_slice %arg4[%add3A_278] : memref<960000xi32, #tpu.memory_space<hbm>> -> memref<512xi32, #tpu.memory_space<hbm>>
      tpu.enqueue_dma source(%dma_start3A_290 : memref<512xi32, #tpu.memory_space<hbm>>) target(%dma_start3A_289 : memref<512xi32, #tpu.memory_space<vmem>>) target_semaphore(%arg36 : memref<!tpu.dma_semaphore, #tpu.memory_space<semaphore_mem>>)
      %dma_start3A_291 = arith.constant 2560 : i32
      %dma_start3A_292 = tpu.memref_slice %arg12[%dma_start3A_291] : memref<3072xi32, #tpu.memory_space<vmem>> -> memref<512xi32, #tpu.memory_space<vmem>>
      %dma_start3A_293 = tpu.memref_slice %arg5[%add3A_278] : memref<960000xi32, #tpu.memory_space<hbm>> -> memref<512xi32, #tpu.memory_space<hbm>>
      %dma_start3A_294 = arith.constant 2560 : i32
      %dma_start3A_295 = tpu.memref_slice %arg12[%dma_start3A_294] : memref<3072xi32, #tpu.memory_space<vmem>> -> memref<512xi32, #tpu.memory_space<vmem>>
      %dma_start3A_296 = tpu.memref_slice %arg5[%add3A_278] : memref<960000xi32, #tpu.memory_space<hbm>> -> memref<512xi32, #tpu.memory_space<hbm>>
      tpu.enqueue_dma source(%dma_start3A_296 : memref<512xi32, #tpu.memory_space<hbm>>) target(%dma_start3A_295 : memref<512xi32, #tpu.memory_space<vmem>>) target_semaphore(%arg36 : memref<!tpu.dma_semaphore, #tpu.memory_space<semaphore_mem>>)
      %dma_start3A_297 = arith.constant 2560 : i32
      %dma_start3A_298 = tpu.memref_slice %arg14[%dma_start3A_297] : memref<3072xi32, #tpu.memory_space<vmem>> -> memref<512xi32, #tpu.memory_space<vmem>>
      %dma_start3A_299 = tpu.memref_slice %arg6[%add3A_278] : memref<960000xi32, #tpu.memory_space<hbm>> -> memref<512xi32, #tpu.memory_space<hbm>>
      %dma_start3A_300 = arith.constant 2560 : i32
      %dma_start3A_301 = tpu.memref_slice %arg14[%dma_start3A_300] : memref<3072xi32, #tpu.memory_space<vmem>> -> memref<512xi32, #tpu.memory_space<vmem>>
      %dma_start3A_302 = tpu.memref_slice %arg6[%add3A_278] : memref<960000xi32, #tpu.memory_space<hbm>> -> memref<512xi32, #tpu.memory_space<hbm>>
      tpu.enqueue_dma source(%dma_start3A_302 : memref<512xi32, #tpu.memory_space<hbm>>) target(%dma_start3A_301 : memref<512xi32, #tpu.memory_space<vmem>>) target_semaphore(%arg36 : memref<!tpu.dma_semaphore, #tpu.memory_space<semaphore_mem>>)
      %add3A_303 = arith.constant 0 : i32
      %add3A_304 = arith.addi %add3A_303, %add3A_146 : i32
      %dma_start3A_305 = arith.constant 0 : i32
      %dma_start3A_306 = tpu.memref_slice %arg9[%dma_start3A_305] : memref<3072xi32, #tpu.memory_space<vmem>> -> memref<512xi32, #tpu.memory_space<vmem>>
      %dma_start3A_307 = tpu.memref_slice %arg3[%add3A_304] : memref<960000xi32, #tpu.memory_space<hbm>> -> memref<512xi32, #tpu.memory_space<hbm>>
      %dma_start3A_308 = arith.constant 0 : i32
      %dma_start3A_309 = tpu.memref_slice %arg9[%dma_start3A_308] : memref<3072xi32, #tpu.memory_space<vmem>> -> memref<512xi32, #tpu.memory_space<vmem>>
      %dma_start3A_310 = tpu.memref_slice %arg3[%add3A_304] : memref<960000xi32, #tpu.memory_space<hbm>> -> memref<512xi32, #tpu.memory_space<hbm>>
      tpu.enqueue_dma source(%dma_start3A_310 : memref<512xi32, #tpu.memory_space<hbm>>) target(%dma_start3A_309 : memref<512xi32, #tpu.memory_space<vmem>>) target_semaphore(%arg37 : memref<!tpu.dma_semaphore, #tpu.memory_space<semaphore_mem>>)
      %dma_start3A_311 = arith.constant 0 : i32
      %dma_start3A_312 = tpu.memref_slice %arg11[%dma_start3A_311] : memref<3072xi32, #tpu.memory_space<vmem>> -> memref<512xi32, #tpu.memory_space<vmem>>
      %dma_start3A_313 = tpu.memref_slice %arg4[%add3A_304] : memref<960000xi32, #tpu.memory_space<hbm>> -> memref<512xi32, #tpu.memory_space<hbm>>
      %dma_start3A_314 = arith.constant 0 : i32
      %dma_start3A_315 = tpu.memref_slice %arg11[%dma_start3A_314] : memref<3072xi32, #tpu.memory_space<vmem>> -> memref<512xi32, #tpu.memory_space<vmem>>
      %dma_start3A_316 = tpu.memref_slice %arg4[%add3A_304] : memref<960000xi32, #tpu.memory_space<hbm>> -> memref<512xi32, #tpu.memory_space<hbm>>
      tpu.enqueue_dma source(%dma_start3A_316 : memref<512xi32, #tpu.memory_space<hbm>>) target(%dma_start3A_315 : memref<512xi32, #tpu.memory_space<vmem>>) target_semaphore(%arg37 : memref<!tpu.dma_semaphore, #tpu.memory_space<semaphore_mem>>)
      %dma_start3A_317 = arith.constant 0 : i32
      %dma_start3A_318 = tpu.memref_slice %arg13[%dma_start3A_317] : memref<3072xi32, #tpu.memory_space<vmem>> -> memref<512xi32, #tpu.memory_space<vmem>>
      %dma_start3A_319 = tpu.memref_slice %arg5[%add3A_304] : memref<960000xi32, #tpu.memory_space<hbm>> -> memref<512xi32, #tpu.memory_space<hbm>>
      %dma_start3A_320 = arith.constant 0 : i32
      %dma_start3A_321 = tpu.memref_slice %arg13[%dma_start3A_320] : memref<3072xi32, #tpu.memory_space<vmem>> -> memref<512xi32, #tpu.memory_space<vmem>>
      %dma_start3A_322 = tpu.memref_slice %arg5[%add3A_304] : memref<960000xi32, #tpu.memory_space<hbm>> -> memref<512xi32, #tpu.memory_space<hbm>>
      tpu.enqueue_dma source(%dma_start3A_322 : memref<512xi32, #tpu.memory_space<hbm>>) target(%dma_start3A_321 : memref<512xi32, #tpu.memory_space<vmem>>) target_semaphore(%arg37 : memref<!tpu.dma_semaphore, #tpu.memory_space<semaphore_mem>>)
      %dma_start3A_323 = arith.constant 0 : i32
      %dma_start3A_324 = tpu.memref_slice %arg15[%dma_start3A_323] : memref<3072xi32, #tpu.memory_space<vmem>> -> memref<512xi32, #tpu.memory_space<vmem>>
      %dma_start3A_325 = tpu.memref_slice %arg6[%add3A_304] : memref<960000xi32, #tpu.memory_space<hbm>> -> memref<512xi32, #tpu.memory_space<hbm>>
      %dma_start3A_326 = arith.constant 0 : i32
      %dma_start3A_327 = tpu.memref_slice %arg15[%dma_start3A_326] : memref<3072xi32, #tpu.memory_space<vmem>> -> memref<512xi32, #tpu.memory_space<vmem>>
      %dma_start3A_328 = tpu.memref_slice %arg6[%add3A_304] : memref<960000xi32, #tpu.memory_space<hbm>> -> memref<512xi32, #tpu.memory_space<hbm>>
      tpu.enqueue_dma source(%dma_start3A_328 : memref<512xi32, #tpu.memory_space<hbm>>) target(%dma_start3A_327 : memref<512xi32, #tpu.memory_space<vmem>>) target_semaphore(%arg37 : memref<!tpu.dma_semaphore, #tpu.memory_space<semaphore_mem>>)
      %add3A_329 = arith.constant 160000 : i32
      %add3A_330 = arith.addi %add3A_329, %add3A_146 : i32
      %dma_start3A_331 = arith.constant 512 : i32
      %dma_start3A_332 = tpu.memref_slice %arg9[%dma_start3A_331] : memref<3072xi32, #tpu.memory_space<vmem>> -> memref<512xi32, #tpu.memory_space<vmem>>
      %dma_start3A_333 = tpu.memref_slice %arg3[%add3A_330] : memref<960000xi32, #tpu.memory_space<hbm>> -> memref<512xi32, #tpu.memory_space<hbm>>
      %dma_start3A_334 = arith.constant 512 : i32
      %dma_start3A_335 = tpu.memref_slice %arg9[%dma_start3A_334] : memref<3072xi32, #tpu.memory_space<vmem>> -> memref<512xi32, #tpu.memory_space<vmem>>
      %dma_start3A_336 = tpu.memref_slice %arg3[%add3A_330] : memref<960000xi32, #tpu.memory_space<hbm>> -> memref<512xi32, #tpu.memory_space<hbm>>
      tpu.enqueue_dma source(%dma_start3A_336 : memref<512xi32, #tpu.memory_space<hbm>>) target(%dma_start3A_335 : memref<512xi32, #tpu.memory_space<vmem>>) target_semaphore(%arg37 : memref<!tpu.dma_semaphore, #tpu.memory_space<semaphore_mem>>)
      %dma_start3A_337 = arith.constant 512 : i32
      %dma_start3A_338 = tpu.memref_slice %arg11[%dma_start3A_337] : memref<3072xi32, #tpu.memory_space<vmem>> -> memref<512xi32, #tpu.memory_space<vmem>>
      %dma_start3A_339 = tpu.memref_slice %arg4[%add3A_330] : memref<960000xi32, #tpu.memory_space<hbm>> -> memref<512xi32, #tpu.memory_space<hbm>>
      %dma_start3A_340 = arith.constant 512 : i32
      %dma_start3A_341 = tpu.memref_slice %arg11[%dma_start3A_340] : memref<3072xi32, #tpu.memory_space<vmem>> -> memref<512xi32, #tpu.memory_space<vmem>>
      %dma_start3A_342 = tpu.memref_slice %arg4[%add3A_330] : memref<960000xi32, #tpu.memory_space<hbm>> -> memref<512xi32, #tpu.memory_space<hbm>>
      tpu.enqueue_dma source(%dma_start3A_342 : memref<512xi32, #tpu.memory_space<hbm>>) target(%dma_start3A_341 : memref<512xi32, #tpu.memory_space<vmem>>) target_semaphore(%arg37 : memref<!tpu.dma_semaphore, #tpu.memory_space<semaphore_mem>>)
      %dma_start3A_343 = arith.constant 512 : i32
      %dma_start3A_344 = tpu.memref_slice %arg13[%dma_start3A_343] : memref<3072xi32, #tpu.memory_space<vmem>> -> memref<512xi32, #tpu.memory_space<vmem>>
      %dma_start3A_345 = tpu.memref_slice %arg5[%add3A_330] : memref<960000xi32, #tpu.memory_space<hbm>> -> memref<512xi32, #tpu.memory_space<hbm>>
      %dma_start3A_346 = arith.constant 512 : i32
      %dma_start3A_347 = tpu.memref_slice %arg13[%dma_start3A_346] : memref<3072xi32, #tpu.memory_space<vmem>> -> memref<512xi32, #tpu.memory_space<vmem>>
      %dma_start3A_348 = tpu.memref_slice %arg5[%add3A_330] : memref<960000xi32, #tpu.memory_space<hbm>> -> memref<512xi32, #tpu.memory_space<hbm>>
      tpu.enqueue_dma source(%dma_start3A_348 : memref<512xi32, #tpu.memory_space<hbm>>) target(%dma_start3A_347 : memref<512xi32, #tpu.memory_space<vmem>>) target_semaphore(%arg37 : memref<!tpu.dma_semaphore, #tpu.memory_space<semaphore_mem>>)
      %dma_start3A_349 = arith.constant 512 : i32
      %dma_start3A_350 = tpu.memref_slice %arg15[%dma_start3A_349] : memref<3072xi32, #tpu.memory_space<vmem>> -> memref<512xi32, #tpu.memory_space<vmem>>
      %dma_start3A_351 = tpu.memref_slice %arg6[%add3A_330] : memref<960000xi32, #tpu.memory_space<hbm>> -> memref<512xi32, #tpu.memory_space<hbm>>
      %dma_start3A_352 = arith.constant 512 : i32
      %dma_start3A_353 = tpu.memref_slice %arg15[%dma_start3A_352] : memref<3072xi32, #tpu.memory_space<vmem>> -> memref<512xi32, #tpu.memory_space<vmem>>
      %dma_start3A_354 = tpu.memref_slice %arg6[%add3A_330] : memref<960000xi32, #tpu.memory_space<hbm>> -> memref<512xi32, #tpu.memory_space<hbm>>
      tpu.enqueue_dma source(%dma_start3A_354 : memref<512xi32, #tpu.memory_space<hbm>>) target(%dma_start3A_353 : memref<512xi32, #tpu.memory_space<vmem>>) target_semaphore(%arg37 : memref<!tpu.dma_semaphore, #tpu.memory_space<semaphore_mem>>)
      %add3A_355 = arith.constant 320000 : i32
      %add3A_356 = arith.addi %add3A_355, %add3A_146 : i32
      %dma_start3A_357 = arith.constant 1024 : i32
      %dma_start3A_358 = tpu.memref_slice %arg9[%dma_start3A_357] : memref<3072xi32, #tpu.memory_space<vmem>> -> memref<512xi32, #tpu.memory_space<vmem>>
      %dma_start3A_359 = tpu.memref_slice %arg3[%add3A_356] : memref<960000xi32, #tpu.memory_space<hbm>> -> memref<512xi32, #tpu.memory_space<hbm>>
      %dma_start3A_360 = arith.constant 1024 : i32
      %dma_start3A_361 = tpu.memref_slice %arg9[%dma_start3A_360] : memref<3072xi32, #tpu.memory_space<vmem>> -> memref<512xi32, #tpu.memory_space<vmem>>
      %dma_start3A_362 = tpu.memref_slice %arg3[%add3A_356] : memref<960000xi32, #tpu.memory_space<hbm>> -> memref<512xi32, #tpu.memory_space<hbm>>
      tpu.enqueue_dma source(%dma_start3A_362 : memref<512xi32, #tpu.memory_space<hbm>>) target(%dma_start3A_361 : memref<512xi32, #tpu.memory_space<vmem>>) target_semaphore(%arg37 : memref<!tpu.dma_semaphore, #tpu.memory_space<semaphore_mem>>)
      %dma_start3A_363 = arith.constant 1024 : i32
      %dma_start3A_364 = tpu.memref_slice %arg11[%dma_start3A_363] : memref<3072xi32, #tpu.memory_space<vmem>> -> memref<512xi32, #tpu.memory_space<vmem>>
      %dma_start3A_365 = tpu.memref_slice %arg4[%add3A_356] : memref<960000xi32, #tpu.memory_space<hbm>> -> memref<512xi32, #tpu.memory_space<hbm>>
      %dma_start3A_366 = arith.constant 1024 : i32
      %dma_start3A_367 = tpu.memref_slice %arg11[%dma_start3A_366] : memref<3072xi32, #tpu.memory_space<vmem>> -> memref<512xi32, #tpu.memory_space<vmem>>
      %dma_start3A_368 = tpu.memref_slice %arg4[%add3A_356] : memref<960000xi32, #tpu.memory_space<hbm>> -> memref<512xi32, #tpu.memory_space<hbm>>
      tpu.enqueue_dma source(%dma_start3A_368 : memref<512xi32, #tpu.memory_space<hbm>>) target(%dma_start3A_367 : memref<512xi32, #tpu.memory_space<vmem>>) target_semaphore(%arg37 : memref<!tpu.dma_semaphore, #tpu.memory_space<semaphore_mem>>)
      %dma_start3A_369 = arith.constant 1024 : i32
      %dma_start3A_370 = tpu.memref_slice %arg13[%dma_start3A_369] : memref<3072xi32, #tpu.memory_space<vmem>> -> memref<512xi32, #tpu.memory_space<vmem>>
      %dma_start3A_371 = tpu.memref_slice %arg5[%add3A_356] : memref<960000xi32, #tpu.memory_space<hbm>> -> memref<512xi32, #tpu.memory_space<hbm>>
      %dma_start3A_372 = arith.constant 1024 : i32
      %dma_start3A_373 = tpu.memref_slice %arg13[%dma_start3A_372] : memref<3072xi32, #tpu.memory_space<vmem>> -> memref<512xi32, #tpu.memory_space<vmem>>
      %dma_start3A_374 = tpu.memref_slice %arg5[%add3A_356] : memref<960000xi32, #tpu.memory_space<hbm>> -> memref<512xi32, #tpu.memory_space<hbm>>
      tpu.enqueue_dma source(%dma_start3A_374 : memref<512xi32, #tpu.memory_space<hbm>>) target(%dma_start3A_373 : memref<512xi32, #tpu.memory_space<vmem>>) target_semaphore(%arg37 : memref<!tpu.dma_semaphore, #tpu.memory_space<semaphore_mem>>)
      %dma_start3A_375 = arith.constant 1024 : i32
      %dma_start3A_376 = tpu.memref_slice %arg15[%dma_start3A_375] : memref<3072xi32, #tpu.memory_space<vmem>> -> memref<512xi32, #tpu.memory_space<vmem>>
      %dma_start3A_377 = tpu.memref_slice %arg6[%add3A_356] : memref<960000xi32, #tpu.memory_space<hbm>> -> memref<512xi32, #tpu.memory_space<hbm>>
      %dma_start3A_378 = arith.constant 1024 : i32
      %dma_start3A_379 = tpu.memref_slice %arg15[%dma_start3A_378] : memref<3072xi32, #tpu.memory_space<vmem>> -> memref<512xi32, #tpu.memory_space<vmem>>
      %dma_start3A_380 = tpu.memref_slice %arg6[%add3A_356] : memref<960000xi32, #tpu.memory_space<hbm>> -> memref<512xi32, #tpu.memory_space<hbm>>
      tpu.enqueue_dma source(%dma_start3A_380 : memref<512xi32, #tpu.memory_space<hbm>>) target(%dma_start3A_379 : memref<512xi32, #tpu.memory_space<vmem>>) target_semaphore(%arg37 : memref<!tpu.dma_semaphore, #tpu.memory_space<semaphore_mem>>)
      %add3A_381 = arith.constant 480000 : i32
      %add3A_382 = arith.addi %add3A_381, %add3A_146 : i32
      %dma_start3A_383 = arith.constant 1536 : i32
      %dma_start3A_384 = tpu.memref_slice %arg9[%dma_start3A_383] : memref<3072xi32, #tpu.memory_space<vmem>> -> memref<512xi32, #tpu.memory_space<vmem>>
      %dma_start3A_385 = tpu.memref_slice %arg3[%add3A_382] : memref<960000xi32, #tpu.memory_space<hbm>> -> memref<512xi32, #tpu.memory_space<hbm>>
      %dma_start3A_386 = arith.constant 1536 : i32
      %dma_start3A_387 = tpu.memref_slice %arg9[%dma_start3A_386] : memref<3072xi32, #tpu.memory_space<vmem>> -> memref<512xi32, #tpu.memory_space<vmem>>
      %dma_start3A_388 = tpu.memref_slice %arg3[%add3A_382] : memref<960000xi32, #tpu.memory_space<hbm>> -> memref<512xi32, #tpu.memory_space<hbm>>
      tpu.enqueue_dma source(%dma_start3A_388 : memref<512xi32, #tpu.memory_space<hbm>>) target(%dma_start3A_387 : memref<512xi32, #tpu.memory_space<vmem>>) target_semaphore(%arg37 : memref<!tpu.dma_semaphore, #tpu.memory_space<semaphore_mem>>)
      %dma_start3A_389 = arith.constant 1536 : i32
      %dma_start3A_390 = tpu.memref_slice %arg11[%dma_start3A_389] : memref<3072xi32, #tpu.memory_space<vmem>> -> memref<512xi32, #tpu.memory_space<vmem>>
      %dma_start3A_391 = tpu.memref_slice %arg4[%add3A_382] : memref<960000xi32, #tpu.memory_space<hbm>> -> memref<512xi32, #tpu.memory_space<hbm>>
      %dma_start3A_392 = arith.constant 1536 : i32
      %dma_start3A_393 = tpu.memref_slice %arg11[%dma_start3A_392] : memref<3072xi32, #tpu.memory_space<vmem>> -> memref<512xi32, #tpu.memory_space<vmem>>
      %dma_start3A_394 = tpu.memref_slice %arg4[%add3A_382] : memref<960000xi32, #tpu.memory_space<hbm>> -> memref<512xi32, #tpu.memory_space<hbm>>
      tpu.enqueue_dma source(%dma_start3A_394 : memref<512xi32, #tpu.memory_space<hbm>>) target(%dma_start3A_393 : memref<512xi32, #tpu.memory_space<vmem>>) target_semaphore(%arg37 : memref<!tpu.dma_semaphore, #tpu.memory_space<semaphore_mem>>)
      %dma_start3A_395 = arith.constant 1536 : i32
      %dma_start3A_396 = tpu.memref_slice %arg13[%dma_start3A_395] : memref<3072xi32, #tpu.memory_space<vmem>> -> memref<512xi32, #tpu.memory_space<vmem>>
      %dma_start3A_397 = tpu.memref_slice %arg5[%add3A_382] : memref<960000xi32, #tpu.memory_space<hbm>> -> memref<512xi32, #tpu.memory_space<hbm>>
      %dma_start3A_398 = arith.constant 1536 : i32
      %dma_start3A_399 = tpu.memref_slice %arg13[%dma_start3A_398] : memref<3072xi32, #tpu.memory_space<vmem>> -> memref<512xi32, #tpu.memory_space<vmem>>
      %dma_start3A_400 = tpu.memref_slice %arg5[%add3A_382] : memref<960000xi32, #tpu.memory_space<hbm>> -> memref<512xi32, #tpu.memory_space<hbm>>
      tpu.enqueue_dma source(%dma_start3A_400 : memref<512xi32, #tpu.memory_space<hbm>>) target(%dma_start3A_399 : memref<512xi32, #tpu.memory_space<vmem>>) target_semaphore(%arg37 : memref<!tpu.dma_semaphore, #tpu.memory_space<semaphore_mem>>)
      %dma_start3A_401 = arith.constant 1536 : i32
      %dma_start3A_402 = tpu.memref_slice %arg15[%dma_start3A_401] : memref<3072xi32, #tpu.memory_space<vmem>> -> memref<512xi32, #tpu.memory_space<vmem>>
      %dma_start3A_403 = tpu.memref_slice %arg6[%add3A_382] : memref<960000xi32, #tpu.memory_space<hbm>> -> memref<512xi32, #tpu.memory_space<hbm>>
      %dma_start3A_404 = arith.constant 1536 : i32
      %dma_start3A_405 = tpu.memref_slice %arg15[%dma_start3A_404] : memref<3072xi32, #tpu.memory_space<vmem>> -> memref<512xi32, #tpu.memory_space<vmem>>
      %dma_start3A_406 = tpu.memref_slice %arg6[%add3A_382] : memref<960000xi32, #tpu.memory_space<hbm>> -> memref<512xi32, #tpu.memory_space<hbm>>
      tpu.enqueue_dma source(%dma_start3A_406 : memref<512xi32, #tpu.memory_space<hbm>>) target(%dma_start3A_405 : memref<512xi32, #tpu.memory_space<vmem>>) target_semaphore(%arg37 : memref<!tpu.dma_semaphore, #tpu.memory_space<semaphore_mem>>)
      %add3A_407 = arith.constant 640000 : i32
      %add3A_408 = arith.addi %add3A_407, %add3A_146 : i32
      %dma_start3A_409 = arith.constant 2048 : i32
      %dma_start3A_410 = tpu.memref_slice %arg9[%dma_start3A_409] : memref<3072xi32, #tpu.memory_space<vmem>> -> memref<512xi32, #tpu.memory_space<vmem>>
      %dma_start3A_411 = tpu.memref_slice %arg3[%add3A_408] : memref<960000xi32, #tpu.memory_space<hbm>> -> memref<512xi32, #tpu.memory_space<hbm>>
      %dma_start3A_412 = arith.constant 2048 : i32
      %dma_start3A_413 = tpu.memref_slice %arg9[%dma_start3A_412] : memref<3072xi32, #tpu.memory_space<vmem>> -> memref<512xi32, #tpu.memory_space<vmem>>
      %dma_start3A_414 = tpu.memref_slice %arg3[%add3A_408] : memref<960000xi32, #tpu.memory_space<hbm>> -> memref<512xi32, #tpu.memory_space<hbm>>
      tpu.enqueue_dma source(%dma_start3A_414 : memref<512xi32, #tpu.memory_space<hbm>>) target(%dma_start3A_413 : memref<512xi32, #tpu.memory_space<vmem>>) target_semaphore(%arg37 : memref<!tpu.dma_semaphore, #tpu.memory_space<semaphore_mem>>)
      %dma_start3A_415 = arith.constant 2048 : i32
      %dma_start3A_416 = tpu.memref_slice %arg11[%dma_start3A_415] : memref<3072xi32, #tpu.memory_space<vmem>> -> memref<512xi32, #tpu.memory_space<vmem>>
      %dma_start3A_417 = tpu.memref_slice %arg4[%add3A_408] : memref<960000xi32, #tpu.memory_space<hbm>> -> memref<512xi32, #tpu.memory_space<hbm>>
      %dma_start3A_418 = arith.constant 2048 : i32
      %dma_start3A_419 = tpu.memref_slice %arg11[%dma_start3A_418] : memref<3072xi32, #tpu.memory_space<vmem>> -> memref<512xi32, #tpu.memory_space<vmem>>
      %dma_start3A_420 = tpu.memref_slice %arg4[%add3A_408] : memref<960000xi32, #tpu.memory_space<hbm>> -> memref<512xi32, #tpu.memory_space<hbm>>
      tpu.enqueue_dma source(%dma_start3A_420 : memref<512xi32, #tpu.memory_space<hbm>>) target(%dma_start3A_419 : memref<512xi32, #tpu.memory_space<vmem>>) target_semaphore(%arg37 : memref<!tpu.dma_semaphore, #tpu.memory_space<semaphore_mem>>)
      %dma_start3A_421 = arith.constant 2048 : i32
      %dma_start3A_422 = tpu.memref_slice %arg13[%dma_start3A_421] : memref<3072xi32, #tpu.memory_space<vmem>> -> memref<512xi32, #tpu.memory_space<vmem>>
      %dma_start3A_423 = tpu.memref_slice %arg5[%add3A_408] : memref<960000xi32, #tpu.memory_space<hbm>> -> memref<512xi32, #tpu.memory_space<hbm>>
      %dma_start3A_424 = arith.constant 2048 : i32
      %dma_start3A_425 = tpu.memref_slice %arg13[%dma_start3A_424] : memref<3072xi32, #tpu.memory_space<vmem>> -> memref<512xi32, #tpu.memory_space<vmem>>
      %dma_start3A_426 = tpu.memref_slice %arg5[%add3A_408] : memref<960000xi32, #tpu.memory_space<hbm>> -> memref<512xi32, #tpu.memory_space<hbm>>
      tpu.enqueue_dma source(%dma_start3A_426 : memref<512xi32, #tpu.memory_space<hbm>>) target(%dma_start3A_425 : memref<512xi32, #tpu.memory_space<vmem>>) target_semaphore(%arg37 : memref<!tpu.dma_semaphore, #tpu.memory_space<semaphore_mem>>)
      %dma_start3A_427 = arith.constant 2048 : i32
      %dma_start3A_428 = tpu.memref_slice %arg15[%dma_start3A_427] : memref<3072xi32, #tpu.memory_space<vmem>> -> memref<512xi32, #tpu.memory_space<vmem>>
      %dma_start3A_429 = tpu.memref_slice %arg6[%add3A_408] : memref<960000xi32, #tpu.memory_space<hbm>> -> memref<512xi32, #tpu.memory_space<hbm>>
      %dma_start3A_430 = arith.constant 2048 : i32
      %dma_start3A_431 = tpu.memref_slice %arg15[%dma_start3A_430] : memref<3072xi32, #tpu.memory_space<vmem>> -> memref<512xi32, #tpu.memory_space<vmem>>
      %dma_start3A_432 = tpu.memref_slice %arg6[%add3A_408] : memref<960000xi32, #tpu.memory_space<hbm>> -> memref<512xi32, #tpu.memory_space<hbm>>
      tpu.enqueue_dma source(%dma_start3A_432 : memref<512xi32, #tpu.memory_space<hbm>>) target(%dma_start3A_431 : memref<512xi32, #tpu.memory_space<vmem>>) target_semaphore(%arg37 : memref<!tpu.dma_semaphore, #tpu.memory_space<semaphore_mem>>)
      %add3A_433 = arith.constant 800000 : i32
      %add3A_434 = arith.addi %add3A_433, %add3A_146 : i32
      %dma_start3A_435 = arith.constant 2560 : i32
      %dma_start3A_436 = tpu.memref_slice %arg9[%dma_start3A_435] : memref<3072xi32, #tpu.memory_space<vmem>> -> memref<512xi32, #tpu.memory_space<vmem>>
      %dma_start3A_437 = tpu.memref_slice %arg3[%add3A_434] : memref<960000xi32, #tpu.memory_space<hbm>> -> memref<512xi32, #tpu.memory_space<hbm>>
      %dma_start3A_438 = arith.constant 2560 : i32
      %dma_start3A_439 = tpu.memref_slice %arg9[%dma_start3A_438] : memref<3072xi32, #tpu.memory_space<vmem>> -> memref<512xi32, #tpu.memory_space<vmem>>
      %dma_start3A_440 = tpu.memref_slice %arg3[%add3A_434] : memref<960000xi32, #tpu.memory_space<hbm>> -> memref<512xi32, #tpu.memory_space<hbm>>
      tpu.enqueue_dma source(%dma_start3A_440 : memref<512xi32, #tpu.memory_space<hbm>>) target(%dma_start3A_439 : memref<512xi32, #tpu.memory_space<vmem>>) target_semaphore(%arg37 : memref<!tpu.dma_semaphore, #tpu.memory_space<semaphore_mem>>)
      %dma_start3A_441 = arith.constant 2560 : i32
      %dma_start3A_442 = tpu.memref_slice %arg11[%dma_start3A_441] : memref<3072xi32, #tpu.memory_space<vmem>> -> memref<512xi32, #tpu.memory_space<vmem>>
      %dma_start3A_443 = tpu.memref_slice %arg4[%add3A_434] : memref<960000xi32, #tpu.memory_space<hbm>> -> memref<512xi32, #tpu.memory_space<hbm>>
      %dma_start3A_444 = arith.constant 2560 : i32
      %dma_start3A_445 = tpu.memref_slice %arg11[%dma_start3A_444] : memref<3072xi32, #tpu.memory_space<vmem>> -> memref<512xi32, #tpu.memory_space<vmem>>
      %dma_start3A_446 = tpu.memref_slice %arg4[%add3A_434] : memref<960000xi32, #tpu.memory_space<hbm>> -> memref<512xi32, #tpu.memory_space<hbm>>
      tpu.enqueue_dma source(%dma_start3A_446 : memref<512xi32, #tpu.memory_space<hbm>>) target(%dma_start3A_445 : memref<512xi32, #tpu.memory_space<vmem>>) target_semaphore(%arg37 : memref<!tpu.dma_semaphore, #tpu.memory_space<semaphore_mem>>)
      %dma_start3A_447 = arith.constant 2560 : i32
      %dma_start3A_448 = tpu.memref_slice %arg13[%dma_start3A_447] : memref<3072xi32, #tpu.memory_space<vmem>> -> memref<512xi32, #tpu.memory_space<vmem>>
      %dma_start3A_449 = tpu.memref_slice %arg5[%add3A_434] : memref<960000xi32, #tpu.memory_space<hbm>> -> memref<512xi32, #tpu.memory_space<hbm>>
      %dma_start3A_450 = arith.constant 2560 : i32
      %dma_start3A_451 = tpu.memref_slice %arg13[%dma_start3A_450] : memref<3072xi32, #tpu.memory_space<vmem>> -> memref<512xi32, #tpu.memory_space<vmem>>
      %dma_start3A_452 = tpu.memref_slice %arg5[%add3A_434] : memref<960000xi32, #tpu.memory_space<hbm>> -> memref<512xi32, #tpu.memory_space<hbm>>
      tpu.enqueue_dma source(%dma_start3A_452 : memref<512xi32, #tpu.memory_space<hbm>>) target(%dma_start3A_451 : memref<512xi32, #tpu.memory_space<vmem>>) target_semaphore(%arg37 : memref<!tpu.dma_semaphore, #tpu.memory_space<semaphore_mem>>)
      %dma_start3A_453 = arith.constant 2560 : i32
      %dma_start3A_454 = tpu.memref_slice %arg15[%dma_start3A_453] : memref<3072xi32, #tpu.memory_space<vmem>> -> memref<512xi32, #tpu.memory_space<vmem>>
      %dma_start3A_455 = tpu.memref_slice %arg6[%add3A_434] : memref<960000xi32, #tpu.memory_space<hbm>> -> memref<512xi32, #tpu.memory_space<hbm>>
      %dma_start3A_456 = arith.constant 2560 : i32
      %dma_start3A_457 = tpu.memref_slice %arg15[%dma_start3A_456] : memref<3072xi32, #tpu.memory_space<vmem>> -> memref<512xi32, #tpu.memory_space<vmem>>
      %dma_start3A_458 = tpu.memref_slice %arg6[%add3A_434] : memref<960000xi32, #tpu.memory_space<hbm>> -> memref<512xi32, #tpu.memory_space<hbm>>
      tpu.enqueue_dma source(%dma_start3A_458 : memref<512xi32, #tpu.memory_space<hbm>>) target(%dma_start3A_457 : memref<512xi32, #tpu.memory_space<vmem>>) target_semaphore(%arg37 : memref<!tpu.dma_semaphore, #tpu.memory_space<semaphore_mem>>)
      %gt3A = arith.constant 0 : i32
      %gt3A_459 = arith.cmpi sgt, %scan3A_132, %gt3A : i32
      %convert_element_type3A = arith.extui %gt3A_459 : i1 to i32
      %cond3A = arith.constant 0 : i32
      %cond3A_460 = arith.cmpi ne, %convert_element_type3A, %cond3A : i32
      scf.if %cond3A_460 {
        %sub3A = arith.constant 1 : i32
        %sub3A_825 = arith.subi %scan3A_132, %sub3A : i32
        %gt3A_826 = arith.constant 1 : i32
        %gt3A_827 = arith.cmpi sgt, %scan3A_132, %gt3A_826 : i32
        %mul3A_828 = arith.constant 2 : i32
        %mul3A_829 = arith.muli %sub3A_825, %mul3A_828 : i32
        %add3A_830 = arith.constant 0 : i32
        %add3A_831 = arith.addi %mul3A_829, %add3A_830 : i32
        %mul3A_832 = arith.constant 512 : i32
        %mul3A_833 = arith.muli %add3A_831, %mul3A_832 : i32
        %add3A_834 = arith.addi %select_n3A, %mul3A_833 : i32
        %dma_wait3A_835 = arith.constant 0 : i32
        %dma_wait3A_836 = arith.constant 0 : i32
        %dma_wait3A_837 = tpu.memref_slice %arg2[%dma_wait3A_835, %dma_wait3A_836] : memref<368640x32xf32, #tpu.memory_space<hbm>> -> memref<368640x32xf32, #tpu.memory_space<hbm>>
        tpu.wait_indirect_dma semaphore(%arg32 : memref<!tpu.dma_semaphore, #tpu.memory_space<semaphore_mem>>) src(%dma_wait3A_837 : memref<368640x32xf32, #tpu.memory_space<hbm>>) dst(%arg28 : memref<512x32xf32, #tpu.memory_space<vmem>>)
        %dma_wait3A_838 = arith.constant 0 : i32
        %dma_wait3A_839 = arith.constant 0 : i32
        %dma_wait3A_840 = tpu.memref_slice %arg2[%dma_wait3A_838, %dma_wait3A_839] : memref<368640x32xf32, #tpu.memory_space<hbm>> -> memref<368640x32xf32, #tpu.memory_space<hbm>>
        tpu.wait_indirect_dma semaphore(%arg32 : memref<!tpu.dma_semaphore, #tpu.memory_space<semaphore_mem>>) src(%dma_wait3A_840 : memref<368640x32xf32, #tpu.memory_space<hbm>>) dst(%arg28 : memref<512x32xf32, #tpu.memory_space<vmem>>)
        %dma_wait3A_841 = arith.constant 0 : i32
        %dma_wait3A_842 = arith.constant 0 : i32
        %dma_wait3A_843 = tpu.memref_slice %arg2[%dma_wait3A_841, %dma_wait3A_842] : memref<368640x32xf32, #tpu.memory_space<hbm>> -> memref<368640x32xf32, #tpu.memory_space<hbm>>
        tpu.wait_indirect_dma semaphore(%arg32 : memref<!tpu.dma_semaphore, #tpu.memory_space<semaphore_mem>>) src(%dma_wait3A_843 : memref<368640x32xf32, #tpu.memory_space<hbm>>) dst(%arg28 : memref<512x32xf32, #tpu.memory_space<vmem>>)
        %dma_wait3A_844 = arith.constant 0 : i32
        %dma_wait3A_845 = arith.constant 0 : i32
        %dma_wait3A_846 = tpu.memref_slice %arg2[%dma_wait3A_844, %dma_wait3A_845] : memref<368640x32xf32, #tpu.memory_space<hbm>> -> memref<368640x32xf32, #tpu.memory_space<hbm>>
        tpu.wait_indirect_dma semaphore(%arg32 : memref<!tpu.dma_semaphore, #tpu.memory_space<semaphore_mem>>) src(%dma_wait3A_846 : memref<368640x32xf32, #tpu.memory_space<hbm>>) dst(%arg28 : memref<512x32xf32, #tpu.memory_space<vmem>>)
        %dma_wait3A_847 = arith.constant 0 : i32
        %dma_wait3A_848 = arith.constant 0 : i32
        %dma_wait3A_849 = tpu.memref_slice %arg2[%dma_wait3A_847, %dma_wait3A_848] : memref<368640x32xf32, #tpu.memory_space<hbm>> -> memref<368640x32xf32, #tpu.memory_space<hbm>>
        tpu.wait_indirect_dma semaphore(%arg32 : memref<!tpu.dma_semaphore, #tpu.memory_space<semaphore_mem>>) src(%dma_wait3A_849 : memref<368640x32xf32, #tpu.memory_space<hbm>>) dst(%arg28 : memref<512x32xf32, #tpu.memory_space<vmem>>)
        %dma_wait3A_850 = arith.constant 0 : i32
        %dma_wait3A_851 = arith.constant 0 : i32
        %dma_wait3A_852 = tpu.memref_slice %arg2[%dma_wait3A_850, %dma_wait3A_851] : memref<368640x32xf32, #tpu.memory_space<hbm>> -> memref<368640x32xf32, #tpu.memory_space<hbm>>
        tpu.wait_indirect_dma semaphore(%arg32 : memref<!tpu.dma_semaphore, #tpu.memory_space<semaphore_mem>>) src(%dma_wait3A_852 : memref<368640x32xf32, #tpu.memory_space<hbm>>) dst(%arg28 : memref<512x32xf32, #tpu.memory_space<vmem>>)
        %convert_element_type3A_853 = arith.extui %gt3A_827 : i1 to i32
        %cond3A_854 = arith.constant 0 : i32
        %cond3A_855 = arith.cmpi ne, %convert_element_type3A_853, %cond3A_854 : i32
        scf.if %cond3A_855 {
          %dma_wait3A_922 = arith.constant 0 : i32
          %dma_wait3A_923 = arith.constant 0 : i32
          %dma_wait3A_924 = tpu.memref_slice %arg30[%dma_wait3A_922, %dma_wait3A_923] : memref<32x513xf32, #tpu.memory_space<vmem>> -> memref<32x512xf32, #tpu.memory_space<vmem>>
          %dma_wait3A_925 = arith.constant 0 : i32
          %dma_wait3A_926 = arith.constant 0 : i32
          %dma_wait3A_927 = tpu.memref_slice %arg7[%dma_wait3A_925, %dma_wait3A_926] : memref<32x160000xf32, #tpu.memory_space<hbm>> -> memref<32x512xf32, #tpu.memory_space<hbm>>
          %dma_wait3A_928 = arith.constant 0 : i32
          %dma_wait3A_929 = arith.constant 0 : i32
          %dma_wait3A_930 = tpu.memref_slice %arg7[%dma_wait3A_928, %dma_wait3A_929] : memref<32x160000xf32, #tpu.memory_space<hbm>> -> memref<32x512xf32, #tpu.memory_space<hbm>>
          %dma_wait3A_931 = arith.constant 0 : i32
          %dma_wait3A_932 = arith.constant 0 : i32
          %dma_wait3A_933 = tpu.memref_slice %arg30[%dma_wait3A_931, %dma_wait3A_932] : memref<32x513xf32, #tpu.memory_space<vmem>> -> memref<32x512xf32, #tpu.memory_space<vmem>>
          tpu.wait_dma2 semaphore(%arg34 : memref<!tpu.dma_semaphore, #tpu.memory_space<semaphore_mem>>) src(%dma_wait3A_933 : memref<32x512xf32, #tpu.memory_space<vmem>>) dst(%dma_wait3A_930 : memref<32x512xf32, #tpu.memory_space<hbm>>)
        } else {
        }
        %scan3A_856 = arith.constant 0 : i32
        %scan3A_857 = arith.constant 0 : i32
        %scan3A_858 = arith.constant 512 : i32
        %scan3A_859 = arith.addi %scan3A_857, %scan3A_858 : i32
        %scan3A_860 = arith.constant 1 : i32
        %scan3A_861 = scf.for %scan3A_922 = %scan3A_857 to %scan3A_859 step %scan3A_860 iter_args(%scan3A_923 = %scan3A_856) -> (i32)  : i32 {
          %broadcast_in_dim3A = vector.broadcast %scan3A_922 : i32 to vector<16xi32>
          %get3A = arith.index_cast %scan3A_922 : i32 to index
          %get3A_924 = arith.constant 0 : index
          %get3A_925 = tpu.vector_load %arg28[%get3A, %get3A_924] {strides = array<i32>} : memref<512x32xf32, #tpu.memory_space<vmem>>, vector<16xf32>,
          tpu.vector_store_idx %arg30[%iota3A, %broadcast_in_dim3A], %get3A_925 : memref<32x513xf32, #tpu.memory_space<vmem>>[vector<16xi32>, vector<16xi32>], vector<16xf32>,
          %get3A_926 = arith.index_cast %scan3A_922 : i32 to index
          %get3A_927 = arith.constant 16 : index
          %get3A_928 = tpu.vector_load %arg28[%get3A_926, %get3A_927] {strides = array<i32>} : memref<512x32xf32, #tpu.memory_space<vmem>>, vector<16xf32>,
          tpu.vector_store_idx %arg30[%add3A_6, %broadcast_in_dim3A], %get3A_928 : memref<32x513xf32, #tpu.memory_space<vmem>>[vector<16xi32>, vector<16xi32>], vector<16xf32>,
          %scan3A_929 = arith.constant 0 : i32
          scf.yield %scan3A_929 : i32
        }
        %scan3A_862 = arith.constant 512 : i32
        %dma_start3A_863 = arith.constant 0 : i32
        %dma_start3A_864 = arith.constant 0 : i32
        %dma_start3A_865 = tpu.memref_slice %arg30[%dma_start3A_863, %dma_start3A_864] : memref<32x513xf32, #tpu.memory_space<vmem>> -> memref<32x512xf32, #tpu.memory_space<vmem>>
        %dma_start3A_866 = arith.constant 0 : i32
        %dma_start3A_867 = tpu.memref_slice %arg7[%dma_start3A_866, %add3A_834] : memref<32x160000xf32, #tpu.memory_space<hbm>> -> memref<32x512xf32, #tpu.memory_space<hbm>>
        %dma_start3A_868 = arith.constant 0 : i32
        %dma_start3A_869 = tpu.memref_slice %arg7[%dma_start3A_868, %add3A_834] : memref<32x160000xf32, #tpu.memory_space<hbm>> -> memref<32x512xf32, #tpu.memory_space<hbm>>
        %dma_start3A_870 = arith.constant 0 : i32
        %dma_start3A_871 = arith.constant 0 : i32
        %dma_start3A_872 = tpu.memref_slice %arg30[%dma_start3A_870, %dma_start3A_871] : memref<32x513xf32, #tpu.memory_space<vmem>> -> memref<32x512xf32, #tpu.memory_space<vmem>>
        tpu.enqueue_dma source(%dma_start3A_872 : memref<32x512xf32, #tpu.memory_space<vmem>>) target(%dma_start3A_869 : memref<32x512xf32, #tpu.memory_space<hbm>>) target_semaphore(%arg34 : memref<!tpu.dma_semaphore, #tpu.memory_space<semaphore_mem>>)
        %sub3A_873 = arith.constant 1 : i32
        %sub3A_874 = arith.subi %scan3A_132, %sub3A_873 : i32
        %gt3A_875 = arith.constant 1 : i32
        %gt3A_876 = arith.cmpi sgt, %scan3A_132, %gt3A_875 : i32
        %mul3A_877 = arith.constant 2 : i32
        %mul3A_878 = arith.muli %sub3A_874, %mul3A_877 : i32
        %add3A_879 = arith.constant 1 : i32
        %add3A_880 = arith.addi %mul3A_878, %add3A_879 : i32
        %mul3A_881 = arith.constant 512 : i32
        %mul3A_882 = arith.muli %add3A_880, %mul3A_881 : i32
        %add3A_883 = arith.addi %select_n3A, %mul3A_882 : i32
        %dma_wait3A_884 = arith.constant 0 : i32
        %dma_wait3A_885 = arith.constant 0 : i32
        %dma_wait3A_886 = tpu.memref_slice %arg2[%dma_wait3A_884, %dma_wait3A_885] : memref<368640x32xf32, #tpu.memory_space<hbm>> -> memref<368640x32xf32, #tpu.memory_space<hbm>>
        tpu.wait_indirect_dma semaphore(%arg33 : memref<!tpu.dma_semaphore, #tpu.memory_space<semaphore_mem>>) src(%dma_wait3A_886 : memref<368640x32xf32, #tpu.memory_space<hbm>>) dst(%arg29 : memref<512x32xf32, #tpu.memory_space<vmem>>)
        %dma_wait3A_887 = arith.constant 0 : i32
        %dma_wait3A_888 = arith.constant 0 : i32
        %dma_wait3A_889 = tpu.memref_slice %arg2[%dma_wait3A_887, %dma_wait3A_888] : memref<368640x32xf32, #tpu.memory_space<hbm>> -> memref<368640x32xf32, #tpu.memory_space<hbm>>
        tpu.wait_indirect_dma semaphore(%arg33 : memref<!tpu.dma_semaphore, #tpu.memory_space<semaphore_mem>>) src(%dma_wait3A_889 : memref<368640x32xf32, #tpu.memory_space<hbm>>) dst(%arg29 : memref<512x32xf32, #tpu.memory_space<vmem>>)
        %dma_wait3A_890 = arith.constant 0 : i32
        %dma_wait3A_891 = arith.constant 0 : i32
        %dma_wait3A_892 = tpu.memref_slice %arg2[%dma_wait3A_890, %dma_wait3A_891] : memref<368640x32xf32, #tpu.memory_space<hbm>> -> memref<368640x32xf32, #tpu.memory_space<hbm>>
        tpu.wait_indirect_dma semaphore(%arg33 : memref<!tpu.dma_semaphore, #tpu.memory_space<semaphore_mem>>) src(%dma_wait3A_892 : memref<368640x32xf32, #tpu.memory_space<hbm>>) dst(%arg29 : memref<512x32xf32, #tpu.memory_space<vmem>>)
        %dma_wait3A_893 = arith.constant 0 : i32
        %dma_wait3A_894 = arith.constant 0 : i32
        %dma_wait3A_895 = tpu.memref_slice %arg2[%dma_wait3A_893, %dma_wait3A_894] : memref<368640x32xf32, #tpu.memory_space<hbm>> -> memref<368640x32xf32, #tpu.memory_space<hbm>>
        tpu.wait_indirect_dma semaphore(%arg33 : memref<!tpu.dma_semaphore, #tpu.memory_space<semaphore_mem>>) src(%dma_wait3A_895 : memref<368640x32xf32, #tpu.memory_space<hbm>>) dst(%arg29 : memref<512x32xf32, #tpu.memory_space<vmem>>)
        %dma_wait3A_896 = arith.constant 0 : i32
        %dma_wait3A_897 = arith.constant 0 : i32
        %dma_wait3A_898 = tpu.memref_slice %arg2[%dma_wait3A_896, %dma_wait3A_897] : memref<368640x32xf32, #tpu.memory_space<hbm>> -> memref<368640x32xf32, #tpu.memory_space<hbm>>
        tpu.wait_indirect_dma semaphore(%arg33 : memref<!tpu.dma_semaphore, #tpu.memory_space<semaphore_mem>>) src(%dma_wait3A_898 : memref<368640x32xf32, #tpu.memory_space<hbm>>) dst(%arg29 : memref<512x32xf32, #tpu.memory_space<vmem>>)
        %dma_wait3A_899 = arith.constant 0 : i32
        %dma_wait3A_900 = arith.constant 0 : i32
        %dma_wait3A_901 = tpu.memref_slice %arg2[%dma_wait3A_899, %dma_wait3A_900] : memref<368640x32xf32, #tpu.memory_space<hbm>> -> memref<368640x32xf32, #tpu.memory_space<hbm>>
        tpu.wait_indirect_dma semaphore(%arg33 : memref<!tpu.dma_semaphore, #tpu.memory_space<semaphore_mem>>) src(%dma_wait3A_901 : memref<368640x32xf32, #tpu.memory_space<hbm>>) dst(%arg29 : memref<512x32xf32, #tpu.memory_space<vmem>>)
        %convert_element_type3A_902 = arith.extui %gt3A_876 : i1 to i32
        %cond3A_903 = arith.constant 0 : i32
        %cond3A_904 = arith.cmpi ne, %convert_element_type3A_902, %cond3A_903 : i32
        scf.if %cond3A_904 {
          %dma_wait3A_922 = arith.constant 0 : i32
          %dma_wait3A_923 = arith.constant 0 : i32
          %dma_wait3A_924 = tpu.memref_slice %arg31[%dma_wait3A_922, %dma_wait3A_923] : memref<32x513xf32, #tpu.memory_space<vmem>> -> memref<32x512xf32, #tpu.memory_space<vmem>>
          %dma_wait3A_925 = arith.constant 0 : i32
          %dma_wait3A_926 = arith.constant 0 : i32
          %dma_wait3A_927 = tpu.memref_slice %arg7[%dma_wait3A_925, %dma_wait3A_926] : memref<32x160000xf32, #tpu.memory_space<hbm>> -> memref<32x512xf32, #tpu.memory_space<hbm>>
          %dma_wait3A_928 = arith.constant 0 : i32
          %dma_wait3A_929 = arith.constant 0 : i32
          %dma_wait3A_930 = tpu.memref_slice %arg7[%dma_wait3A_928, %dma_wait3A_929] : memref<32x160000xf32, #tpu.memory_space<hbm>> -> memref<32x512xf32, #tpu.memory_space<hbm>>
          %dma_wait3A_931 = arith.constant 0 : i32
          %dma_wait3A_932 = arith.constant 0 : i32
          %dma_wait3A_933 = tpu.memref_slice %arg31[%dma_wait3A_931, %dma_wait3A_932] : memref<32x513xf32, #tpu.memory_space<vmem>> -> memref<32x512xf32, #tpu.memory_space<vmem>>
          tpu.wait_dma2 semaphore(%arg35 : memref<!tpu.dma_semaphore, #tpu.memory_space<semaphore_mem>>) src(%dma_wait3A_933 : memref<32x512xf32, #tpu.memory_space<vmem>>) dst(%dma_wait3A_930 : memref<32x512xf32, #tpu.memory_space<hbm>>)
        } else {
        }
        %scan3A_905 = arith.constant 0 : i32
        %scan3A_906 = arith.constant 0 : i32
        %scan3A_907 = arith.constant 512 : i32
        %scan3A_908 = arith.addi %scan3A_906, %scan3A_907 : i32
        %scan3A_909 = arith.constant 1 : i32
        %scan3A_910 = scf.for %scan3A_922 = %scan3A_906 to %scan3A_908 step %scan3A_909 iter_args(%scan3A_923 = %scan3A_905) -> (i32)  : i32 {
          %broadcast_in_dim3A = vector.broadcast %scan3A_922 : i32 to vector<16xi32>
          %get3A = arith.index_cast %scan3A_922 : i32 to index
          %get3A_924 = arith.constant 0 : index
          %get3A_925 = tpu.vector_load %arg29[%get3A, %get3A_924] {strides = array<i32>} : memref<512x32xf32, #tpu.memory_space<vmem>>, vector<16xf32>,
          tpu.vector_store_idx %arg31[%iota3A, %broadcast_in_dim3A], %get3A_925 : memref<32x513xf32, #tpu.memory_space<vmem>>[vector<16xi32>, vector<16xi32>], vector<16xf32>,
          %get3A_926 = arith.index_cast %scan3A_922 : i32 to index
          %get3A_927 = arith.constant 16 : index
          %get3A_928 = tpu.vector_load %arg29[%get3A_926, %get3A_927] {strides = array<i32>} : memref<512x32xf32, #tpu.memory_space<vmem>>, vector<16xf32>,
          tpu.vector_store_idx %arg31[%add3A_6, %broadcast_in_dim3A], %get3A_928 : memref<32x513xf32, #tpu.memory_space<vmem>>[vector<16xi32>, vector<16xi32>], vector<16xf32>,
          %scan3A_929 = arith.constant 0 : i32
          scf.yield %scan3A_929 : i32
        }
        %scan3A_911 = arith.constant 512 : i32
        %dma_start3A_912 = arith.constant 0 : i32
        %dma_start3A_913 = arith.constant 0 : i32
        %dma_start3A_914 = tpu.memref_slice %arg31[%dma_start3A_912, %dma_start3A_913] : memref<32x513xf32, #tpu.memory_space<vmem>> -> memref<32x512xf32, #tpu.memory_space<vmem>>
        %dma_start3A_915 = arith.constant 0 : i32
        %dma_start3A_916 = tpu.memref_slice %arg7[%dma_start3A_915, %add3A_883] : memref<32x160000xf32, #tpu.memory_space<hbm>> -> memref<32x512xf32, #tpu.memory_space<hbm>>
        %dma_start3A_917 = arith.constant 0 : i32
        %dma_start3A_918 = tpu.memref_slice %arg7[%dma_start3A_917, %add3A_883] : memref<32x160000xf32, #tpu.memory_space<hbm>> -> memref<32x512xf32, #tpu.memory_space<hbm>>
        %dma_start3A_919 = arith.constant 0 : i32
        %dma_start3A_920 = arith.constant 0 : i32
        %dma_start3A_921 = tpu.memref_slice %arg31[%dma_start3A_919, %dma_start3A_920] : memref<32x513xf32, #tpu.memory_space<vmem>> -> memref<32x512xf32, #tpu.memory_space<vmem>>
        tpu.enqueue_dma source(%dma_start3A_921 : memref<32x512xf32, #tpu.memory_space<vmem>>) target(%dma_start3A_918 : memref<32x512xf32, #tpu.memory_space<hbm>>) target_semaphore(%arg35 : memref<!tpu.dma_semaphore, #tpu.memory_space<semaphore_mem>>)
      } else {
      }
      %dma_wait3A_461 = arith.constant 0 : i32
      %dma_wait3A_462 = tpu.memref_slice %arg8[%dma_wait3A_461] : memref<3072xi32, #tpu.memory_space<vmem>> -> memref<512xi32, #tpu.memory_space<vmem>>
      %dma_wait3A_463 = tpu.memref_slice %arg3[%add3A_148] : memref<960000xi32, #tpu.memory_space<hbm>> -> memref<512xi32, #tpu.memory_space<hbm>>
      %dma_wait3A_464 = arith.constant 0 : i32
      %dma_wait3A_465 = tpu.memref_slice %arg8[%dma_wait3A_464] : memref<3072xi32, #tpu.memory_space<vmem>> -> memref<512xi32, #tpu.memory_space<vmem>>
      %dma_wait3A_466 = tpu.memref_slice %arg3[%add3A_148] : memref<960000xi32, #tpu.memory_space<hbm>> -> memref<512xi32, #tpu.memory_space<hbm>>
      tpu.wait_dma2 semaphore(%arg36 : memref<!tpu.dma_semaphore, #tpu.memory_space<semaphore_mem>>) src(%dma_wait3A_466 : memref<512xi32, #tpu.memory_space<hbm>>) dst(%dma_wait3A_465 : memref<512xi32, #tpu.memory_space<vmem>>)
      %dma_wait3A_467 = arith.constant 0 : i32
      %dma_wait3A_468 = tpu.memref_slice %arg10[%dma_wait3A_467] : memref<3072xi32, #tpu.memory_space<vmem>> -> memref<512xi32, #tpu.memory_space<vmem>>
      %dma_wait3A_469 = tpu.memref_slice %arg4[%add3A_148] : memref<960000xi32, #tpu.memory_space<hbm>> -> memref<512xi32, #tpu.memory_space<hbm>>
      %dma_wait3A_470 = arith.constant 0 : i32
      %dma_wait3A_471 = tpu.memref_slice %arg10[%dma_wait3A_470] : memref<3072xi32, #tpu.memory_space<vmem>> -> memref<512xi32, #tpu.memory_space<vmem>>
      %dma_wait3A_472 = tpu.memref_slice %arg4[%add3A_148] : memref<960000xi32, #tpu.memory_space<hbm>> -> memref<512xi32, #tpu.memory_space<hbm>>
      tpu.wait_dma2 semaphore(%arg36 : memref<!tpu.dma_semaphore, #tpu.memory_space<semaphore_mem>>) src(%dma_wait3A_472 : memref<512xi32, #tpu.memory_space<hbm>>) dst(%dma_wait3A_471 : memref<512xi32, #tpu.memory_space<vmem>>)
      %dma_wait3A_473 = arith.constant 0 : i32
      %dma_wait3A_474 = tpu.memref_slice %arg12[%dma_wait3A_473] : memref<3072xi32, #tpu.memory_space<vmem>> -> memref<512xi32, #tpu.memory_space<vmem>>
      %dma_wait3A_475 = tpu.memref_slice %arg5[%add3A_148] : memref<960000xi32, #tpu.memory_space<hbm>> -> memref<512xi32, #tpu.memory_space<hbm>>
      %dma_wait3A_476 = arith.constant 0 : i32
      %dma_wait3A_477 = tpu.memref_slice %arg12[%dma_wait3A_476] : memref<3072xi32, #tpu.memory_space<vmem>> -> memref<512xi32, #tpu.memory_space<vmem>>
      %dma_wait3A_478 = tpu.memref_slice %arg5[%add3A_148] : memref<960000xi32, #tpu.memory_space<hbm>> -> memref<512xi32, #tpu.memory_space<hbm>>
      tpu.wait_dma2 semaphore(%arg36 : memref<!tpu.dma_semaphore, #tpu.memory_space<semaphore_mem>>) src(%dma_wait3A_478 : memref<512xi32, #tpu.memory_space<hbm>>) dst(%dma_wait3A_477 : memref<512xi32, #tpu.memory_space<vmem>>)
      %dma_wait3A_479 = arith.constant 0 : i32
      %dma_wait3A_480 = tpu.memref_slice %arg14[%dma_wait3A_479] : memref<3072xi32, #tpu.memory_space<vmem>> -> memref<512xi32, #tpu.memory_space<vmem>>
      %dma_wait3A_481 = tpu.memref_slice %arg6[%add3A_148] : memref<960000xi32, #tpu.memory_space<hbm>> -> memref<512xi32, #tpu.memory_space<hbm>>
      %dma_wait3A_482 = arith.constant 0 : i32
      %dma_wait3A_483 = tpu.memref_slice %arg14[%dma_wait3A_482] : memref<3072xi32, #tpu.memory_space<vmem>> -> memref<512xi32, #tpu.memory_space<vmem>>
      %dma_wait3A_484 = tpu.memref_slice %arg6[%add3A_148] : memref<960000xi32, #tpu.memory_space<hbm>> -> memref<512xi32, #tpu.memory_space<hbm>>
      tpu.wait_dma2 semaphore(%arg36 : memref<!tpu.dma_semaphore, #tpu.memory_space<semaphore_mem>>) src(%dma_wait3A_484 : memref<512xi32, #tpu.memory_space<hbm>>) dst(%dma_wait3A_483 : memref<512xi32, #tpu.memory_space<vmem>>)
      %dma_wait3A_485 = arith.constant 512 : i32
      %dma_wait3A_486 = tpu.memref_slice %arg8[%dma_wait3A_485] : memref<3072xi32, #tpu.memory_space<vmem>> -> memref<512xi32, #tpu.memory_space<vmem>>
      %dma_wait3A_487 = tpu.memref_slice %arg3[%add3A_174] : memref<960000xi32, #tpu.memory_space<hbm>> -> memref<512xi32, #tpu.memory_space<hbm>>
      %dma_wait3A_488 = arith.constant 512 : i32
      %dma_wait3A_489 = tpu.memref_slice %arg8[%dma_wait3A_488] : memref<3072xi32, #tpu.memory_space<vmem>> -> memref<512xi32, #tpu.memory_space<vmem>>
      %dma_wait3A_490 = tpu.memref_slice %arg3[%add3A_174] : memref<960000xi32, #tpu.memory_space<hbm>> -> memref<512xi32, #tpu.memory_space<hbm>>
      tpu.wait_dma2 semaphore(%arg36 : memref<!tpu.dma_semaphore, #tpu.memory_space<semaphore_mem>>) src(%dma_wait3A_490 : memref<512xi32, #tpu.memory_space<hbm>>) dst(%dma_wait3A_489 : memref<512xi32, #tpu.memory_space<vmem>>)
      %dma_wait3A_491 = arith.constant 512 : i32
      %dma_wait3A_492 = tpu.memref_slice %arg10[%dma_wait3A_491] : memref<3072xi32, #tpu.memory_space<vmem>> -> memref<512xi32, #tpu.memory_space<vmem>>
      %dma_wait3A_493 = tpu.memref_slice %arg4[%add3A_174] : memref<960000xi32, #tpu.memory_space<hbm>> -> memref<512xi32, #tpu.memory_space<hbm>>
      %dma_wait3A_494 = arith.constant 512 : i32
      %dma_wait3A_495 = tpu.memref_slice %arg10[%dma_wait3A_494] : memref<3072xi32, #tpu.memory_space<vmem>> -> memref<512xi32, #tpu.memory_space<vmem>>
      %dma_wait3A_496 = tpu.memref_slice %arg4[%add3A_174] : memref<960000xi32, #tpu.memory_space<hbm>> -> memref<512xi32, #tpu.memory_space<hbm>>
      tpu.wait_dma2 semaphore(%arg36 : memref<!tpu.dma_semaphore, #tpu.memory_space<semaphore_mem>>) src(%dma_wait3A_496 : memref<512xi32, #tpu.memory_space<hbm>>) dst(%dma_wait3A_495 : memref<512xi32, #tpu.memory_space<vmem>>)
      %dma_wait3A_497 = arith.constant 512 : i32
      %dma_wait3A_498 = tpu.memref_slice %arg12[%dma_wait3A_497] : memref<3072xi32, #tpu.memory_space<vmem>> -> memref<512xi32, #tpu.memory_space<vmem>>
      %dma_wait3A_499 = tpu.memref_slice %arg5[%add3A_174] : memref<960000xi32, #tpu.memory_space<hbm>> -> memref<512xi32, #tpu.memory_space<hbm>>
      %dma_wait3A_500 = arith.constant 512 : i32
      %dma_wait3A_501 = tpu.memref_slice %arg12[%dma_wait3A_500] : memref<3072xi32, #tpu.memory_space<vmem>> -> memref<512xi32, #tpu.memory_space<vmem>>
      %dma_wait3A_502 = tpu.memref_slice %arg5[%add3A_174] : memref<960000xi32, #tpu.memory_space<hbm>> -> memref<512xi32, #tpu.memory_space<hbm>>
      tpu.wait_dma2 semaphore(%arg36 : memref<!tpu.dma_semaphore, #tpu.memory_space<semaphore_mem>>) src(%dma_wait3A_502 : memref<512xi32, #tpu.memory_space<hbm>>) dst(%dma_wait3A_501 : memref<512xi32, #tpu.memory_space<vmem>>)
      %dma_wait3A_503 = arith.constant 512 : i32
      %dma_wait3A_504 = tpu.memref_slice %arg14[%dma_wait3A_503] : memref<3072xi32, #tpu.memory_space<vmem>> -> memref<512xi32, #tpu.memory_space<vmem>>
      %dma_wait3A_505 = tpu.memref_slice %arg6[%add3A_174] : memref<960000xi32, #tpu.memory_space<hbm>> -> memref<512xi32, #tpu.memory_space<hbm>>
      %dma_wait3A_506 = arith.constant 512 : i32
      %dma_wait3A_507 = tpu.memref_slice %arg14[%dma_wait3A_506] : memref<3072xi32, #tpu.memory_space<vmem>> -> memref<512xi32, #tpu.memory_space<vmem>>
      %dma_wait3A_508 = tpu.memref_slice %arg6[%add3A_174] : memref<960000xi32, #tpu.memory_space<hbm>> -> memref<512xi32, #tpu.memory_space<hbm>>
      tpu.wait_dma2 semaphore(%arg36 : memref<!tpu.dma_semaphore, #tpu.memory_space<semaphore_mem>>) src(%dma_wait3A_508 : memref<512xi32, #tpu.memory_space<hbm>>) dst(%dma_wait3A_507 : memref<512xi32, #tpu.memory_space<vmem>>)
      %dma_wait3A_509 = arith.constant 1024 : i32
      %dma_wait3A_510 = tpu.memref_slice %arg8[%dma_wait3A_509] : memref<3072xi32, #tpu.memory_space<vmem>> -> memref<512xi32, #tpu.memory_space<vmem>>
      %dma_wait3A_511 = tpu.memref_slice %arg3[%add3A_200] : memref<960000xi32, #tpu.memory_space<hbm>> -> memref<512xi32, #tpu.memory_space<hbm>>
      %dma_wait3A_512 = arith.constant 1024 : i32
      %dma_wait3A_513 = tpu.memref_slice %arg8[%dma_wait3A_512] : memref<3072xi32, #tpu.memory_space<vmem>> -> memref<512xi32, #tpu.memory_space<vmem>>
      %dma_wait3A_514 = tpu.memref_slice %arg3[%add3A_200] : memref<960000xi32, #tpu.memory_space<hbm>> -> memref<512xi32, #tpu.memory_space<hbm>>
      tpu.wait_dma2 semaphore(%arg36 : memref<!tpu.dma_semaphore, #tpu.memory_space<semaphore_mem>>) src(%dma_wait3A_514 : memref<512xi32, #tpu.memory_space<hbm>>) dst(%dma_wait3A_513 : memref<512xi32, #tpu.memory_space<vmem>>)
      %dma_wait3A_515 = arith.constant 1024 : i32
      %dma_wait3A_516 = tpu.memref_slice %arg10[%dma_wait3A_515] : memref<3072xi32, #tpu.memory_space<vmem>> -> memref<512xi32, #tpu.memory_space<vmem>>
      %dma_wait3A_517 = tpu.memref_slice %arg4[%add3A_200] : memref<960000xi32, #tpu.memory_space<hbm>> -> memref<512xi32, #tpu.memory_space<hbm>>
      %dma_wait3A_518 = arith.constant 1024 : i32
      %dma_wait3A_519 = tpu.memref_slice %arg10[%dma_wait3A_518] : memref<3072xi32, #tpu.memory_space<vmem>> -> memref<512xi32, #tpu.memory_space<vmem>>
      %dma_wait3A_520 = tpu.memref_slice %arg4[%add3A_200] : memref<960000xi32, #tpu.memory_space<hbm>> -> memref<512xi32, #tpu.memory_space<hbm>>
      tpu.wait_dma2 semaphore(%arg36 : memref<!tpu.dma_semaphore, #tpu.memory_space<semaphore_mem>>) src(%dma_wait3A_520 : memref<512xi32, #tpu.memory_space<hbm>>) dst(%dma_wait3A_519 : memref<512xi32, #tpu.memory_space<vmem>>)
      %dma_wait3A_521 = arith.constant 1024 : i32
      %dma_wait3A_522 = tpu.memref_slice %arg12[%dma_wait3A_521] : memref<3072xi32, #tpu.memory_space<vmem>> -> memref<512xi32, #tpu.memory_space<vmem>>
      %dma_wait3A_523 = tpu.memref_slice %arg5[%add3A_200] : memref<960000xi32, #tpu.memory_space<hbm>> -> memref<512xi32, #tpu.memory_space<hbm>>
      %dma_wait3A_524 = arith.constant 1024 : i32
      %dma_wait3A_525 = tpu.memref_slice %arg12[%dma_wait3A_524] : memref<3072xi32, #tpu.memory_space<vmem>> -> memref<512xi32, #tpu.memory_space<vmem>>
      %dma_wait3A_526 = tpu.memref_slice %arg5[%add3A_200] : memref<960000xi32, #tpu.memory_space<hbm>> -> memref<512xi32, #tpu.memory_space<hbm>>
      tpu.wait_dma2 semaphore(%arg36 : memref<!tpu.dma_semaphore, #tpu.memory_space<semaphore_mem>>) src(%dma_wait3A_526 : memref<512xi32, #tpu.memory_space<hbm>>) dst(%dma_wait3A_525 : memref<512xi32, #tpu.memory_space<vmem>>)
      %dma_wait3A_527 = arith.constant 1024 : i32
      %dma_wait3A_528 = tpu.memref_slice %arg14[%dma_wait3A_527] : memref<3072xi32, #tpu.memory_space<vmem>> -> memref<512xi32, #tpu.memory_space<vmem>>
      %dma_wait3A_529 = tpu.memref_slice %arg6[%add3A_200] : memref<960000xi32, #tpu.memory_space<hbm>> -> memref<512xi32, #tpu.memory_space<hbm>>
      %dma_wait3A_530 = arith.constant 1024 : i32
      %dma_wait3A_531 = tpu.memref_slice %arg14[%dma_wait3A_530] : memref<3072xi32, #tpu.memory_space<vmem>> -> memref<512xi32, #tpu.memory_space<vmem>>
      %dma_wait3A_532 = tpu.memref_slice %arg6[%add3A_200] : memref<960000xi32, #tpu.memory_space<hbm>> -> memref<512xi32, #tpu.memory_space<hbm>>
      tpu.wait_dma2 semaphore(%arg36 : memref<!tpu.dma_semaphore, #tpu.memory_space<semaphore_mem>>) src(%dma_wait3A_532 : memref<512xi32, #tpu.memory_space<hbm>>) dst(%dma_wait3A_531 : memref<512xi32, #tpu.memory_space<vmem>>)
      %dma_wait3A_533 = arith.constant 1536 : i32
      %dma_wait3A_534 = tpu.memref_slice %arg8[%dma_wait3A_533] : memref<3072xi32, #tpu.memory_space<vmem>> -> memref<512xi32, #tpu.memory_space<vmem>>
      %dma_wait3A_535 = tpu.memref_slice %arg3[%add3A_226] : memref<960000xi32, #tpu.memory_space<hbm>> -> memref<512xi32, #tpu.memory_space<hbm>>
      %dma_wait3A_536 = arith.constant 1536 : i32
      %dma_wait3A_537 = tpu.memref_slice %arg8[%dma_wait3A_536] : memref<3072xi32, #tpu.memory_space<vmem>> -> memref<512xi32, #tpu.memory_space<vmem>>
      %dma_wait3A_538 = tpu.memref_slice %arg3[%add3A_226] : memref<960000xi32, #tpu.memory_space<hbm>> -> memref<512xi32, #tpu.memory_space<hbm>>
      tpu.wait_dma2 semaphore(%arg36 : memref<!tpu.dma_semaphore, #tpu.memory_space<semaphore_mem>>) src(%dma_wait3A_538 : memref<512xi32, #tpu.memory_space<hbm>>) dst(%dma_wait3A_537 : memref<512xi32, #tpu.memory_space<vmem>>)
      %dma_wait3A_539 = arith.constant 1536 : i32
      %dma_wait3A_540 = tpu.memref_slice %arg10[%dma_wait3A_539] : memref<3072xi32, #tpu.memory_space<vmem>> -> memref<512xi32, #tpu.memory_space<vmem>>
      %dma_wait3A_541 = tpu.memref_slice %arg4[%add3A_226] : memref<960000xi32, #tpu.memory_space<hbm>> -> memref<512xi32, #tpu.memory_space<hbm>>
      %dma_wait3A_542 = arith.constant 1536 : i32
      %dma_wait3A_543 = tpu.memref_slice %arg10[%dma_wait3A_542] : memref<3072xi32, #tpu.memory_space<vmem>> -> memref<512xi32, #tpu.memory_space<vmem>>
      %dma_wait3A_544 = tpu.memref_slice %arg4[%add3A_226] : memref<960000xi32, #tpu.memory_space<hbm>> -> memref<512xi32, #tpu.memory_space<hbm>>
      tpu.wait_dma2 semaphore(%arg36 : memref<!tpu.dma_semaphore, #tpu.memory_space<semaphore_mem>>) src(%dma_wait3A_544 : memref<512xi32, #tpu.memory_space<hbm>>) dst(%dma_wait3A_543 : memref<512xi32, #tpu.memory_space<vmem>>)
      %dma_wait3A_545 = arith.constant 1536 : i32
      %dma_wait3A_546 = tpu.memref_slice %arg12[%dma_wait3A_545] : memref<3072xi32, #tpu.memory_space<vmem>> -> memref<512xi32, #tpu.memory_space<vmem>>
      %dma_wait3A_547 = tpu.memref_slice %arg5[%add3A_226] : memref<960000xi32, #tpu.memory_space<hbm>> -> memref<512xi32, #tpu.memory_space<hbm>>
      %dma_wait3A_548 = arith.constant 1536 : i32
      %dma_wait3A_549 = tpu.memref_slice %arg12[%dma_wait3A_548] : memref<3072xi32, #tpu.memory_space<vmem>> -> memref<512xi32, #tpu.memory_space<vmem>>
      %dma_wait3A_550 = tpu.memref_slice %arg5[%add3A_226] : memref<960000xi32, #tpu.memory_space<hbm>> -> memref<512xi32, #tpu.memory_space<hbm>>
      tpu.wait_dma2 semaphore(%arg36 : memref<!tpu.dma_semaphore, #tpu.memory_space<semaphore_mem>>) src(%dma_wait3A_550 : memref<512xi32, #tpu.memory_space<hbm>>) dst(%dma_wait3A_549 : memref<512xi32, #tpu.memory_space<vmem>>)
      %dma_wait3A_551 = arith.constant 1536 : i32
      %dma_wait3A_552 = tpu.memref_slice %arg14[%dma_wait3A_551] : memref<3072xi32, #tpu.memory_space<vmem>> -> memref<512xi32, #tpu.memory_space<vmem>>
      %dma_wait3A_553 = tpu.memref_slice %arg6[%add3A_226] : memref<960000xi32, #tpu.memory_space<hbm>> -> memref<512xi32, #tpu.memory_space<hbm>>
      %dma_wait3A_554 = arith.constant 1536 : i32
      %dma_wait3A_555 = tpu.memref_slice %arg14[%dma_wait3A_554] : memref<3072xi32, #tpu.memory_space<vmem>> -> memref<512xi32, #tpu.memory_space<vmem>>
      %dma_wait3A_556 = tpu.memref_slice %arg6[%add3A_226] : memref<960000xi32, #tpu.memory_space<hbm>> -> memref<512xi32, #tpu.memory_space<hbm>>
      tpu.wait_dma2 semaphore(%arg36 : memref<!tpu.dma_semaphore, #tpu.memory_space<semaphore_mem>>) src(%dma_wait3A_556 : memref<512xi32, #tpu.memory_space<hbm>>) dst(%dma_wait3A_555 : memref<512xi32, #tpu.memory_space<vmem>>)
      %dma_wait3A_557 = arith.constant 2048 : i32
      %dma_wait3A_558 = tpu.memref_slice %arg8[%dma_wait3A_557] : memref<3072xi32, #tpu.memory_space<vmem>> -> memref<512xi32, #tpu.memory_space<vmem>>
      %dma_wait3A_559 = tpu.memref_slice %arg3[%add3A_252] : memref<960000xi32, #tpu.memory_space<hbm>> -> memref<512xi32, #tpu.memory_space<hbm>>
      %dma_wait3A_560 = arith.constant 2048 : i32
      %dma_wait3A_561 = tpu.memref_slice %arg8[%dma_wait3A_560] : memref<3072xi32, #tpu.memory_space<vmem>> -> memref<512xi32, #tpu.memory_space<vmem>>
      %dma_wait3A_562 = tpu.memref_slice %arg3[%add3A_252] : memref<960000xi32, #tpu.memory_space<hbm>> -> memref<512xi32, #tpu.memory_space<hbm>>
      tpu.wait_dma2 semaphore(%arg36 : memref<!tpu.dma_semaphore, #tpu.memory_space<semaphore_mem>>) src(%dma_wait3A_562 : memref<512xi32, #tpu.memory_space<hbm>>) dst(%dma_wait3A_561 : memref<512xi32, #tpu.memory_space<vmem>>)
      %dma_wait3A_563 = arith.constant 2048 : i32
      %dma_wait3A_564 = tpu.memref_slice %arg10[%dma_wait3A_563] : memref<3072xi32, #tpu.memory_space<vmem>> -> memref<512xi32, #tpu.memory_space<vmem>>
      %dma_wait3A_565 = tpu.memref_slice %arg4[%add3A_252] : memref<960000xi32, #tpu.memory_space<hbm>> -> memref<512xi32, #tpu.memory_space<hbm>>
      %dma_wait3A_566 = arith.constant 2048 : i32
      %dma_wait3A_567 = tpu.memref_slice %arg10[%dma_wait3A_566] : memref<3072xi32, #tpu.memory_space<vmem>> -> memref<512xi32, #tpu.memory_space<vmem>>
      %dma_wait3A_568 = tpu.memref_slice %arg4[%add3A_252] : memref<960000xi32, #tpu.memory_space<hbm>> -> memref<512xi32, #tpu.memory_space<hbm>>
      tpu.wait_dma2 semaphore(%arg36 : memref<!tpu.dma_semaphore, #tpu.memory_space<semaphore_mem>>) src(%dma_wait3A_568 : memref<512xi32, #tpu.memory_space<hbm>>) dst(%dma_wait3A_567 : memref<512xi32, #tpu.memory_space<vmem>>)
      %dma_wait3A_569 = arith.constant 2048 : i32
      %dma_wait3A_570 = tpu.memref_slice %arg12[%dma_wait3A_569] : memref<3072xi32, #tpu.memory_space<vmem>> -> memref<512xi32, #tpu.memory_space<vmem>>
      %dma_wait3A_571 = tpu.memref_slice %arg5[%add3A_252] : memref<960000xi32, #tpu.memory_space<hbm>> -> memref<512xi32, #tpu.memory_space<hbm>>
      %dma_wait3A_572 = arith.constant 2048 : i32
      %dma_wait3A_573 = tpu.memref_slice %arg12[%dma_wait3A_572] : memref<3072xi32, #tpu.memory_space<vmem>> -> memref<512xi32, #tpu.memory_space<vmem>>
      %dma_wait3A_574 = tpu.memref_slice %arg5[%add3A_252] : memref<960000xi32, #tpu.memory_space<hbm>> -> memref<512xi32, #tpu.memory_space<hbm>>
      tpu.wait_dma2 semaphore(%arg36 : memref<!tpu.dma_semaphore, #tpu.memory_space<semaphore_mem>>) src(%dma_wait3A_574 : memref<512xi32, #tpu.memory_space<hbm>>) dst(%dma_wait3A_573 : memref<512xi32, #tpu.memory_space<vmem>>)
      %dma_wait3A_575 = arith.constant 2048 : i32
      %dma_wait3A_576 = tpu.memref_slice %arg14[%dma_wait3A_575] : memref<3072xi32, #tpu.memory_space<vmem>> -> memref<512xi32, #tpu.memory_space<vmem>>
      %dma_wait3A_577 = tpu.memref_slice %arg6[%add3A_252] : memref<960000xi32, #tpu.memory_space<hbm>> -> memref<512xi32, #tpu.memory_space<hbm>>
      %dma_wait3A_578 = arith.constant 2048 : i32
      %dma_wait3A_579 = tpu.memref_slice %arg14[%dma_wait3A_578] : memref<3072xi32, #tpu.memory_space<vmem>> -> memref<512xi32, #tpu.memory_space<vmem>>
      %dma_wait3A_580 = tpu.memref_slice %arg6[%add3A_252] : memref<960000xi32, #tpu.memory_space<hbm>> -> memref<512xi32, #tpu.memory_space<hbm>>
      tpu.wait_dma2 semaphore(%arg36 : memref<!tpu.dma_semaphore, #tpu.memory_space<semaphore_mem>>) src(%dma_wait3A_580 : memref<512xi32, #tpu.memory_space<hbm>>) dst(%dma_wait3A_579 : memref<512xi32, #tpu.memory_space<vmem>>)
      %dma_wait3A_581 = arith.constant 2560 : i32
      %dma_wait3A_582 = tpu.memref_slice %arg8[%dma_wait3A_581] : memref<3072xi32, #tpu.memory_space<vmem>> -> memref<512xi32, #tpu.memory_space<vmem>>
      %dma_wait3A_583 = tpu.memref_slice %arg3[%add3A_278] : memref<960000xi32, #tpu.memory_space<hbm>> -> memref<512xi32, #tpu.memory_space<hbm>>
      %dma_wait3A_584 = arith.constant 2560 : i32
      %dma_wait3A_585 = tpu.memref_slice %arg8[%dma_wait3A_584] : memref<3072xi32, #tpu.memory_space<vmem>> -> memref<512xi32, #tpu.memory_space<vmem>>
      %dma_wait3A_586 = tpu.memref_slice %arg3[%add3A_278] : memref<960000xi32, #tpu.memory_space<hbm>> -> memref<512xi32, #tpu.memory_space<hbm>>
      tpu.wait_dma2 semaphore(%arg36 : memref<!tpu.dma_semaphore, #tpu.memory_space<semaphore_mem>>) src(%dma_wait3A_586 : memref<512xi32, #tpu.memory_space<hbm>>) dst(%dma_wait3A_585 : memref<512xi32, #tpu.memory_space<vmem>>)
      %dma_wait3A_587 = arith.constant 2560 : i32
      %dma_wait3A_588 = tpu.memref_slice %arg10[%dma_wait3A_587] : memref<3072xi32, #tpu.memory_space<vmem>> -> memref<512xi32, #tpu.memory_space<vmem>>
      %dma_wait3A_589 = tpu.memref_slice %arg4[%add3A_278] : memref<960000xi32, #tpu.memory_space<hbm>> -> memref<512xi32, #tpu.memory_space<hbm>>
      %dma_wait3A_590 = arith.constant 2560 : i32
      %dma_wait3A_591 = tpu.memref_slice %arg10[%dma_wait3A_590] : memref<3072xi32, #tpu.memory_space<vmem>> -> memref<512xi32, #tpu.memory_space<vmem>>
      %dma_wait3A_592 = tpu.memref_slice %arg4[%add3A_278] : memref<960000xi32, #tpu.memory_space<hbm>> -> memref<512xi32, #tpu.memory_space<hbm>>
      tpu.wait_dma2 semaphore(%arg36 : memref<!tpu.dma_semaphore, #tpu.memory_space<semaphore_mem>>) src(%dma_wait3A_592 : memref<512xi32, #tpu.memory_space<hbm>>) dst(%dma_wait3A_591 : memref<512xi32, #tpu.memory_space<vmem>>)
      %dma_wait3A_593 = arith.constant 2560 : i32
      %dma_wait3A_594 = tpu.memref_slice %arg12[%dma_wait3A_593] : memref<3072xi32, #tpu.memory_space<vmem>> -> memref<512xi32, #tpu.memory_space<vmem>>
      %dma_wait3A_595 = tpu.memref_slice %arg5[%add3A_278] : memref<960000xi32, #tpu.memory_space<hbm>> -> memref<512xi32, #tpu.memory_space<hbm>>
      %dma_wait3A_596 = arith.constant 2560 : i32
      %dma_wait3A_597 = tpu.memref_slice %arg12[%dma_wait3A_596] : memref<3072xi32, #tpu.memory_space<vmem>> -> memref<512xi32, #tpu.memory_space<vmem>>
      %dma_wait3A_598 = tpu.memref_slice %arg5[%add3A_278] : memref<960000xi32, #tpu.memory_space<hbm>> -> memref<512xi32, #tpu.memory_space<hbm>>
      tpu.wait_dma2 semaphore(%arg36 : memref<!tpu.dma_semaphore, #tpu.memory_space<semaphore_mem>>) src(%dma_wait3A_598 : memref<512xi32, #tpu.memory_space<hbm>>) dst(%dma_wait3A_597 : memref<512xi32, #tpu.memory_space<vmem>>)
      %dma_wait3A_599 = arith.constant 2560 : i32
      %dma_wait3A_600 = tpu.memref_slice %arg14[%dma_wait3A_599] : memref<3072xi32, #tpu.memory_space<vmem>> -> memref<512xi32, #tpu.memory_space<vmem>>
      %dma_wait3A_601 = tpu.memref_slice %arg6[%add3A_278] : memref<960000xi32, #tpu.memory_space<hbm>> -> memref<512xi32, #tpu.memory_space<hbm>>
      %dma_wait3A_602 = arith.constant 2560 : i32
      %dma_wait3A_603 = tpu.memref_slice %arg14[%dma_wait3A_602] : memref<3072xi32, #tpu.memory_space<vmem>> -> memref<512xi32, #tpu.memory_space<vmem>>
      %dma_wait3A_604 = tpu.memref_slice %arg6[%add3A_278] : memref<960000xi32, #tpu.memory_space<hbm>> -> memref<512xi32, #tpu.memory_space<hbm>>
      tpu.wait_dma2 semaphore(%arg36 : memref<!tpu.dma_semaphore, #tpu.memory_space<semaphore_mem>>) src(%dma_wait3A_604 : memref<512xi32, #tpu.memory_space<hbm>>) dst(%dma_wait3A_603 : memref<512xi32, #tpu.memory_space<vmem>>)
      %dma_wait3A_605 = arith.constant 0 : i32
      %dma_wait3A_606 = tpu.memref_slice %arg9[%dma_wait3A_605] : memref<3072xi32, #tpu.memory_space<vmem>> -> memref<512xi32, #tpu.memory_space<vmem>>
      %dma_wait3A_607 = tpu.memref_slice %arg3[%add3A_304] : memref<960000xi32, #tpu.memory_space<hbm>> -> memref<512xi32, #tpu.memory_space<hbm>>
      %dma_wait3A_608 = arith.constant 0 : i32
      %dma_wait3A_609 = tpu.memref_slice %arg9[%dma_wait3A_608] : memref<3072xi32, #tpu.memory_space<vmem>> -> memref<512xi32, #tpu.memory_space<vmem>>
      %dma_wait3A_610 = tpu.memref_slice %arg3[%add3A_304] : memref<960000xi32, #tpu.memory_space<hbm>> -> memref<512xi32, #tpu.memory_space<hbm>>
      tpu.wait_dma2 semaphore(%arg37 : memref<!tpu.dma_semaphore, #tpu.memory_space<semaphore_mem>>) src(%dma_wait3A_610 : memref<512xi32, #tpu.memory_space<hbm>>) dst(%dma_wait3A_609 : memref<512xi32, #tpu.memory_space<vmem>>)
      %dma_wait3A_611 = arith.constant 0 : i32
      %dma_wait3A_612 = tpu.memref_slice %arg11[%dma_wait3A_611] : memref<3072xi32, #tpu.memory_space<vmem>> -> memref<512xi32, #tpu.memory_space<vmem>>
      %dma_wait3A_613 = tpu.memref_slice %arg4[%add3A_304] : memref<960000xi32, #tpu.memory_space<hbm>> -> memref<512xi32, #tpu.memory_space<hbm>>
      %dma_wait3A_614 = arith.constant 0 : i32
      %dma_wait3A_615 = tpu.memref_slice %arg11[%dma_wait3A_614] : memref<3072xi32, #tpu.memory_space<vmem>> -> memref<512xi32, #tpu.memory_space<vmem>>
      %dma_wait3A_616 = tpu.memref_slice %arg4[%add3A_304] : memref<960000xi32, #tpu.memory_space<hbm>> -> memref<512xi32, #tpu.memory_space<hbm>>
      tpu.wait_dma2 semaphore(%arg37 : memref<!tpu.dma_semaphore, #tpu.memory_space<semaphore_mem>>) src(%dma_wait3A_616 : memref<512xi32, #tpu.memory_space<hbm>>) dst(%dma_wait3A_615 : memref<512xi32, #tpu.memory_space<vmem>>)
      %dma_wait3A_617 = arith.constant 0 : i32
      %dma_wait3A_618 = tpu.memref_slice %arg13[%dma_wait3A_617] : memref<3072xi32, #tpu.memory_space<vmem>> -> memref<512xi32, #tpu.memory_space<vmem>>
      %dma_wait3A_619 = tpu.memref_slice %arg5[%add3A_304] : memref<960000xi32, #tpu.memory_space<hbm>> -> memref<512xi32, #tpu.memory_space<hbm>>
      %dma_wait3A_620 = arith.constant 0 : i32
      %dma_wait3A_621 = tpu.memref_slice %arg13[%dma_wait3A_620] : memref<3072xi32, #tpu.memory_space<vmem>> -> memref<512xi32, #tpu.memory_space<vmem>>
      %dma_wait3A_622 = tpu.memref_slice %arg5[%add3A_304] : memref<960000xi32, #tpu.memory_space<hbm>> -> memref<512xi32, #tpu.memory_space<hbm>>
      tpu.wait_dma2 semaphore(%arg37 : memref<!tpu.dma_semaphore, #tpu.memory_space<semaphore_mem>>) src(%dma_wait3A_622 : memref<512xi32, #tpu.memory_space<hbm>>) dst(%dma_wait3A_621 : memref<512xi32, #tpu.memory_space<vmem>>)
      %dma_wait3A_623 = arith.constant 0 : i32
      %dma_wait3A_624 = tpu.memref_slice %arg15[%dma_wait3A_623] : memref<3072xi32, #tpu.memory_space<vmem>> -> memref<512xi32, #tpu.memory_space<vmem>>
      %dma_wait3A_625 = tpu.memref_slice %arg6[%add3A_304] : memref<960000xi32, #tpu.memory_space<hbm>> -> memref<512xi32, #tpu.memory_space<hbm>>
      %dma_wait3A_626 = arith.constant 0 : i32
      %dma_wait3A_627 = tpu.memref_slice %arg15[%dma_wait3A_626] : memref<3072xi32, #tpu.memory_space<vmem>> -> memref<512xi32, #tpu.memory_space<vmem>>
      %dma_wait3A_628 = tpu.memref_slice %arg6[%add3A_304] : memref<960000xi32, #tpu.memory_space<hbm>> -> memref<512xi32, #tpu.memory_space<hbm>>
      tpu.wait_dma2 semaphore(%arg37 : memref<!tpu.dma_semaphore, #tpu.memory_space<semaphore_mem>>) src(%dma_wait3A_628 : memref<512xi32, #tpu.memory_space<hbm>>) dst(%dma_wait3A_627 : memref<512xi32, #tpu.memory_space<vmem>>)
      %dma_wait3A_629 = arith.constant 512 : i32
      %dma_wait3A_630 = tpu.memref_slice %arg9[%dma_wait3A_629] : memref<3072xi32, #tpu.memory_space<vmem>> -> memref<512xi32, #tpu.memory_space<vmem>>
      %dma_wait3A_631 = tpu.memref_slice %arg3[%add3A_330] : memref<960000xi32, #tpu.memory_space<hbm>> -> memref<512xi32, #tpu.memory_space<hbm>>
      %dma_wait3A_632 = arith.constant 512 : i32
      %dma_wait3A_633 = tpu.memref_slice %arg9[%dma_wait3A_632] : memref<3072xi32, #tpu.memory_space<vmem>> -> memref<512xi32, #tpu.memory_space<vmem>>
      %dma_wait3A_634 = tpu.memref_slice %arg3[%add3A_330] : memref<960000xi32, #tpu.memory_space<hbm>> -> memref<512xi32, #tpu.memory_space<hbm>>
      tpu.wait_dma2 semaphore(%arg37 : memref<!tpu.dma_semaphore, #tpu.memory_space<semaphore_mem>>) src(%dma_wait3A_634 : memref<512xi32, #tpu.memory_space<hbm>>) dst(%dma_wait3A_633 : memref<512xi32, #tpu.memory_space<vmem>>)
      %dma_wait3A_635 = arith.constant 512 : i32
      %dma_wait3A_636 = tpu.memref_slice %arg11[%dma_wait3A_635] : memref<3072xi32, #tpu.memory_space<vmem>> -> memref<512xi32, #tpu.memory_space<vmem>>
      %dma_wait3A_637 = tpu.memref_slice %arg4[%add3A_330] : memref<960000xi32, #tpu.memory_space<hbm>> -> memref<512xi32, #tpu.memory_space<hbm>>
      %dma_wait3A_638 = arith.constant 512 : i32
      %dma_wait3A_639 = tpu.memref_slice %arg11[%dma_wait3A_638] : memref<3072xi32, #tpu.memory_space<vmem>> -> memref<512xi32, #tpu.memory_space<vmem>>
      %dma_wait3A_640 = tpu.memref_slice %arg4[%add3A_330] : memref<960000xi32, #tpu.memory_space<hbm>> -> memref<512xi32, #tpu.memory_space<hbm>>
      tpu.wait_dma2 semaphore(%arg37 : memref<!tpu.dma_semaphore, #tpu.memory_space<semaphore_mem>>) src(%dma_wait3A_640 : memref<512xi32, #tpu.memory_space<hbm>>) dst(%dma_wait3A_639 : memref<512xi32, #tpu.memory_space<vmem>>)
      %dma_wait3A_641 = arith.constant 512 : i32
      %dma_wait3A_642 = tpu.memref_slice %arg13[%dma_wait3A_641] : memref<3072xi32, #tpu.memory_space<vmem>> -> memref<512xi32, #tpu.memory_space<vmem>>
      %dma_wait3A_643 = tpu.memref_slice %arg5[%add3A_330] : memref<960000xi32, #tpu.memory_space<hbm>> -> memref<512xi32, #tpu.memory_space<hbm>>
      %dma_wait3A_644 = arith.constant 512 : i32
      %dma_wait3A_645 = tpu.memref_slice %arg13[%dma_wait3A_644] : memref<3072xi32, #tpu.memory_space<vmem>> -> memref<512xi32, #tpu.memory_space<vmem>>
      %dma_wait3A_646 = tpu.memref_slice %arg5[%add3A_330] : memref<960000xi32, #tpu.memory_space<hbm>> -> memref<512xi32, #tpu.memory_space<hbm>>
      tpu.wait_dma2 semaphore(%arg37 : memref<!tpu.dma_semaphore, #tpu.memory_space<semaphore_mem>>) src(%dma_wait3A_646 : memref<512xi32, #tpu.memory_space<hbm>>) dst(%dma_wait3A_645 : memref<512xi32, #tpu.memory_space<vmem>>)
      %dma_wait3A_647 = arith.constant 512 : i32
      %dma_wait3A_648 = tpu.memref_slice %arg15[%dma_wait3A_647] : memref<3072xi32, #tpu.memory_space<vmem>> -> memref<512xi32, #tpu.memory_space<vmem>>
      %dma_wait3A_649 = tpu.memref_slice %arg6[%add3A_330] : memref<960000xi32, #tpu.memory_space<hbm>> -> memref<512xi32, #tpu.memory_space<hbm>>
      %dma_wait3A_650 = arith.constant 512 : i32
      %dma_wait3A_651 = tpu.memref_slice %arg15[%dma_wait3A_650] : memref<3072xi32, #tpu.memory_space<vmem>> -> memref<512xi32, #tpu.memory_space<vmem>>
      %dma_wait3A_652 = tpu.memref_slice %arg6[%add3A_330] : memref<960000xi32, #tpu.memory_space<hbm>> -> memref<512xi32, #tpu.memory_space<hbm>>
      tpu.wait_dma2 semaphore(%arg37 : memref<!tpu.dma_semaphore, #tpu.memory_space<semaphore_mem>>) src(%dma_wait3A_652 : memref<512xi32, #tpu.memory_space<hbm>>) dst(%dma_wait3A_651 : memref<512xi32, #tpu.memory_space<vmem>>)
      %dma_wait3A_653 = arith.constant 1024 : i32
      %dma_wait3A_654 = tpu.memref_slice %arg9[%dma_wait3A_653] : memref<3072xi32, #tpu.memory_space<vmem>> -> memref<512xi32, #tpu.memory_space<vmem>>
      %dma_wait3A_655 = tpu.memref_slice %arg3[%add3A_356] : memref<960000xi32, #tpu.memory_space<hbm>> -> memref<512xi32, #tpu.memory_space<hbm>>
      %dma_wait3A_656 = arith.constant 1024 : i32
      %dma_wait3A_657 = tpu.memref_slice %arg9[%dma_wait3A_656] : memref<3072xi32, #tpu.memory_space<vmem>> -> memref<512xi32, #tpu.memory_space<vmem>>
      %dma_wait3A_658 = tpu.memref_slice %arg3[%add3A_356] : memref<960000xi32, #tpu.memory_space<hbm>> -> memref<512xi32, #tpu.memory_space<hbm>>
      tpu.wait_dma2 semaphore(%arg37 : memref<!tpu.dma_semaphore, #tpu.memory_space<semaphore_mem>>) src(%dma_wait3A_658 : memref<512xi32, #tpu.memory_space<hbm>>) dst(%dma_wait3A_657 : memref<512xi32, #tpu.memory_space<vmem>>)
      %dma_wait3A_659 = arith.constant 1024 : i32
      %dma_wait3A_660 = tpu.memref_slice %arg11[%dma_wait3A_659] : memref<3072xi32, #tpu.memory_space<vmem>> -> memref<512xi32, #tpu.memory_space<vmem>>
      %dma_wait3A_661 = tpu.memref_slice %arg4[%add3A_356] : memref<960000xi32, #tpu.memory_space<hbm>> -> memref<512xi32, #tpu.memory_space<hbm>>
      %dma_wait3A_662 = arith.constant 1024 : i32
      %dma_wait3A_663 = tpu.memref_slice %arg11[%dma_wait3A_662] : memref<3072xi32, #tpu.memory_space<vmem>> -> memref<512xi32, #tpu.memory_space<vmem>>
      %dma_wait3A_664 = tpu.memref_slice %arg4[%add3A_356] : memref<960000xi32, #tpu.memory_space<hbm>> -> memref<512xi32, #tpu.memory_space<hbm>>
      tpu.wait_dma2 semaphore(%arg37 : memref<!tpu.dma_semaphore, #tpu.memory_space<semaphore_mem>>) src(%dma_wait3A_664 : memref<512xi32, #tpu.memory_space<hbm>>) dst(%dma_wait3A_663 : memref<512xi32, #tpu.memory_space<vmem>>)
      %dma_wait3A_665 = arith.constant 1024 : i32
      %dma_wait3A_666 = tpu.memref_slice %arg13[%dma_wait3A_665] : memref<3072xi32, #tpu.memory_space<vmem>> -> memref<512xi32, #tpu.memory_space<vmem>>
      %dma_wait3A_667 = tpu.memref_slice %arg5[%add3A_356] : memref<960000xi32, #tpu.memory_space<hbm>> -> memref<512xi32, #tpu.memory_space<hbm>>
      %dma_wait3A_668 = arith.constant 1024 : i32
      %dma_wait3A_669 = tpu.memref_slice %arg13[%dma_wait3A_668] : memref<3072xi32, #tpu.memory_space<vmem>> -> memref<512xi32, #tpu.memory_space<vmem>>
      %dma_wait3A_670 = tpu.memref_slice %arg5[%add3A_356] : memref<960000xi32, #tpu.memory_space<hbm>> -> memref<512xi32, #tpu.memory_space<hbm>>
      tpu.wait_dma2 semaphore(%arg37 : memref<!tpu.dma_semaphore, #tpu.memory_space<semaphore_mem>>) src(%dma_wait3A_670 : memref<512xi32, #tpu.memory_space<hbm>>) dst(%dma_wait3A_669 : memref<512xi32, #tpu.memory_space<vmem>>)
      %dma_wait3A_671 = arith.constant 1024 : i32
      %dma_wait3A_672 = tpu.memref_slice %arg15[%dma_wait3A_671] : memref<3072xi32, #tpu.memory_space<vmem>> -> memref<512xi32, #tpu.memory_space<vmem>>
      %dma_wait3A_673 = tpu.memref_slice %arg6[%add3A_356] : memref<960000xi32, #tpu.memory_space<hbm>> -> memref<512xi32, #tpu.memory_space<hbm>>
      %dma_wait3A_674 = arith.constant 1024 : i32
      %dma_wait3A_675 = tpu.memref_slice %arg15[%dma_wait3A_674] : memref<3072xi32, #tpu.memory_space<vmem>> -> memref<512xi32, #tpu.memory_space<vmem>>
      %dma_wait3A_676 = tpu.memref_slice %arg6[%add3A_356] : memref<960000xi32, #tpu.memory_space<hbm>> -> memref<512xi32, #tpu.memory_space<hbm>>
      tpu.wait_dma2 semaphore(%arg37 : memref<!tpu.dma_semaphore, #tpu.memory_space<semaphore_mem>>) src(%dma_wait3A_676 : memref<512xi32, #tpu.memory_space<hbm>>) dst(%dma_wait3A_675 : memref<512xi32, #tpu.memory_space<vmem>>)
      %dma_wait3A_677 = arith.constant 1536 : i32
      %dma_wait3A_678 = tpu.memref_slice %arg9[%dma_wait3A_677] : memref<3072xi32, #tpu.memory_space<vmem>> -> memref<512xi32, #tpu.memory_space<vmem>>
      %dma_wait3A_679 = tpu.memref_slice %arg3[%add3A_382] : memref<960000xi32, #tpu.memory_space<hbm>> -> memref<512xi32, #tpu.memory_space<hbm>>
      %dma_wait3A_680 = arith.constant 1536 : i32
      %dma_wait3A_681 = tpu.memref_slice %arg9[%dma_wait3A_680] : memref<3072xi32, #tpu.memory_space<vmem>> -> memref<512xi32, #tpu.memory_space<vmem>>
      %dma_wait3A_682 = tpu.memref_slice %arg3[%add3A_382] : memref<960000xi32, #tpu.memory_space<hbm>> -> memref<512xi32, #tpu.memory_space<hbm>>
      tpu.wait_dma2 semaphore(%arg37 : memref<!tpu.dma_semaphore, #tpu.memory_space<semaphore_mem>>) src(%dma_wait3A_682 : memref<512xi32, #tpu.memory_space<hbm>>) dst(%dma_wait3A_681 : memref<512xi32, #tpu.memory_space<vmem>>)
      %dma_wait3A_683 = arith.constant 1536 : i32
      %dma_wait3A_684 = tpu.memref_slice %arg11[%dma_wait3A_683] : memref<3072xi32, #tpu.memory_space<vmem>> -> memref<512xi32, #tpu.memory_space<vmem>>
      %dma_wait3A_685 = tpu.memref_slice %arg4[%add3A_382] : memref<960000xi32, #tpu.memory_space<hbm>> -> memref<512xi32, #tpu.memory_space<hbm>>
      %dma_wait3A_686 = arith.constant 1536 : i32
      %dma_wait3A_687 = tpu.memref_slice %arg11[%dma_wait3A_686] : memref<3072xi32, #tpu.memory_space<vmem>> -> memref<512xi32, #tpu.memory_space<vmem>>
      %dma_wait3A_688 = tpu.memref_slice %arg4[%add3A_382] : memref<960000xi32, #tpu.memory_space<hbm>> -> memref<512xi32, #tpu.memory_space<hbm>>
      tpu.wait_dma2 semaphore(%arg37 : memref<!tpu.dma_semaphore, #tpu.memory_space<semaphore_mem>>) src(%dma_wait3A_688 : memref<512xi32, #tpu.memory_space<hbm>>) dst(%dma_wait3A_687 : memref<512xi32, #tpu.memory_space<vmem>>)
      %dma_wait3A_689 = arith.constant 1536 : i32
      %dma_wait3A_690 = tpu.memref_slice %arg13[%dma_wait3A_689] : memref<3072xi32, #tpu.memory_space<vmem>> -> memref<512xi32, #tpu.memory_space<vmem>>
      %dma_wait3A_691 = tpu.memref_slice %arg5[%add3A_382] : memref<960000xi32, #tpu.memory_space<hbm>> -> memref<512xi32, #tpu.memory_space<hbm>>
      %dma_wait3A_692 = arith.constant 1536 : i32
      %dma_wait3A_693 = tpu.memref_slice %arg13[%dma_wait3A_692] : memref<3072xi32, #tpu.memory_space<vmem>> -> memref<512xi32, #tpu.memory_space<vmem>>
      %dma_wait3A_694 = tpu.memref_slice %arg5[%add3A_382] : memref<960000xi32, #tpu.memory_space<hbm>> -> memref<512xi32, #tpu.memory_space<hbm>>
      tpu.wait_dma2 semaphore(%arg37 : memref<!tpu.dma_semaphore, #tpu.memory_space<semaphore_mem>>) src(%dma_wait3A_694 : memref<512xi32, #tpu.memory_space<hbm>>) dst(%dma_wait3A_693 : memref<512xi32, #tpu.memory_space<vmem>>)
      %dma_wait3A_695 = arith.constant 1536 : i32
      %dma_wait3A_696 = tpu.memref_slice %arg15[%dma_wait3A_695] : memref<3072xi32, #tpu.memory_space<vmem>> -> memref<512xi32, #tpu.memory_space<vmem>>
      %dma_wait3A_697 = tpu.memref_slice %arg6[%add3A_382] : memref<960000xi32, #tpu.memory_space<hbm>> -> memref<512xi32, #tpu.memory_space<hbm>>
      %dma_wait3A_698 = arith.constant 1536 : i32
      %dma_wait3A_699 = tpu.memref_slice %arg15[%dma_wait3A_698] : memref<3072xi32, #tpu.memory_space<vmem>> -> memref<512xi32, #tpu.memory_space<vmem>>
      %dma_wait3A_700 = tpu.memref_slice %arg6[%add3A_382] : memref<960000xi32, #tpu.memory_space<hbm>> -> memref<512xi32, #tpu.memory_space<hbm>>
      tpu.wait_dma2 semaphore(%arg37 : memref<!tpu.dma_semaphore, #tpu.memory_space<semaphore_mem>>) src(%dma_wait3A_700 : memref<512xi32, #tpu.memory_space<hbm>>) dst(%dma_wait3A_699 : memref<512xi32, #tpu.memory_space<vmem>>)
      %dma_wait3A_701 = arith.constant 2048 : i32
      %dma_wait3A_702 = tpu.memref_slice %arg9[%dma_wait3A_701] : memref<3072xi32, #tpu.memory_space<vmem>> -> memref<512xi32, #tpu.memory_space<vmem>>
      %dma_wait3A_703 = tpu.memref_slice %arg3[%add3A_408] : memref<960000xi32, #tpu.memory_space<hbm>> -> memref<512xi32, #tpu.memory_space<hbm>>
      %dma_wait3A_704 = arith.constant 2048 : i32
      %dma_wait3A_705 = tpu.memref_slice %arg9[%dma_wait3A_704] : memref<3072xi32, #tpu.memory_space<vmem>> -> memref<512xi32, #tpu.memory_space<vmem>>
      %dma_wait3A_706 = tpu.memref_slice %arg3[%add3A_408] : memref<960000xi32, #tpu.memory_space<hbm>> -> memref<512xi32, #tpu.memory_space<hbm>>
      tpu.wait_dma2 semaphore(%arg37 : memref<!tpu.dma_semaphore, #tpu.memory_space<semaphore_mem>>) src(%dma_wait3A_706 : memref<512xi32, #tpu.memory_space<hbm>>) dst(%dma_wait3A_705 : memref<512xi32, #tpu.memory_space<vmem>>)
      %dma_wait3A_707 = arith.constant 2048 : i32
      %dma_wait3A_708 = tpu.memref_slice %arg11[%dma_wait3A_707] : memref<3072xi32, #tpu.memory_space<vmem>> -> memref<512xi32, #tpu.memory_space<vmem>>
      %dma_wait3A_709 = tpu.memref_slice %arg4[%add3A_408] : memref<960000xi32, #tpu.memory_space<hbm>> -> memref<512xi32, #tpu.memory_space<hbm>>
      %dma_wait3A_710 = arith.constant 2048 : i32
      %dma_wait3A_711 = tpu.memref_slice %arg11[%dma_wait3A_710] : memref<3072xi32, #tpu.memory_space<vmem>> -> memref<512xi32, #tpu.memory_space<vmem>>
      %dma_wait3A_712 = tpu.memref_slice %arg4[%add3A_408] : memref<960000xi32, #tpu.memory_space<hbm>> -> memref<512xi32, #tpu.memory_space<hbm>>
      tpu.wait_dma2 semaphore(%arg37 : memref<!tpu.dma_semaphore, #tpu.memory_space<semaphore_mem>>) src(%dma_wait3A_712 : memref<512xi32, #tpu.memory_space<hbm>>) dst(%dma_wait3A_711 : memref<512xi32, #tpu.memory_space<vmem>>)
      %dma_wait3A_713 = arith.constant 2048 : i32
      %dma_wait3A_714 = tpu.memref_slice %arg13[%dma_wait3A_713] : memref<3072xi32, #tpu.memory_space<vmem>> -> memref<512xi32, #tpu.memory_space<vmem>>
      %dma_wait3A_715 = tpu.memref_slice %arg5[%add3A_408] : memref<960000xi32, #tpu.memory_space<hbm>> -> memref<512xi32, #tpu.memory_space<hbm>>
      %dma_wait3A_716 = arith.constant 2048 : i32
      %dma_wait3A_717 = tpu.memref_slice %arg13[%dma_wait3A_716] : memref<3072xi32, #tpu.memory_space<vmem>> -> memref<512xi32, #tpu.memory_space<vmem>>
      %dma_wait3A_718 = tpu.memref_slice %arg5[%add3A_408] : memref<960000xi32, #tpu.memory_space<hbm>> -> memref<512xi32, #tpu.memory_space<hbm>>
      tpu.wait_dma2 semaphore(%arg37 : memref<!tpu.dma_semaphore, #tpu.memory_space<semaphore_mem>>) src(%dma_wait3A_718 : memref<512xi32, #tpu.memory_space<hbm>>) dst(%dma_wait3A_717 : memref<512xi32, #tpu.memory_space<vmem>>)
      %dma_wait3A_719 = arith.constant 2048 : i32
      %dma_wait3A_720 = tpu.memref_slice %arg15[%dma_wait3A_719] : memref<3072xi32, #tpu.memory_space<vmem>> -> memref<512xi32, #tpu.memory_space<vmem>>
      %dma_wait3A_721 = tpu.memref_slice %arg6[%add3A_408] : memref<960000xi32, #tpu.memory_space<hbm>> -> memref<512xi32, #tpu.memory_space<hbm>>
      %dma_wait3A_722 = arith.constant 2048 : i32
      %dma_wait3A_723 = tpu.memref_slice %arg15[%dma_wait3A_722] : memref<3072xi32, #tpu.memory_space<vmem>> -> memref<512xi32, #tpu.memory_space<vmem>>
      %dma_wait3A_724 = tpu.memref_slice %arg6[%add3A_408] : memref<960000xi32, #tpu.memory_space<hbm>> -> memref<512xi32, #tpu.memory_space<hbm>>
      tpu.wait_dma2 semaphore(%arg37 : memref<!tpu.dma_semaphore, #tpu.memory_space<semaphore_mem>>) src(%dma_wait3A_724 : memref<512xi32, #tpu.memory_space<hbm>>) dst(%dma_wait3A_723 : memref<512xi32, #tpu.memory_space<vmem>>)
      %dma_wait3A_725 = arith.constant 2560 : i32
      %dma_wait3A_726 = tpu.memref_slice %arg9[%dma_wait3A_725] : memref<3072xi32, #tpu.memory_space<vmem>> -> memref<512xi32, #tpu.memory_space<vmem>>
      %dma_wait3A_727 = tpu.memref_slice %arg3[%add3A_434] : memref<960000xi32, #tpu.memory_space<hbm>> -> memref<512xi32, #tpu.memory_space<hbm>>
      %dma_wait3A_728 = arith.constant 2560 : i32
      %dma_wait3A_729 = tpu.memref_slice %arg9[%dma_wait3A_728] : memref<3072xi32, #tpu.memory_space<vmem>> -> memref<512xi32, #tpu.memory_space<vmem>>
      %dma_wait3A_730 = tpu.memref_slice %arg3[%add3A_434] : memref<960000xi32, #tpu.memory_space<hbm>> -> memref<512xi32, #tpu.memory_space<hbm>>
      tpu.wait_dma2 semaphore(%arg37 : memref<!tpu.dma_semaphore, #tpu.memory_space<semaphore_mem>>) src(%dma_wait3A_730 : memref<512xi32, #tpu.memory_space<hbm>>) dst(%dma_wait3A_729 : memref<512xi32, #tpu.memory_space<vmem>>)
      %dma_wait3A_731 = arith.constant 2560 : i32
      %dma_wait3A_732 = tpu.memref_slice %arg11[%dma_wait3A_731] : memref<3072xi32, #tpu.memory_space<vmem>> -> memref<512xi32, #tpu.memory_space<vmem>>
      %dma_wait3A_733 = tpu.memref_slice %arg4[%add3A_434] : memref<960000xi32, #tpu.memory_space<hbm>> -> memref<512xi32, #tpu.memory_space<hbm>>
      %dma_wait3A_734 = arith.constant 2560 : i32
      %dma_wait3A_735 = tpu.memref_slice %arg11[%dma_wait3A_734] : memref<3072xi32, #tpu.memory_space<vmem>> -> memref<512xi32, #tpu.memory_space<vmem>>
      %dma_wait3A_736 = tpu.memref_slice %arg4[%add3A_434] : memref<960000xi32, #tpu.memory_space<hbm>> -> memref<512xi32, #tpu.memory_space<hbm>>
      tpu.wait_dma2 semaphore(%arg37 : memref<!tpu.dma_semaphore, #tpu.memory_space<semaphore_mem>>) src(%dma_wait3A_736 : memref<512xi32, #tpu.memory_space<hbm>>) dst(%dma_wait3A_735 : memref<512xi32, #tpu.memory_space<vmem>>)
      %dma_wait3A_737 = arith.constant 2560 : i32
      %dma_wait3A_738 = tpu.memref_slice %arg13[%dma_wait3A_737] : memref<3072xi32, #tpu.memory_space<vmem>> -> memref<512xi32, #tpu.memory_space<vmem>>
      %dma_wait3A_739 = tpu.memref_slice %arg5[%add3A_434] : memref<960000xi32, #tpu.memory_space<hbm>> -> memref<512xi32, #tpu.memory_space<hbm>>
      %dma_wait3A_740 = arith.constant 2560 : i32
      %dma_wait3A_741 = tpu.memref_slice %arg13[%dma_wait3A_740] : memref<3072xi32, #tpu.memory_space<vmem>> -> memref<512xi32, #tpu.memory_space<vmem>>
      %dma_wait3A_742 = tpu.memref_slice %arg5[%add3A_434] : memref<960000xi32, #tpu.memory_space<hbm>> -> memref<512xi32, #tpu.memory_space<hbm>>
      tpu.wait_dma2 semaphore(%arg37 : memref<!tpu.dma_semaphore, #tpu.memory_space<semaphore_mem>>) src(%dma_wait3A_742 : memref<512xi32, #tpu.memory_space<hbm>>) dst(%dma_wait3A_741 : memref<512xi32, #tpu.memory_space<vmem>>)
      %dma_wait3A_743 = arith.constant 2560 : i32
      %dma_wait3A_744 = tpu.memref_slice %arg15[%dma_wait3A_743] : memref<3072xi32, #tpu.memory_space<vmem>> -> memref<512xi32, #tpu.memory_space<vmem>>
      %dma_wait3A_745 = tpu.memref_slice %arg6[%add3A_434] : memref<960000xi32, #tpu.memory_space<hbm>> -> memref<512xi32, #tpu.memory_space<hbm>>
      %dma_wait3A_746 = arith.constant 2560 : i32
      %dma_wait3A_747 = tpu.memref_slice %arg15[%dma_wait3A_746] : memref<3072xi32, #tpu.memory_space<vmem>> -> memref<512xi32, #tpu.memory_space<vmem>>
      %dma_wait3A_748 = tpu.memref_slice %arg6[%add3A_434] : memref<960000xi32, #tpu.memory_space<hbm>> -> memref<512xi32, #tpu.memory_space<hbm>>
      tpu.wait_dma2 semaphore(%arg37 : memref<!tpu.dma_semaphore, #tpu.memory_space<semaphore_mem>>) src(%dma_wait3A_748 : memref<512xi32, #tpu.memory_space<hbm>>) dst(%dma_wait3A_747 : memref<512xi32, #tpu.memory_space<vmem>>)
      %scan3A_749 = arith.constant 0 : i32
      %scan3A_750 = arith.constant 0 : i32
      %scan3A_751 = arith.constant 32 : i32
      %scan3A_752 = arith.addi %scan3A_750, %scan3A_751 : i32
      %scan3A_753 = arith.constant 1 : i32
      %scan3A_754 = scf.for %scan3A_825 = %scan3A_750 to %scan3A_752 step %scan3A_753 iter_args(%scan3A_826 = %scan3A_749) -> (i32)  : i32 {
        %mul3A_827 = arith.constant 16 : i32
        %mul3A_828 = arith.muli %scan3A_825, %mul3A_827 : i32
        %add3A_829 = arith.constant 0 : i32
        %add3A_830 = arith.addi %add3A_829, %mul3A_828 : i32
        %get3A = arith.index_cast %add3A_830 : i32 to index
        %get3A_831 = tpu.vector_load %arg12[%get3A] {strides = array<i32>} : memref<3072xi32, #tpu.memory_space<vmem>>, vector<16xi32>,
        %mul3A_832 = arith.constant 1920 : i32
        %mul3A_833 = vector.broadcast %mul3A_832 : i32 to vector<16xi32>
        %mul3A_834 = arith.muli %get3A_831, %mul3A_833 : vector<16xi32>
        %get3A_835 = arith.index_cast %add3A_830 : i32 to index
        %get3A_836 = tpu.vector_load %arg10[%get3A_835] {strides = array<i32>} : memref<3072xi32, #tpu.memory_space<vmem>>, vector<16xi32>,
        %mul3A_837 = arith.constant 60 : i32
        %mul3A_838 = vector.broadcast %mul3A_837 : i32 to vector<16xi32>
        %mul3A_839 = arith.muli %get3A_836, %mul3A_838 : vector<16xi32>
        %add3A_840 = arith.addi %mul3A_834, %mul3A_839 : vector<16xi32>
        %get3A_841 = arith.index_cast %add3A_830 : i32 to index
        %get3A_842 = tpu.vector_load %arg8[%get3A_841] {strides = array<i32>} : memref<3072xi32, #tpu.memory_space<vmem>>, vector<16xi32>,
        %add3A_843 = arith.addi %add3A_840, %get3A_842 : vector<16xi32>
        %add3A_844 = arith.constant 0 : i32
        %add3A_845 = vector.broadcast %add3A_844 : i32 to vector<16xi32>
        %add3A_846 = arith.addi %add3A_843, %add3A_845 : vector<16xi32>
        %get3A_847 = arith.index_cast %add3A_830 : i32 to index
        %get3A_848 = tpu.vector_load %arg14[%get3A_847] {strides = array<i32>} : memref<3072xi32, #tpu.memory_space<vmem>>, vector<16xi32>,
        %sub3A = arith.constant 1 : i32
        %sub3A_849 = vector.broadcast %sub3A : i32 to vector<16xi32>
        %sub3A_850 = arith.subi %get3A_848, %sub3A_849 : vector<16xi32>
        %or3A = arith.ori %add3A_846, %sub3A_850 : vector<16xi32>
        %mul3A_851 = arith.constant 16 : i32
        %mul3A_852 = arith.muli %scan3A_825, %mul3A_851 : i32
        %swap3A = arith.index_cast %mul3A_852 : i32 to index
        %swap3A_853 = tpu.vector_load %arg16[%swap3A] {strides = array<i32>} : memref<512xi32, #tpu.memory_space<vmem>>, vector<16xi32>,
        tpu.vector_store %arg16[%swap3A], %or3A {strides = array<i32>} : memref<512xi32, #tpu.memory_space<vmem>>, vector<16xi32>,
        %mul3A_854 = arith.constant 16 : i32
        %mul3A_855 = arith.muli %scan3A_825, %mul3A_854 : i32
        %add3A_856 = arith.constant 512 : i32
        %add3A_857 = arith.addi %add3A_856, %mul3A_855 : i32
        %get3A_858 = arith.index_cast %add3A_857 : i32 to index
        %get3A_859 = tpu.vector_load %arg12[%get3A_858] {strides = array<i32>} : memref<3072xi32, #tpu.memory_space<vmem>>, vector<16xi32>,
        %mul3A_860 = arith.constant 1920 : i32
        %mul3A_861 = vector.broadcast %mul3A_860 : i32 to vector<16xi32>
        %mul3A_862 = arith.muli %get3A_859, %mul3A_861 : vector<16xi32>
        %get3A_863 = arith.index_cast %add3A_857 : i32 to index
        %get3A_864 = tpu.vector_load %arg10[%get3A_863] {strides = array<i32>} : memref<3072xi32, #tpu.memory_space<vmem>>, vector<16xi32>,
        %mul3A_865 = arith.constant 60 : i32
        %mul3A_866 = vector.broadcast %mul3A_865 : i32 to vector<16xi32>
        %mul3A_867 = arith.muli %get3A_864, %mul3A_866 : vector<16xi32>
        %add3A_868 = arith.addi %mul3A_862, %mul3A_867 : vector<16xi32>
        %get3A_869 = arith.index_cast %add3A_857 : i32 to index
        %get3A_870 = tpu.vector_load %arg8[%get3A_869] {strides = array<i32>} : memref<3072xi32, #tpu.memory_space<vmem>>, vector<16xi32>,
        %add3A_871 = arith.addi %add3A_868, %get3A_870 : vector<16xi32>
        %add3A_872 = arith.constant 61440 : i32
        %add3A_873 = vector.broadcast %add3A_872 : i32 to vector<16xi32>
        %add3A_874 = arith.addi %add3A_871, %add3A_873 : vector<16xi32>
        %get3A_875 = arith.index_cast %add3A_857 : i32 to index
        %get3A_876 = tpu.vector_load %arg14[%get3A_875] {strides = array<i32>} : memref<3072xi32, #tpu.memory_space<vmem>>, vector<16xi32>,
        %sub3A_877 = arith.constant 1 : i32
        %sub3A_878 = vector.broadcast %sub3A_877 : i32 to vector<16xi32>
        %sub3A_879 = arith.subi %get3A_876, %sub3A_878 : vector<16xi32>
        %or3A_880 = arith.ori %add3A_874, %sub3A_879 : vector<16xi32>
        %mul3A_881 = arith.constant 16 : i32
        %mul3A_882 = arith.muli %scan3A_825, %mul3A_881 : i32
        %swap3A_883 = arith.index_cast %mul3A_882 : i32 to index
        %swap3A_884 = tpu.vector_load %arg17[%swap3A_883] {strides = array<i32>} : memref<512xi32, #tpu.memory_space<vmem>>, vector<16xi32>,
        tpu.vector_store %arg17[%swap3A_883], %or3A_880 {strides = array<i32>} : memref<512xi32, #tpu.memory_space<vmem>>, vector<16xi32>,
        %mul3A_885 = arith.constant 16 : i32
        %mul3A_886 = arith.muli %scan3A_825, %mul3A_885 : i32
        %add3A_887 = arith.constant 1024 : i32
        %add3A_888 = arith.addi %add3A_887, %mul3A_886 : i32
        %get3A_889 = arith.index_cast %add3A_888 : i32 to index
        %get3A_890 = tpu.vector_load %arg12[%get3A_889] {strides = array<i32>} : memref<3072xi32, #tpu.memory_space<vmem>>, vector<16xi32>,
        %mul3A_891 = arith.constant 1920 : i32
        %mul3A_892 = vector.broadcast %mul3A_891 : i32 to vector<16xi32>
        %mul3A_893 = arith.muli %get3A_890, %mul3A_892 : vector<16xi32>
        %get3A_894 = arith.index_cast %add3A_888 : i32 to index
        %get3A_895 = tpu.vector_load %arg10[%get3A_894] {strides = array<i32>} : memref<3072xi32, #tpu.memory_space<vmem>>, vector<16xi32>,
        %mul3A_896 = arith.constant 60 : i32
        %mul3A_897 = vector.broadcast %mul3A_896 : i32 to vector<16xi32>
        %mul3A_898 = arith.muli %get3A_895, %mul3A_897 : vector<16xi32>
        %add3A_899 = arith.addi %mul3A_893, %mul3A_898 : vector<16xi32>
        %get3A_900 = arith.index_cast %add3A_888 : i32 to index
        %get3A_901 = tpu.vector_load %arg8[%get3A_900] {strides = array<i32>} : memref<3072xi32, #tpu.memory_space<vmem>>, vector<16xi32>,
        %add3A_902 = arith.addi %add3A_899, %get3A_901 : vector<16xi32>
        %add3A_903 = arith.constant 122880 : i32
        %add3A_904 = vector.broadcast %add3A_903 : i32 to vector<16xi32>
        %add3A_905 = arith.addi %add3A_902, %add3A_904 : vector<16xi32>
        %get3A_906 = arith.index_cast %add3A_888 : i32 to index
        %get3A_907 = tpu.vector_load %arg14[%get3A_906] {strides = array<i32>} : memref<3072xi32, #tpu.memory_space<vmem>>, vector<16xi32>,
        %sub3A_908 = arith.constant 1 : i32
        %sub3A_909 = vector.broadcast %sub3A_908 : i32 to vector<16xi32>
        %sub3A_910 = arith.subi %get3A_907, %sub3A_909 : vector<16xi32>
        %or3A_911 = arith.ori %add3A_905, %sub3A_910 : vector<16xi32>
        %mul3A_912 = arith.constant 16 : i32
        %mul3A_913 = arith.muli %scan3A_825, %mul3A_912 : i32
        %swap3A_914 = arith.index_cast %mul3A_913 : i32 to index
        %swap3A_915 = tpu.vector_load %arg18[%swap3A_914] {strides = array<i32>} : memref<512xi32, #tpu.memory_space<vmem>>, vector<16xi32>,
        tpu.vector_store %arg18[%swap3A_914], %or3A_911 {strides = array<i32>} : memref<512xi32, #tpu.memory_space<vmem>>, vector<16xi32>,
        %mul3A_916 = arith.constant 16 : i32
        %mul3A_917 = arith.muli %scan3A_825, %mul3A_916 : i32
        %add3A_918 = arith.constant 1536 : i32
        %add3A_919 = arith.addi %add3A_918, %mul3A_917 : i32
        %get3A_920 = arith.index_cast %add3A_919 : i32 to index
        %get3A_921 = tpu.vector_load %arg12[%get3A_920] {strides = array<i32>} : memref<3072xi32, #tpu.memory_space<vmem>>, vector<16xi32>,
        %mul3A_922 = arith.constant 1920 : i32
        %mul3A_923 = vector.broadcast %mul3A_922 : i32 to vector<16xi32>
        %mul3A_924 = arith.muli %get3A_921, %mul3A_923 : vector<16xi32>
        %get3A_925 = arith.index_cast %add3A_919 : i32 to index
        %get3A_926 = tpu.vector_load %arg10[%get3A_925] {strides = array<i32>} : memref<3072xi32, #tpu.memory_space<vmem>>, vector<16xi32>,
        %mul3A_927 = arith.constant 60 : i32
        %mul3A_928 = vector.broadcast %mul3A_927 : i32 to vector<16xi32>
        %mul3A_929 = arith.muli %get3A_926, %mul3A_928 : vector<16xi32>
        %add3A_930 = arith.addi %mul3A_924, %mul3A_929 : vector<16xi32>
        %get3A_931 = arith.index_cast %add3A_919 : i32 to index
        %get3A_932 = tpu.vector_load %arg8[%get3A_931] {strides = array<i32>} : memref<3072xi32, #tpu.memory_space<vmem>>, vector<16xi32>,
        %add3A_933 = arith.addi %add3A_930, %get3A_932 : vector<16xi32>
        %add3A_934 = arith.constant 184320 : i32
        %add3A_935 = vector.broadcast %add3A_934 : i32 to vector<16xi32>
        %add3A_936 = arith.addi %add3A_933, %add3A_935 : vector<16xi32>
        %get3A_937 = arith.index_cast %add3A_919 : i32 to index
        %get3A_938 = tpu.vector_load %arg14[%get3A_937] {strides = array<i32>} : memref<3072xi32, #tpu.memory_space<vmem>>, vector<16xi32>,
        %sub3A_939 = arith.constant 1 : i32
        %sub3A_940 = vector.broadcast %sub3A_939 : i32 to vector<16xi32>
        %sub3A_941 = arith.subi %get3A_938, %sub3A_940 : vector<16xi32>
        %or3A_942 = arith.ori %add3A_936, %sub3A_941 : vector<16xi32>
        %mul3A_943 = arith.constant 16 : i32
        %mul3A_944 = arith.muli %scan3A_825, %mul3A_943 : i32
        %swap3A_945 = arith.index_cast %mul3A_944 : i32 to index
        %swap3A_946 = tpu.vector_load %arg19[%swap3A_945] {strides = array<i32>} : memref<512xi32, #tpu.memory_space<vmem>>, vector<16xi32>,
        tpu.vector_store %arg19[%swap3A_945], %or3A_942 {strides = array<i32>} : memref<512xi32, #tpu.memory_space<vmem>>, vector<16xi32>,
        %mul3A_947 = arith.constant 16 : i32
        %mul3A_948 = arith.muli %scan3A_825, %mul3A_947 : i32
        %add3A_949 = arith.constant 2048 : i32
        %add3A_950 = arith.addi %add3A_949, %mul3A_948 : i32
        %get3A_951 = arith.index_cast %add3A_950 : i32 to index
        %get3A_952 = tpu.vector_load %arg12[%get3A_951] {strides = array<i32>} : memref<3072xi32, #tpu.memory_space<vmem>>, vector<16xi32>,
        %mul3A_953 = arith.constant 1920 : i32
        %mul3A_954 = vector.broadcast %mul3A_953 : i32 to vector<16xi32>
        %mul3A_955 = arith.muli %get3A_952, %mul3A_954 : vector<16xi32>
        %get3A_956 = arith.index_cast %add3A_950 : i32 to index
        %get3A_957 = tpu.vector_load %arg10[%get3A_956] {strides = array<i32>} : memref<3072xi32, #tpu.memory_space<vmem>>, vector<16xi32>,
        %mul3A_958 = arith.constant 60 : i32
        %mul3A_959 = vector.broadcast %mul3A_958 : i32 to vector<16xi32>
        %mul3A_960 = arith.muli %get3A_957, %mul3A_959 : vector<16xi32>
        %add3A_961 = arith.addi %mul3A_955, %mul3A_960 : vector<16xi32>
        %get3A_962 = arith.index_cast %add3A_950 : i32 to index
        %get3A_963 = tpu.vector_load %arg8[%get3A_962] {strides = array<i32>} : memref<3072xi32, #tpu.memory_space<vmem>>, vector<16xi32>,
        %add3A_964 = arith.addi %add3A_961, %get3A_963 : vector<16xi32>
        %add3A_965 = arith.constant 245760 : i32
        %add3A_966 = vector.broadcast %add3A_965 : i32 to vector<16xi32>
        %add3A_967 = arith.addi %add3A_964, %add3A_966 : vector<16xi32>
        %get3A_968 = arith.index_cast %add3A_950 : i32 to index
        %get3A_969 = tpu.vector_load %arg14[%get3A_968] {strides = array<i32>} : memref<3072xi32, #tpu.memory_space<vmem>>, vector<16xi32>,
        %sub3A_970 = arith.constant 1 : i32
        %sub3A_971 = vector.broadcast %sub3A_970 : i32 to vector<16xi32>
        %sub3A_972 = arith.subi %get3A_969, %sub3A_971 : vector<16xi32>
        %or3A_973 = arith.ori %add3A_967, %sub3A_972 : vector<16xi32>
        %mul3A_974 = arith.constant 16 : i32
        %mul3A_975 = arith.muli %scan3A_825, %mul3A_974 : i32
        %swap3A_976 = arith.index_cast %mul3A_975 : i32 to index
        %swap3A_977 = tpu.vector_load %arg20[%swap3A_976] {strides = array<i32>} : memref<512xi32, #tpu.memory_space<vmem>>, vector<16xi32>,
        tpu.vector_store %arg20[%swap3A_976], %or3A_973 {strides = array<i32>} : memref<512xi32, #tpu.memory_space<vmem>>, vector<16xi32>,
        %mul3A_978 = arith.constant 16 : i32
        %mul3A_979 = arith.muli %scan3A_825, %mul3A_978 : i32
        %add3A_980 = arith.constant 2560 : i32
        %add3A_981 = arith.addi %add3A_980, %mul3A_979 : i32
        %get3A_982 = arith.index_cast %add3A_981 : i32 to index
        %get3A_983 = tpu.vector_load %arg12[%get3A_982] {strides = array<i32>} : memref<3072xi32, #tpu.memory_space<vmem>>, vector<16xi32>,
        %mul3A_984 = arith.constant 1920 : i32
        %mul3A_985 = vector.broadcast %mul3A_984 : i32 to vector<16xi32>
        %mul3A_986 = arith.muli %get3A_983, %mul3A_985 : vector<16xi32>
        %get3A_987 = arith.index_cast %add3A_981 : i32 to index
        %get3A_988 = tpu.vector_load %arg10[%get3A_987] {strides = array<i32>} : memref<3072xi32, #tpu.memory_space<vmem>>, vector<16xi32>,
        %mul3A_989 = arith.constant 60 : i32
        %mul3A_990 = vector.broadcast %mul3A_989 : i32 to vector<16xi32>
        %mul3A_991 = arith.muli %get3A_988, %mul3A_990 : vector<16xi32>
        %add3A_992 = arith.addi %mul3A_986, %mul3A_991 : vector<16xi32>
        %get3A_993 = arith.index_cast %add3A_981 : i32 to index
        %get3A_994 = tpu.vector_load %arg8[%get3A_993] {strides = array<i32>} : memref<3072xi32, #tpu.memory_space<vmem>>, vector<16xi32>,
        %add3A_995 = arith.addi %add3A_992, %get3A_994 : vector<16xi32>
        %add3A_996 = arith.constant 307200 : i32
        %add3A_997 = vector.broadcast %add3A_996 : i32 to vector<16xi32>
        %add3A_998 = arith.addi %add3A_995, %add3A_997 : vector<16xi32>
        %get3A_999 = arith.index_cast %add3A_981 : i32 to index
        %get3A_1000 = tpu.vector_load %arg14[%get3A_999] {strides = array<i32>} : memref<3072xi32, #tpu.memory_space<vmem>>, vector<16xi32>,
        %sub3A_1001 = arith.constant 1 : i32
        %sub3A_1002 = vector.broadcast %sub3A_1001 : i32 to vector<16xi32>
        %sub3A_1003 = arith.subi %get3A_1000, %sub3A_1002 : vector<16xi32>
        %or3A_1004 = arith.ori %add3A_998, %sub3A_1003 : vector<16xi32>
        %mul3A_1005 = arith.constant 16 : i32
        %mul3A_1006 = arith.muli %scan3A_825, %mul3A_1005 : i32
        %swap3A_1007 = arith.index_cast %mul3A_1006 : i32 to index
        %swap3A_1008 = tpu.vector_load %arg21[%swap3A_1007] {strides = array<i32>} : memref<512xi32, #tpu.memory_space<vmem>>, vector<16xi32>,
        tpu.vector_store %arg21[%swap3A_1007], %or3A_1004 {strides = array<i32>} : memref<512xi32, #tpu.memory_space<vmem>>, vector<16xi32>,
        %scan3A_1009 = arith.constant 0 : i32
        scf.yield %scan3A_1009 : i32
      }
      %scan3A_755 = arith.constant 32 : i32
      %scan3A_756 = arith.constant 0 : i32
      %scan3A_757 = arith.constant 0 : i32
      %scan3A_758 = arith.constant 256 : i32
      %scan3A_759 = arith.addi %scan3A_757, %scan3A_758 : i32
      %scan3A_760 = arith.constant 1 : i32
      %scan3A_761 = scf.for %scan3A_825 = %scan3A_757 to %scan3A_759 step %scan3A_760 iter_args(%scan3A_826 = %scan3A_756) -> (i32)  : i32 {
        %broadcast_in_dim3A = arith.constant 0.000000e+00 : f32
        %broadcast_in_dim3A_827 = vector.broadcast %broadcast_in_dim3A : f32 to vector<16xf32>
        %mul3A_828 = arith.constant 2 : i32
        %mul3A_829 = arith.muli %scan3A_825, %mul3A_828 : i32
        %swap3A = arith.index_cast %mul3A_829 : i32 to index
        %swap3A_830 = arith.constant 0 : index
        %swap3A_831 = tpu.vector_load %arg28[%swap3A, %swap3A_830] {strides = array<i32>} : memref<512x32xf32, #tpu.memory_space<vmem>>, vector<16xf32>,
        tpu.vector_store %arg28[%swap3A, %swap3A_830], %broadcast_in_dim3A_827 {strides = array<i32>} : memref<512x32xf32, #tpu.memory_space<vmem>>, vector<16xf32>,
        %mul3A_832 = arith.constant 2 : i32
        %mul3A_833 = arith.muli %scan3A_825, %mul3A_832 : i32
        %swap3A_834 = arith.index_cast %mul3A_833 : i32 to index
        %swap3A_835 = arith.constant 16 : index
        %swap3A_836 = tpu.vector_load %arg28[%swap3A_834, %swap3A_835] {strides = array<i32>} : memref<512x32xf32, #tpu.memory_space<vmem>>, vector<16xf32>,
        tpu.vector_store %arg28[%swap3A_834, %swap3A_835], %broadcast_in_dim3A_827 {strides = array<i32>} : memref<512x32xf32, #tpu.memory_space<vmem>>, vector<16xf32>,
        %mul3A_837 = arith.constant 2 : i32
        %mul3A_838 = arith.muli %scan3A_825, %mul3A_837 : i32
        %add3A_839 = arith.constant 1 : i32
        %add3A_840 = arith.addi %mul3A_838, %add3A_839 : i32
        %swap3A_841 = arith.index_cast %add3A_840 : i32 to index
        %swap3A_842 = arith.constant 0 : index
        %swap3A_843 = tpu.vector_load %arg28[%swap3A_841, %swap3A_842] {strides = array<i32>} : memref<512x32xf32, #tpu.memory_space<vmem>>, vector<16xf32>,
        tpu.vector_store %arg28[%swap3A_841, %swap3A_842], %broadcast_in_dim3A_827 {strides = array<i32>} : memref<512x32xf32, #tpu.memory_space<vmem>>, vector<16xf32>,
        %mul3A_844 = arith.constant 2 : i32
        %mul3A_845 = arith.muli %scan3A_825, %mul3A_844 : i32
        %add3A_846 = arith.constant 1 : i32
        %add3A_847 = arith.addi %mul3A_845, %add3A_846 : i32
        %swap3A_848 = arith.index_cast %add3A_847 : i32 to index
        %swap3A_849 = arith.constant 16 : index
        %swap3A_850 = tpu.vector_load %arg28[%swap3A_848, %swap3A_849] {strides = array<i32>} : memref<512x32xf32, #tpu.memory_space<vmem>>, vector<16xf32>,
        tpu.vector_store %arg28[%swap3A_848, %swap3A_849], %broadcast_in_dim3A_827 {strides = array<i32>} : memref<512x32xf32, #tpu.memory_space<vmem>>, vector<16xf32>,
        %scan3A_851 = arith.constant 0 : i32
        scf.yield %scan3A_851 : i32
      }
      %scan3A_762 = arith.constant 256 : i32
      %scan3A_763 = arith.constant 0 : i32
      %scan3A_764 = arith.constant 0 : i32
      %scan3A_765 = arith.constant 32 : i32
      %scan3A_766 = arith.addi %scan3A_764, %scan3A_765 : i32
      %scan3A_767 = arith.constant 1 : i32
      %scan3A_768 = scf.for %scan3A_825 = %scan3A_764 to %scan3A_766 step %scan3A_767 iter_args(%scan3A_826 = %scan3A_763) -> (i32)  : i32 {
        %mul3A_827 = arith.constant 16 : i32
        %mul3A_828 = arith.muli %scan3A_825, %mul3A_827 : i32
        %add3A_829 = arith.constant 0 : i32
        %add3A_830 = arith.addi %add3A_829, %mul3A_828 : i32
        %get3A = arith.index_cast %add3A_830 : i32 to index
        %get3A_831 = tpu.vector_load %arg13[%get3A] {strides = array<i32>} : memref<3072xi32, #tpu.memory_space<vmem>>, vector<16xi32>,
        %mul3A_832 = arith.constant 1920 : i32
        %mul3A_833 = vector.broadcast %mul3A_832 : i32 to vector<16xi32>
        %mul3A_834 = arith.muli %get3A_831, %mul3A_833 : vector<16xi32>
        %get3A_835 = arith.index_cast %add3A_830 : i32 to index
        %get3A_836 = tpu.vector_load %arg11[%get3A_835] {strides = array<i32>} : memref<3072xi32, #tpu.memory_space<vmem>>, vector<16xi32>,
        %mul3A_837 = arith.constant 60 : i32
        %mul3A_838 = vector.broadcast %mul3A_837 : i32 to vector<16xi32>
        %mul3A_839 = arith.muli %get3A_836, %mul3A_838 : vector<16xi32>
        %add3A_840 = arith.addi %mul3A_834, %mul3A_839 : vector<16xi32>
        %get3A_841 = arith.index_cast %add3A_830 : i32 to index
        %get3A_842 = tpu.vector_load %arg9[%get3A_841] {strides = array<i32>} : memref<3072xi32, #tpu.memory_space<vmem>>, vector<16xi32>,
        %add3A_843 = arith.addi %add3A_840, %get3A_842 : vector<16xi32>
        %add3A_844 = arith.constant 0 : i32
        %add3A_845 = vector.broadcast %add3A_844 : i32 to vector<16xi32>
        %add3A_846 = arith.addi %add3A_843, %add3A_845 : vector<16xi32>
        %get3A_847 = arith.index_cast %add3A_830 : i32 to index
        %get3A_848 = tpu.vector_load %arg15[%get3A_847] {strides = array<i32>} : memref<3072xi32, #tpu.memory_space<vmem>>, vector<16xi32>,
        %sub3A = arith.constant 1 : i32
        %sub3A_849 = vector.broadcast %sub3A : i32 to vector<16xi32>
        %sub3A_850 = arith.subi %get3A_848, %sub3A_849 : vector<16xi32>
        %or3A = arith.ori %add3A_846, %sub3A_850 : vector<16xi32>
        %mul3A_851 = arith.constant 16 : i32
        %mul3A_852 = arith.muli %scan3A_825, %mul3A_851 : i32
        %swap3A = arith.index_cast %mul3A_852 : i32 to index
        %swap3A_853 = tpu.vector_load %arg22[%swap3A] {strides = array<i32>} : memref<512xi32, #tpu.memory_space<vmem>>, vector<16xi32>,
        tpu.vector_store %arg22[%swap3A], %or3A {strides = array<i32>} : memref<512xi32, #tpu.memory_space<vmem>>, vector<16xi32>,
        %mul3A_854 = arith.constant 16 : i32
        %mul3A_855 = arith.muli %scan3A_825, %mul3A_854 : i32
        %add3A_856 = arith.constant 512 : i32
        %add3A_857 = arith.addi %add3A_856, %mul3A_855 : i32
        %get3A_858 = arith.index_cast %add3A_857 : i32 to index
        %get3A_859 = tpu.vector_load %arg13[%get3A_858] {strides = array<i32>} : memref<3072xi32, #tpu.memory_space<vmem>>, vector<16xi32>,
        %mul3A_860 = arith.constant 1920 : i32
        %mul3A_861 = vector.broadcast %mul3A_860 : i32 to vector<16xi32>
        %mul3A_862 = arith.muli %get3A_859, %mul3A_861 : vector<16xi32>
        %get3A_863 = arith.index_cast %add3A_857 : i32 to index
        %get3A_864 = tpu.vector_load %arg11[%get3A_863] {strides = array<i32>} : memref<3072xi32, #tpu.memory_space<vmem>>, vector<16xi32>,
        %mul3A_865 = arith.constant 60 : i32
        %mul3A_866 = vector.broadcast %mul3A_865 : i32 to vector<16xi32>
        %mul3A_867 = arith.muli %get3A_864, %mul3A_866 : vector<16xi32>
        %add3A_868 = arith.addi %mul3A_862, %mul3A_867 : vector<16xi32>
        %get3A_869 = arith.index_cast %add3A_857 : i32 to index
        %get3A_870 = tpu.vector_load %arg9[%get3A_869] {strides = array<i32>} : memref<3072xi32, #tpu.memory_space<vmem>>, vector<16xi32>,
        %add3A_871 = arith.addi %add3A_868, %get3A_870 : vector<16xi32>
        %add3A_872 = arith.constant 61440 : i32
        %add3A_873 = vector.broadcast %add3A_872 : i32 to vector<16xi32>
        %add3A_874 = arith.addi %add3A_871, %add3A_873 : vector<16xi32>
        %get3A_875 = arith.index_cast %add3A_857 : i32 to index
        %get3A_876 = tpu.vector_load %arg15[%get3A_875] {strides = array<i32>} : memref<3072xi32, #tpu.memory_space<vmem>>, vector<16xi32>,
        %sub3A_877 = arith.constant 1 : i32
        %sub3A_878 = vector.broadcast %sub3A_877 : i32 to vector<16xi32>
        %sub3A_879 = arith.subi %get3A_876, %sub3A_878 : vector<16xi32>
        %or3A_880 = arith.ori %add3A_874, %sub3A_879 : vector<16xi32>
        %mul3A_881 = arith.constant 16 : i32
        %mul3A_882 = arith.muli %scan3A_825, %mul3A_881 : i32
        %swap3A_883 = arith.index_cast %mul3A_882 : i32 to index
        %swap3A_884 = tpu.vector_load %arg23[%swap3A_883] {strides = array<i32>} : memref<512xi32, #tpu.memory_space<vmem>>, vector<16xi32>,
        tpu.vector_store %arg23[%swap3A_883], %or3A_880 {strides = array<i32>} : memref<512xi32, #tpu.memory_space<vmem>>, vector<16xi32>,
        %mul3A_885 = arith.constant 16 : i32
        %mul3A_886 = arith.muli %scan3A_825, %mul3A_885 : i32
        %add3A_887 = arith.constant 1024 : i32
        %add3A_888 = arith.addi %add3A_887, %mul3A_886 : i32
        %get3A_889 = arith.index_cast %add3A_888 : i32 to index
        %get3A_890 = tpu.vector_load %arg13[%get3A_889] {strides = array<i32>} : memref<3072xi32, #tpu.memory_space<vmem>>, vector<16xi32>,
        %mul3A_891 = arith.constant 1920 : i32
        %mul3A_892 = vector.broadcast %mul3A_891 : i32 to vector<16xi32>
        %mul3A_893 = arith.muli %get3A_890, %mul3A_892 : vector<16xi32>
        %get3A_894 = arith.index_cast %add3A_888 : i32 to index
        %get3A_895 = tpu.vector_load %arg11[%get3A_894] {strides = array<i32>} : memref<3072xi32, #tpu.memory_space<vmem>>, vector<16xi32>,
        %mul3A_896 = arith.constant 60 : i32
        %mul3A_897 = vector.broadcast %mul3A_896 : i32 to vector<16xi32>
        %mul3A_898 = arith.muli %get3A_895, %mul3A_897 : vector<16xi32>
        %add3A_899 = arith.addi %mul3A_893, %mul3A_898 : vector<16xi32>
        %get3A_900 = arith.index_cast %add3A_888 : i32 to index
        %get3A_901 = tpu.vector_load %arg9[%get3A_900] {strides = array<i32>} : memref<3072xi32, #tpu.memory_space<vmem>>, vector<16xi32>,
        %add3A_902 = arith.addi %add3A_899, %get3A_901 : vector<16xi32>
        %add3A_903 = arith.constant 122880 : i32
        %add3A_904 = vector.broadcast %add3A_903 : i32 to vector<16xi32>
        %add3A_905 = arith.addi %add3A_902, %add3A_904 : vector<16xi32>
        %get3A_906 = arith.index_cast %add3A_888 : i32 to index
        %get3A_907 = tpu.vector_load %arg15[%get3A_906] {strides = array<i32>} : memref<3072xi32, #tpu.memory_space<vmem>>, vector<16xi32>,
        %sub3A_908 = arith.constant 1 : i32
        %sub3A_909 = vector.broadcast %sub3A_908 : i32 to vector<16xi32>
        %sub3A_910 = arith.subi %get3A_907, %sub3A_909 : vector<16xi32>
        %or3A_911 = arith.ori %add3A_905, %sub3A_910 : vector<16xi32>
        %mul3A_912 = arith.constant 16 : i32
        %mul3A_913 = arith.muli %scan3A_825, %mul3A_912 : i32
        %swap3A_914 = arith.index_cast %mul3A_913 : i32 to index
        %swap3A_915 = tpu.vector_load %arg24[%swap3A_914] {strides = array<i32>} : memref<512xi32, #tpu.memory_space<vmem>>, vector<16xi32>,
        tpu.vector_store %arg24[%swap3A_914], %or3A_911 {strides = array<i32>} : memref<512xi32, #tpu.memory_space<vmem>>, vector<16xi32>,
        %mul3A_916 = arith.constant 16 : i32
        %mul3A_917 = arith.muli %scan3A_825, %mul3A_916 : i32
        %add3A_918 = arith.constant 1536 : i32
        %add3A_919 = arith.addi %add3A_918, %mul3A_917 : i32
        %get3A_920 = arith.index_cast %add3A_919 : i32 to index
        %get3A_921 = tpu.vector_load %arg13[%get3A_920] {strides = array<i32>} : memref<3072xi32, #tpu.memory_space<vmem>>, vector<16xi32>,
        %mul3A_922 = arith.constant 1920 : i32
        %mul3A_923 = vector.broadcast %mul3A_922 : i32 to vector<16xi32>
        %mul3A_924 = arith.muli %get3A_921, %mul3A_923 : vector<16xi32>
        %get3A_925 = arith.index_cast %add3A_919 : i32 to index
        %get3A_926 = tpu.vector_load %arg11[%get3A_925] {strides = array<i32>} : memref<3072xi32, #tpu.memory_space<vmem>>, vector<16xi32>,
        %mul3A_927 = arith.constant 60 : i32
        %mul3A_928 = vector.broadcast %mul3A_927 : i32 to vector<16xi32>
        %mul3A_929 = arith.muli %get3A_926, %mul3A_928 : vector<16xi32>
        %add3A_930 = arith.addi %mul3A_924, %mul3A_929 : vector<16xi32>
        %get3A_931 = arith.index_cast %add3A_919 : i32 to index
        %get3A_932 = tpu.vector_load %arg9[%get3A_931] {strides = array<i32>} : memref<3072xi32, #tpu.memory_space<vmem>>, vector<16xi32>,
        %add3A_933 = arith.addi %add3A_930, %get3A_932 : vector<16xi32>
        %add3A_934 = arith.constant 184320 : i32
        %add3A_935 = vector.broadcast %add3A_934 : i32 to vector<16xi32>
        %add3A_936 = arith.addi %add3A_933, %add3A_935 : vector<16xi32>
        %get3A_937 = arith.index_cast %add3A_919 : i32 to index
        %get3A_938 = tpu.vector_load %arg15[%get3A_937] {strides = array<i32>} : memref<3072xi32, #tpu.memory_space<vmem>>, vector<16xi32>,
        %sub3A_939 = arith.constant 1 : i32
        %sub3A_940 = vector.broadcast %sub3A_939 : i32 to vector<16xi32>
        %sub3A_941 = arith.subi %get3A_938, %sub3A_940 : vector<16xi32>
        %or3A_942 = arith.ori %add3A_936, %sub3A_941 : vector<16xi32>
        %mul3A_943 = arith.constant 16 : i32
        %mul3A_944 = arith.muli %scan3A_825, %mul3A_943 : i32
        %swap3A_945 = arith.index_cast %mul3A_944 : i32 to index
        %swap3A_946 = tpu.vector_load %arg25[%swap3A_945] {strides = array<i32>} : memref<512xi32, #tpu.memory_space<vmem>>, vector<16xi32>,
        tpu.vector_store %arg25[%swap3A_945], %or3A_942 {strides = array<i32>} : memref<512xi32, #tpu.memory_space<vmem>>, vector<16xi32>,
        %mul3A_947 = arith.constant 16 : i32
        %mul3A_948 = arith.muli %scan3A_825, %mul3A_947 : i32
        %add3A_949 = arith.constant 2048 : i32
        %add3A_950 = arith.addi %add3A_949, %mul3A_948 : i32
        %get3A_951 = arith.index_cast %add3A_950 : i32 to index
        %get3A_952 = tpu.vector_load %arg13[%get3A_951] {strides = array<i32>} : memref<3072xi32, #tpu.memory_space<vmem>>, vector<16xi32>,
        %mul3A_953 = arith.constant 1920 : i32
        %mul3A_954 = vector.broadcast %mul3A_953 : i32 to vector<16xi32>
        %mul3A_955 = arith.muli %get3A_952, %mul3A_954 : vector<16xi32>
        %get3A_956 = arith.index_cast %add3A_950 : i32 to index
        %get3A_957 = tpu.vector_load %arg11[%get3A_956] {strides = array<i32>} : memref<3072xi32, #tpu.memory_space<vmem>>, vector<16xi32>,
        %mul3A_958 = arith.constant 60 : i32
        %mul3A_959 = vector.broadcast %mul3A_958 : i32 to vector<16xi32>
        %mul3A_960 = arith.muli %get3A_957, %mul3A_959 : vector<16xi32>
        %add3A_961 = arith.addi %mul3A_955, %mul3A_960 : vector<16xi32>
        %get3A_962 = arith.index_cast %add3A_950 : i32 to index
        %get3A_963 = tpu.vector_load %arg9[%get3A_962] {strides = array<i32>} : memref<3072xi32, #tpu.memory_space<vmem>>, vector<16xi32>,
        %add3A_964 = arith.addi %add3A_961, %get3A_963 : vector<16xi32>
        %add3A_965 = arith.constant 245760 : i32
        %add3A_966 = vector.broadcast %add3A_965 : i32 to vector<16xi32>
        %add3A_967 = arith.addi %add3A_964, %add3A_966 : vector<16xi32>
        %get3A_968 = arith.index_cast %add3A_950 : i32 to index
        %get3A_969 = tpu.vector_load %arg15[%get3A_968] {strides = array<i32>} : memref<3072xi32, #tpu.memory_space<vmem>>, vector<16xi32>,
        %sub3A_970 = arith.constant 1 : i32
        %sub3A_971 = vector.broadcast %sub3A_970 : i32 to vector<16xi32>
        %sub3A_972 = arith.subi %get3A_969, %sub3A_971 : vector<16xi32>
        %or3A_973 = arith.ori %add3A_967, %sub3A_972 : vector<16xi32>
        %mul3A_974 = arith.constant 16 : i32
        %mul3A_975 = arith.muli %scan3A_825, %mul3A_974 : i32
        %swap3A_976 = arith.index_cast %mul3A_975 : i32 to index
        %swap3A_977 = tpu.vector_load %arg26[%swap3A_976] {strides = array<i32>} : memref<512xi32, #tpu.memory_space<vmem>>, vector<16xi32>,
        tpu.vector_store %arg26[%swap3A_976], %or3A_973 {strides = array<i32>} : memref<512xi32, #tpu.memory_space<vmem>>, vector<16xi32>,
        %mul3A_978 = arith.constant 16 : i32
        %mul3A_979 = arith.muli %scan3A_825, %mul3A_978 : i32
        %add3A_980 = arith.constant 2560 : i32
        %add3A_981 = arith.addi %add3A_980, %mul3A_979 : i32
        %get3A_982 = arith.index_cast %add3A_981 : i32 to index
        %get3A_983 = tpu.vector_load %arg13[%get3A_982] {strides = array<i32>} : memref<3072xi32, #tpu.memory_space<vmem>>, vector<16xi32>,
        %mul3A_984 = arith.constant 1920 : i32
        %mul3A_985 = vector.broadcast %mul3A_984 : i32 to vector<16xi32>
        %mul3A_986 = arith.muli %get3A_983, %mul3A_985 : vector<16xi32>
        %get3A_987 = arith.index_cast %add3A_981 : i32 to index
        %get3A_988 = tpu.vector_load %arg11[%get3A_987] {strides = array<i32>} : memref<3072xi32, #tpu.memory_space<vmem>>, vector<16xi32>,
        %mul3A_989 = arith.constant 60 : i32
        %mul3A_990 = vector.broadcast %mul3A_989 : i32 to vector<16xi32>
        %mul3A_991 = arith.muli %get3A_988, %mul3A_990 : vector<16xi32>
        %add3A_992 = arith.addi %mul3A_986, %mul3A_991 : vector<16xi32>
        %get3A_993 = arith.index_cast %add3A_981 : i32 to index
        %get3A_994 = tpu.vector_load %arg9[%get3A_993] {strides = array<i32>} : memref<3072xi32, #tpu.memory_space<vmem>>, vector<16xi32>,
        %add3A_995 = arith.addi %add3A_992, %get3A_994 : vector<16xi32>
        %add3A_996 = arith.constant 307200 : i32
        %add3A_997 = vector.broadcast %add3A_996 : i32 to vector<16xi32>
        %add3A_998 = arith.addi %add3A_995, %add3A_997 : vector<16xi32>
        %get3A_999 = arith.index_cast %add3A_981 : i32 to index
        %get3A_1000 = tpu.vector_load %arg15[%get3A_999] {strides = array<i32>} : memref<3072xi32, #tpu.memory_space<vmem>>, vector<16xi32>,
        %sub3A_1001 = arith.constant 1 : i32
        %sub3A_1002 = vector.broadcast %sub3A_1001 : i32 to vector<16xi32>
        %sub3A_1003 = arith.subi %get3A_1000, %sub3A_1002 : vector<16xi32>
        %or3A_1004 = arith.ori %add3A_998, %sub3A_1003 : vector<16xi32>
        %mul3A_1005 = arith.constant 16 : i32
        %mul3A_1006 = arith.muli %scan3A_825, %mul3A_1005 : i32
        %swap3A_1007 = arith.index_cast %mul3A_1006 : i32 to index
        %swap3A_1008 = tpu.vector_load %arg27[%swap3A_1007] {strides = array<i32>} : memref<512xi32, #tpu.memory_space<vmem>>, vector<16xi32>,
        tpu.vector_store %arg27[%swap3A_1007], %or3A_1004 {strides = array<i32>} : memref<512xi32, #tpu.memory_space<vmem>>, vector<16xi32>,
        %scan3A_1009 = arith.constant 0 : i32
        scf.yield %scan3A_1009 : i32
      }
      %scan3A_769 = arith.constant 32 : i32
      %scan3A_770 = arith.constant 0 : i32
      %scan3A_771 = arith.constant 0 : i32
      %scan3A_772 = arith.constant 256 : i32
      %scan3A_773 = arith.addi %scan3A_771, %scan3A_772 : i32
      %scan3A_774 = arith.constant 1 : i32
      %scan3A_775 = scf.for %scan3A_825 = %scan3A_771 to %scan3A_773 step %scan3A_774 iter_args(%scan3A_826 = %scan3A_770) -> (i32)  : i32 {
        %broadcast_in_dim3A = arith.constant 0.000000e+00 : f32
        %broadcast_in_dim3A_827 = vector.broadcast %broadcast_in_dim3A : f32 to vector<16xf32>
        %mul3A_828 = arith.constant 2 : i32
        %mul3A_829 = arith.muli %scan3A_825, %mul3A_828 : i32
        %swap3A = arith.index_cast %mul3A_829 : i32 to index
        %swap3A_830 = arith.constant 0 : index
        %swap3A_831 = tpu.vector_load %arg29[%swap3A, %swap3A_830] {strides = array<i32>} : memref<512x32xf32, #tpu.memory_space<vmem>>, vector<16xf32>,
        tpu.vector_store %arg29[%swap3A, %swap3A_830], %broadcast_in_dim3A_827 {strides = array<i32>} : memref<512x32xf32, #tpu.memory_space<vmem>>, vector<16xf32>,
        %mul3A_832 = arith.constant 2 : i32
        %mul3A_833 = arith.muli %scan3A_825, %mul3A_832 : i32
        %swap3A_834 = arith.index_cast %mul3A_833 : i32 to index
        %swap3A_835 = arith.constant 16 : index
        %swap3A_836 = tpu.vector_load %arg29[%swap3A_834, %swap3A_835] {strides = array<i32>} : memref<512x32xf32, #tpu.memory_space<vmem>>, vector<16xf32>,
        tpu.vector_store %arg29[%swap3A_834, %swap3A_835], %broadcast_in_dim3A_827 {strides = array<i32>} : memref<512x32xf32, #tpu.memory_space<vmem>>, vector<16xf32>,
        %mul3A_837 = arith.constant 2 : i32
        %mul3A_838 = arith.muli %scan3A_825, %mul3A_837 : i32
        %add3A_839 = arith.constant 1 : i32
        %add3A_840 = arith.addi %mul3A_838, %add3A_839 : i32
        %swap3A_841 = arith.index_cast %add3A_840 : i32 to index
        %swap3A_842 = arith.constant 0 : index
        %swap3A_843 = tpu.vector_load %arg29[%swap3A_841, %swap3A_842] {strides = array<i32>} : memref<512x32xf32, #tpu.memory_space<vmem>>, vector<16xf32>,
        tpu.vector_store %arg29[%swap3A_841, %swap3A_842], %broadcast_in_dim3A_827 {strides = array<i32>} : memref<512x32xf32, #tpu.memory_space<vmem>>, vector<16xf32>,
        %mul3A_844 = arith.constant 2 : i32
        %mul3A_845 = arith.muli %scan3A_825, %mul3A_844 : i32
        %add3A_846 = arith.constant 1 : i32
        %add3A_847 = arith.addi %mul3A_845, %add3A_846 : i32
        %swap3A_848 = arith.index_cast %add3A_847 : i32 to index
        %swap3A_849 = arith.constant 16 : index
        %swap3A_850 = tpu.vector_load %arg29[%swap3A_848, %swap3A_849] {strides = array<i32>} : memref<512x32xf32, #tpu.memory_space<vmem>>, vector<16xf32>,
        tpu.vector_store %arg29[%swap3A_848, %swap3A_849], %broadcast_in_dim3A_827 {strides = array<i32>} : memref<512x32xf32, #tpu.memory_space<vmem>>, vector<16xf32>,
        %scan3A_851 = arith.constant 0 : i32
        scf.yield %scan3A_851 : i32
      }
      %scan3A_776 = arith.constant 256 : i32
      %dma_start3A_777 = arith.constant 0 : i32
      %dma_start3A_778 = arith.constant 0 : i32
      %dma_start3A_779 = tpu.memref_slice %arg2[%dma_start3A_777, %dma_start3A_778] : memref<368640x32xf32, #tpu.memory_space<hbm>> -> memref<368640x32xf32, #tpu.memory_space<hbm>>
      %dma_start3A_780 = arith.constant -1 : i32
      tpu.enqueue_indirect_dma source(%dma_start3A_779 : memref<368640x32xf32, #tpu.memory_space<hbm>>) target(%arg28 : memref<512x32xf32, #tpu.memory_space<vmem>>) offsets(%arg16 : memref<512xi32, #tpu.memory_space<vmem>>) offset_filter(%dma_start3A_780) semaphore(%arg32 : memref<!tpu.dma_semaphore, #tpu.memory_space<semaphore_mem>>) {add = true}
      %dma_start3A_781 = arith.constant 0 : i32
      %dma_start3A_782 = arith.constant 0 : i32
      %dma_start3A_783 = tpu.memref_slice %arg2[%dma_start3A_781, %dma_start3A_782] : memref<368640x32xf32, #tpu.memory_space<hbm>> -> memref<368640x32xf32, #tpu.memory_space<hbm>>
      %dma_start3A_784 = arith.constant -1 : i32
      tpu.enqueue_indirect_dma source(%dma_start3A_783 : memref<368640x32xf32, #tpu.memory_space<hbm>>) target(%arg29 : memref<512x32xf32, #tpu.memory_space<vmem>>) offsets(%arg22 : memref<512xi32, #tpu.memory_space<vmem>>) offset_filter(%dma_start3A_784) semaphore(%arg33 : memref<!tpu.dma_semaphore, #tpu.memory_space<semaphore_mem>>) {add = true}
      %dma_start3A_785 = arith.constant 0 : i32
      %dma_start3A_786 = arith.constant 0 : i32
      %dma_start3A_787 = tpu.memref_slice %arg2[%dma_start3A_785, %dma_start3A_786] : memref<368640x32xf32, #tpu.memory_space<hbm>> -> memref<368640x32xf32, #tpu.memory_space<hbm>>
      %dma_start3A_788 = arith.constant -1 : i32
      tpu.enqueue_indirect_dma source(%dma_start3A_787 : memref<368640x32xf32, #tpu.memory_space<hbm>>) target(%arg28 : memref<512x32xf32, #tpu.memory_space<vmem>>) offsets(%arg17 : memref<512xi32, #tpu.memory_space<vmem>>) offset_filter(%dma_start3A_788) semaphore(%arg32 : memref<!tpu.dma_semaphore, #tpu.memory_space<semaphore_mem>>) {add = true}
      %dma_start3A_789 = arith.constant 0 : i32
      %dma_start3A_790 = arith.constant 0 : i32
      %dma_start3A_791 = tpu.memref_slice %arg2[%dma_start3A_789, %dma_start3A_790] : memref<368640x32xf32, #tpu.memory_space<hbm>> -> memref<368640x32xf32, #tpu.memory_space<hbm>>
      %dma_start3A_792 = arith.constant -1 : i32
      tpu.enqueue_indirect_dma source(%dma_start3A_791 : memref<368640x32xf32, #tpu.memory_space<hbm>>) target(%arg29 : memref<512x32xf32, #tpu.memory_space<vmem>>) offsets(%arg23 : memref<512xi32, #tpu.memory_space<vmem>>) offset_filter(%dma_start3A_792) semaphore(%arg33 : memref<!tpu.dma_semaphore, #tpu.memory_space<semaphore_mem>>) {add = true}
      %dma_start3A_793 = arith.constant 0 : i32
      %dma_start3A_794 = arith.constant 0 : i32
      %dma_start3A_795 = tpu.memref_slice %arg2[%dma_start3A_793, %dma_start3A_794] : memref<368640x32xf32, #tpu.memory_space<hbm>> -> memref<368640x32xf32, #tpu.memory_space<hbm>>
      %dma_start3A_796 = arith.constant -1 : i32
      tpu.enqueue_indirect_dma source(%dma_start3A_795 : memref<368640x32xf32, #tpu.memory_space<hbm>>) target(%arg28 : memref<512x32xf32, #tpu.memory_space<vmem>>) offsets(%arg18 : memref<512xi32, #tpu.memory_space<vmem>>) offset_filter(%dma_start3A_796) semaphore(%arg32 : memref<!tpu.dma_semaphore, #tpu.memory_space<semaphore_mem>>) {add = true}
      %dma_start3A_797 = arith.constant 0 : i32
      %dma_start3A_798 = arith.constant 0 : i32
      %dma_start3A_799 = tpu.memref_slice %arg2[%dma_start3A_797, %dma_start3A_798] : memref<368640x32xf32, #tpu.memory_space<hbm>> -> memref<368640x32xf32, #tpu.memory_space<hbm>>
      %dma_start3A_800 = arith.constant -1 : i32
      tpu.enqueue_indirect_dma source(%dma_start3A_799 : memref<368640x32xf32, #tpu.memory_space<hbm>>) target(%arg29 : memref<512x32xf32, #tpu.memory_space<vmem>>) offsets(%arg24 : memref<512xi32, #tpu.memory_space<vmem>>) offset_filter(%dma_start3A_800) semaphore(%arg33 : memref<!tpu.dma_semaphore, #tpu.memory_space<semaphore_mem>>) {add = true}
      %dma_start3A_801 = arith.constant 0 : i32
      %dma_start3A_802 = arith.constant 0 : i32
      %dma_start3A_803 = tpu.memref_slice %arg2[%dma_start3A_801, %dma_start3A_802] : memref<368640x32xf32, #tpu.memory_space<hbm>> -> memref<368640x32xf32, #tpu.memory_space<hbm>>
      %dma_start3A_804 = arith.constant -1 : i32
      tpu.enqueue_indirect_dma source(%dma_start3A_803 : memref<368640x32xf32, #tpu.memory_space<hbm>>) target(%arg28 : memref<512x32xf32, #tpu.memory_space<vmem>>) offsets(%arg19 : memref<512xi32, #tpu.memory_space<vmem>>) offset_filter(%dma_start3A_804) semaphore(%arg32 : memref<!tpu.dma_semaphore, #tpu.memory_space<semaphore_mem>>) {add = true}
      %dma_start3A_805 = arith.constant 0 : i32
      %dma_start3A_806 = arith.constant 0 : i32
      %dma_start3A_807 = tpu.memref_slice %arg2[%dma_start3A_805, %dma_start3A_806] : memref<368640x32xf32, #tpu.memory_space<hbm>> -> memref<368640x32xf32, #tpu.memory_space<hbm>>
      %dma_start3A_808 = arith.constant -1 : i32
      tpu.enqueue_indirect_dma source(%dma_start3A_807 : memref<368640x32xf32, #tpu.memory_space<hbm>>) target(%arg29 : memref<512x32xf32, #tpu.memory_space<vmem>>) offsets(%arg25 : memref<512xi32, #tpu.memory_space<vmem>>) offset_filter(%dma_start3A_808) semaphore(%arg33 : memref<!tpu.dma_semaphore, #tpu.memory_space<semaphore_mem>>) {add = true}
      %dma_start3A_809 = arith.constant 0 : i32
      %dma_start3A_810 = arith.constant 0 : i32
      %dma_start3A_811 = tpu.memref_slice %arg2[%dma_start3A_809, %dma_start3A_810] : memref<368640x32xf32, #tpu.memory_space<hbm>> -> memref<368640x32xf32, #tpu.memory_space<hbm>>
      %dma_start3A_812 = arith.constant -1 : i32
      tpu.enqueue_indirect_dma source(%dma_start3A_811 : memref<368640x32xf32, #tpu.memory_space<hbm>>) target(%arg28 : memref<512x32xf32, #tpu.memory_space<vmem>>) offsets(%arg20 : memref<512xi32, #tpu.memory_space<vmem>>) offset_filter(%dma_start3A_812) semaphore(%arg32 : memref<!tpu.dma_semaphore, #tpu.memory_space<semaphore_mem>>) {add = true}
      %dma_start3A_813 = arith.constant 0 : i32
      %dma_start3A_814 = arith.constant 0 : i32
      %dma_start3A_815 = tpu.memref_slice %arg2[%dma_start3A_813, %dma_start3A_814] : memref<368640x32xf32, #tpu.memory_space<hbm>> -> memref<368640x32xf32, #tpu.memory_space<hbm>>
      %dma_start3A_816 = arith.constant -1 : i32
      tpu.enqueue_indirect_dma source(%dma_start3A_815 : memref<368640x32xf32, #tpu.memory_space<hbm>>) target(%arg29 : memref<512x32xf32, #tpu.memory_space<vmem>>) offsets(%arg26 : memref<512xi32, #tpu.memory_space<vmem>>) offset_filter(%dma_start3A_816) semaphore(%arg33 : memref<!tpu.dma_semaphore, #tpu.memory_space<semaphore_mem>>) {add = true}
      %dma_start3A_817 = arith.constant 0 : i32
      %dma_start3A_818 = arith.constant 0 : i32
      %dma_start3A_819 = tpu.memref_slice %arg2[%dma_start3A_817, %dma_start3A_818] : memref<368640x32xf32, #tpu.memory_space<hbm>> -> memref<368640x32xf32, #tpu.memory_space<hbm>>
      %dma_start3A_820 = arith.constant -1 : i32
      tpu.enqueue_indirect_dma source(%dma_start3A_819 : memref<368640x32xf32, #tpu.memory_space<hbm>>) target(%arg28 : memref<512x32xf32, #tpu.memory_space<vmem>>) offsets(%arg21 : memref<512xi32, #tpu.memory_space<vmem>>) offset_filter(%dma_start3A_820) semaphore(%arg32 : memref<!tpu.dma_semaphore, #tpu.memory_space<semaphore_mem>>) {add = true}
      %dma_start3A_821 = arith.constant 0 : i32
      %dma_start3A_822 = arith.constant 0 : i32
      %dma_start3A_823 = tpu.memref_slice %arg2[%dma_start3A_821, %dma_start3A_822] : memref<368640x32xf32, #tpu.memory_space<hbm>> -> memref<368640x32xf32, #tpu.memory_space<hbm>>
      %dma_start3A_824 = arith.constant -1 : i32
      tpu.enqueue_indirect_dma source(%dma_start3A_823 : memref<368640x32xf32, #tpu.memory_space<hbm>>) target(%arg29 : memref<512x32xf32, #tpu.memory_space<vmem>>) offsets(%arg27 : memref<512xi32, #tpu.memory_space<vmem>>) offset_filter(%dma_start3A_824) semaphore(%arg33 : memref<!tpu.dma_semaphore, #tpu.memory_space<semaphore_mem>>) {add = true}
    }
    %scan3A_11 = arith.constant 5 : i32
    %add3A_12 = arith.constant 4096 : i32
    %add3A_13 = arith.addi %select_n3A, %add3A_12 : i32
    %dma_wait3A = arith.constant 0 : i32
    %dma_wait3A_14 = arith.constant 0 : i32
    %dma_wait3A_15 = tpu.memref_slice %arg2[%dma_wait3A, %dma_wait3A_14] : memref<368640x32xf32, #tpu.memory_space<hbm>> -> memref<368640x32xf32, #tpu.memory_space<hbm>>
    tpu.wait_indirect_dma semaphore(%arg32 : memref<!tpu.dma_semaphore, #tpu.memory_space<semaphore_mem>>) src(%dma_wait3A_15 : memref<368640x32xf32, #tpu.memory_space<hbm>>) dst(%arg28 : memref<512x32xf32, #tpu.memory_space<vmem>>)
    %dma_wait3A_16 = arith.constant 0 : i32
    %dma_wait3A_17 = arith.constant 0 : i32
    %dma_wait3A_18 = tpu.memref_slice %arg2[%dma_wait3A_16, %dma_wait3A_17] : memref<368640x32xf32, #tpu.memory_space<hbm>> -> memref<368640x32xf32, #tpu.memory_space<hbm>>
    tpu.wait_indirect_dma semaphore(%arg32 : memref<!tpu.dma_semaphore, #tpu.memory_space<semaphore_mem>>) src(%dma_wait3A_18 : memref<368640x32xf32, #tpu.memory_space<hbm>>) dst(%arg28 : memref<512x32xf32, #tpu.memory_space<vmem>>)
    %dma_wait3A_19 = arith.constant 0 : i32
    %dma_wait3A_20 = arith.constant 0 : i32
    %dma_wait3A_21 = tpu.memref_slice %arg2[%dma_wait3A_19, %dma_wait3A_20] : memref<368640x32xf32, #tpu.memory_space<hbm>> -> memref<368640x32xf32, #tpu.memory_space<hbm>>
    tpu.wait_indirect_dma semaphore(%arg32 : memref<!tpu.dma_semaphore, #tpu.memory_space<semaphore_mem>>) src(%dma_wait3A_21 : memref<368640x32xf32, #tpu.memory_space<hbm>>) dst(%arg28 : memref<512x32xf32, #tpu.memory_space<vmem>>)
    %dma_wait3A_22 = arith.constant 0 : i32
    %dma_wait3A_23 = arith.constant 0 : i32
    %dma_wait3A_24 = tpu.memref_slice %arg2[%dma_wait3A_22, %dma_wait3A_23] : memref<368640x32xf32, #tpu.memory_space<hbm>> -> memref<368640x32xf32, #tpu.memory_space<hbm>>
    tpu.wait_indirect_dma semaphore(%arg32 : memref<!tpu.dma_semaphore, #tpu.memory_space<semaphore_mem>>) src(%dma_wait3A_24 : memref<368640x32xf32, #tpu.memory_space<hbm>>) dst(%arg28 : memref<512x32xf32, #tpu.memory_space<vmem>>)
    %dma_wait3A_25 = arith.constant 0 : i32
    %dma_wait3A_26 = arith.constant 0 : i32
    %dma_wait3A_27 = tpu.memref_slice %arg2[%dma_wait3A_25, %dma_wait3A_26] : memref<368640x32xf32, #tpu.memory_space<hbm>> -> memref<368640x32xf32, #tpu.memory_space<hbm>>
    tpu.wait_indirect_dma semaphore(%arg32 : memref<!tpu.dma_semaphore, #tpu.memory_space<semaphore_mem>>) src(%dma_wait3A_27 : memref<368640x32xf32, #tpu.memory_space<hbm>>) dst(%arg28 : memref<512x32xf32, #tpu.memory_space<vmem>>)
    %dma_wait3A_28 = arith.constant 0 : i32
    %dma_wait3A_29 = arith.constant 0 : i32
    %dma_wait3A_30 = tpu.memref_slice %arg2[%dma_wait3A_28, %dma_wait3A_29] : memref<368640x32xf32, #tpu.memory_space<hbm>> -> memref<368640x32xf32, #tpu.memory_space<hbm>>
    tpu.wait_indirect_dma semaphore(%arg32 : memref<!tpu.dma_semaphore, #tpu.memory_space<semaphore_mem>>) src(%dma_wait3A_30 : memref<368640x32xf32, #tpu.memory_space<hbm>>) dst(%arg28 : memref<512x32xf32, #tpu.memory_space<vmem>>)
    %dma_wait3A_31 = arith.constant 0 : i32
    %dma_wait3A_32 = arith.constant 0 : i32
    %dma_wait3A_33 = tpu.memref_slice %arg30[%dma_wait3A_31, %dma_wait3A_32] : memref<32x513xf32, #tpu.memory_space<vmem>> -> memref<32x512xf32, #tpu.memory_space<vmem>>
    %dma_wait3A_34 = arith.constant 0 : i32
    %dma_wait3A_35 = arith.constant 0 : i32
    %dma_wait3A_36 = tpu.memref_slice %arg7[%dma_wait3A_34, %dma_wait3A_35] : memref<32x160000xf32, #tpu.memory_space<hbm>> -> memref<32x512xf32, #tpu.memory_space<hbm>>
    %dma_wait3A_37 = arith.constant 0 : i32
    %dma_wait3A_38 = arith.constant 0 : i32
    %dma_wait3A_39 = tpu.memref_slice %arg7[%dma_wait3A_37, %dma_wait3A_38] : memref<32x160000xf32, #tpu.memory_space<hbm>> -> memref<32x512xf32, #tpu.memory_space<hbm>>
    %dma_wait3A_40 = arith.constant 0 : i32
    %dma_wait3A_41 = arith.constant 0 : i32
    %dma_wait3A_42 = tpu.memref_slice %arg30[%dma_wait3A_40, %dma_wait3A_41] : memref<32x513xf32, #tpu.memory_space<vmem>> -> memref<32x512xf32, #tpu.memory_space<vmem>>
    tpu.wait_dma2 semaphore(%arg34 : memref<!tpu.dma_semaphore, #tpu.memory_space<semaphore_mem>>) src(%dma_wait3A_42 : memref<32x512xf32, #tpu.memory_space<vmem>>) dst(%dma_wait3A_39 : memref<32x512xf32, #tpu.memory_space<hbm>>)
    %scan3A_43 = arith.constant 0 : i32
    %scan3A_44 = arith.constant 0 : i32
    %scan3A_45 = arith.constant 512 : i32
    %scan3A_46 = arith.addi %scan3A_44, %scan3A_45 : i32
    %scan3A_47 = arith.constant 1 : i32
    %scan3A_48 = scf.for %scan3A_132 = %scan3A_44 to %scan3A_46 step %scan3A_47 iter_args(%scan3A_133 = %scan3A_43) -> (i32)  : i32 {
      %broadcast_in_dim3A = vector.broadcast %scan3A_132 : i32 to vector<16xi32>
      %get3A = arith.index_cast %scan3A_132 : i32 to index
      %get3A_134 = arith.constant 0 : index
      %get3A_135 = tpu.vector_load %arg28[%get3A, %get3A_134] {strides = array<i32>} : memref<512x32xf32, #tpu.memory_space<vmem>>, vector<16xf32>,
      tpu.vector_store_idx %arg30[%iota3A, %broadcast_in_dim3A], %get3A_135 : memref<32x513xf32, #tpu.memory_space<vmem>>[vector<16xi32>, vector<16xi32>], vector<16xf32>,
      %get3A_136 = arith.index_cast %scan3A_132 : i32 to index
      %get3A_137 = arith.constant 16 : index
      %get3A_138 = tpu.vector_load %arg28[%get3A_136, %get3A_137] {strides = array<i32>} : memref<512x32xf32, #tpu.memory_space<vmem>>, vector<16xf32>,
      tpu.vector_store_idx %arg30[%add3A_6, %broadcast_in_dim3A], %get3A_138 : memref<32x513xf32, #tpu.memory_space<vmem>>[vector<16xi32>, vector<16xi32>], vector<16xf32>,
      %scan3A_139 = arith.constant 0 : i32
      scf.yield %scan3A_139 : i32
    }
    %scan3A_49 = arith.constant 512 : i32
    %dma_start3A = arith.constant 0 : i32
    %dma_start3A_50 = arith.constant 0 : i32
    %dma_start3A_51 = tpu.memref_slice %arg30[%dma_start3A, %dma_start3A_50] : memref<32x513xf32, #tpu.memory_space<vmem>> -> memref<32x512xf32, #tpu.memory_space<vmem>>
    %dma_start3A_52 = arith.constant 0 : i32
    %dma_start3A_53 = tpu.memref_slice %arg7[%dma_start3A_52, %add3A_13] : memref<32x160000xf32, #tpu.memory_space<hbm>> -> memref<32x512xf32, #tpu.memory_space<hbm>>
    %dma_start3A_54 = arith.constant 0 : i32
    %dma_start3A_55 = tpu.memref_slice %arg7[%dma_start3A_54, %add3A_13] : memref<32x160000xf32, #tpu.memory_space<hbm>> -> memref<32x512xf32, #tpu.memory_space<hbm>>
    %dma_start3A_56 = arith.constant 0 : i32
    %dma_start3A_57 = arith.constant 0 : i32
    %dma_start3A_58 = tpu.memref_slice %arg30[%dma_start3A_56, %dma_start3A_57] : memref<32x513xf32, #tpu.memory_space<vmem>> -> memref<32x512xf32, #tpu.memory_space<vmem>>
    tpu.enqueue_dma source(%dma_start3A_58 : memref<32x512xf32, #tpu.memory_space<vmem>>) target(%dma_start3A_55 : memref<32x512xf32, #tpu.memory_space<hbm>>) target_semaphore(%arg34 : memref<!tpu.dma_semaphore, #tpu.memory_space<semaphore_mem>>)
    %add3A_59 = arith.constant 4608 : i32
    %add3A_60 = arith.addi %select_n3A, %add3A_59 : i32
    %dma_wait3A_61 = arith.constant 0 : i32
    %dma_wait3A_62 = arith.constant 0 : i32
    %dma_wait3A_63 = tpu.memref_slice %arg2[%dma_wait3A_61, %dma_wait3A_62] : memref<368640x32xf32, #tpu.memory_space<hbm>> -> memref<368640x32xf32, #tpu.memory_space<hbm>>
    tpu.wait_indirect_dma semaphore(%arg33 : memref<!tpu.dma_semaphore, #tpu.memory_space<semaphore_mem>>) src(%dma_wait3A_63 : memref<368640x32xf32, #tpu.memory_space<hbm>>) dst(%arg29 : memref<512x32xf32, #tpu.memory_space<vmem>>)
    %dma_wait3A_64 = arith.constant 0 : i32
    %dma_wait3A_65 = arith.constant 0 : i32
    %dma_wait3A_66 = tpu.memref_slice %arg2[%dma_wait3A_64, %dma_wait3A_65] : memref<368640x32xf32, #tpu.memory_space<hbm>> -> memref<368640x32xf32, #tpu.memory_space<hbm>>
    tpu.wait_indirect_dma semaphore(%arg33 : memref<!tpu.dma_semaphore, #tpu.memory_space<semaphore_mem>>) src(%dma_wait3A_66 : memref<368640x32xf32, #tpu.memory_space<hbm>>) dst(%arg29 : memref<512x32xf32, #tpu.memory_space<vmem>>)
    %dma_wait3A_67 = arith.constant 0 : i32
    %dma_wait3A_68 = arith.constant 0 : i32
    %dma_wait3A_69 = tpu.memref_slice %arg2[%dma_wait3A_67, %dma_wait3A_68] : memref<368640x32xf32, #tpu.memory_space<hbm>> -> memref<368640x32xf32, #tpu.memory_space<hbm>>
    tpu.wait_indirect_dma semaphore(%arg33 : memref<!tpu.dma_semaphore, #tpu.memory_space<semaphore_mem>>) src(%dma_wait3A_69 : memref<368640x32xf32, #tpu.memory_space<hbm>>) dst(%arg29 : memref<512x32xf32, #tpu.memory_space<vmem>>)
    %dma_wait3A_70 = arith.constant 0 : i32
    %dma_wait3A_71 = arith.constant 0 : i32
    %dma_wait3A_72 = tpu.memref_slice %arg2[%dma_wait3A_70, %dma_wait3A_71] : memref<368640x32xf32, #tpu.memory_space<hbm>> -> memref<368640x32xf32, #tpu.memory_space<hbm>>
    tpu.wait_indirect_dma semaphore(%arg33 : memref<!tpu.dma_semaphore, #tpu.memory_space<semaphore_mem>>) src(%dma_wait3A_72 : memref<368640x32xf32, #tpu.memory_space<hbm>>) dst(%arg29 : memref<512x32xf32, #tpu.memory_space<vmem>>)
    %dma_wait3A_73 = arith.constant 0 : i32
    %dma_wait3A_74 = arith.constant 0 : i32
    %dma_wait3A_75 = tpu.memref_slice %arg2[%dma_wait3A_73, %dma_wait3A_74] : memref<368640x32xf32, #tpu.memory_space<hbm>> -> memref<368640x32xf32, #tpu.memory_space<hbm>>
    tpu.wait_indirect_dma semaphore(%arg33 : memref<!tpu.dma_semaphore, #tpu.memory_space<semaphore_mem>>) src(%dma_wait3A_75 : memref<368640x32xf32, #tpu.memory_space<hbm>>) dst(%arg29 : memref<512x32xf32, #tpu.memory_space<vmem>>)
    %dma_wait3A_76 = arith.constant 0 : i32
    %dma_wait3A_77 = arith.constant 0 : i32
    %dma_wait3A_78 = tpu.memref_slice %arg2[%dma_wait3A_76, %dma_wait3A_77] : memref<368640x32xf32, #tpu.memory_space<hbm>> -> memref<368640x32xf32, #tpu.memory_space<hbm>>
    tpu.wait_indirect_dma semaphore(%arg33 : memref<!tpu.dma_semaphore, #tpu.memory_space<semaphore_mem>>) src(%dma_wait3A_78 : memref<368640x32xf32, #tpu.memory_space<hbm>>) dst(%arg29 : memref<512x32xf32, #tpu.memory_space<vmem>>)
    %dma_wait3A_79 = arith.constant 0 : i32
    %dma_wait3A_80 = arith.constant 0 : i32
    %dma_wait3A_81 = tpu.memref_slice %arg31[%dma_wait3A_79, %dma_wait3A_80] : memref<32x513xf32, #tpu.memory_space<vmem>> -> memref<32x512xf32, #tpu.memory_space<vmem>>
    %dma_wait3A_82 = arith.constant 0 : i32
    %dma_wait3A_83 = arith.constant 0 : i32
    %dma_wait3A_84 = tpu.memref_slice %arg7[%dma_wait3A_82, %dma_wait3A_83] : memref<32x160000xf32, #tpu.memory_space<hbm>> -> memref<32x512xf32, #tpu.memory_space<hbm>>
    %dma_wait3A_85 = arith.constant 0 : i32
    %dma_wait3A_86 = arith.constant 0 : i32
    %dma_wait3A_87 = tpu.memref_slice %arg7[%dma_wait3A_85, %dma_wait3A_86] : memref<32x160000xf32, #tpu.memory_space<hbm>> -> memref<32x512xf32, #tpu.memory_space<hbm>>
    %dma_wait3A_88 = arith.constant 0 : i32
    %dma_wait3A_89 = arith.constant 0 : i32
    %dma_wait3A_90 = tpu.memref_slice %arg31[%dma_wait3A_88, %dma_wait3A_89] : memref<32x513xf32, #tpu.memory_space<vmem>> -> memref<32x512xf32, #tpu.memory_space<vmem>>
    tpu.wait_dma2 semaphore(%arg35 : memref<!tpu.dma_semaphore, #tpu.memory_space<semaphore_mem>>) src(%dma_wait3A_90 : memref<32x512xf32, #tpu.memory_space<vmem>>) dst(%dma_wait3A_87 : memref<32x512xf32, #tpu.memory_space<hbm>>)
    %scan3A_91 = arith.constant 0 : i32
    %scan3A_92 = arith.constant 0 : i32
    %scan3A_93 = arith.constant 512 : i32
    %scan3A_94 = arith.addi %scan3A_92, %scan3A_93 : i32
    %scan3A_95 = arith.constant 1 : i32
    %scan3A_96 = scf.for %scan3A_132 = %scan3A_92 to %scan3A_94 step %scan3A_95 iter_args(%scan3A_133 = %scan3A_91) -> (i32)  : i32 {
      %broadcast_in_dim3A = vector.broadcast %scan3A_132 : i32 to vector<16xi32>
      %get3A = arith.index_cast %scan3A_132 : i32 to index
      %get3A_134 = arith.constant 0 : index
      %get3A_135 = tpu.vector_load %arg29[%get3A, %get3A_134] {strides = array<i32>} : memref<512x32xf32, #tpu.memory_space<vmem>>, vector<16xf32>,
      tpu.vector_store_idx %arg31[%iota3A, %broadcast_in_dim3A], %get3A_135 : memref<32x513xf32, #tpu.memory_space<vmem>>[vector<16xi32>, vector<16xi32>], vector<16xf32>,
      %get3A_136 = arith.index_cast %scan3A_132 : i32 to index
      %get3A_137 = arith.constant 16 : index
      %get3A_138 = tpu.vector_load %arg29[%get3A_136, %get3A_137] {strides = array<i32>} : memref<512x32xf32, #tpu.memory_space<vmem>>, vector<16xf32>,
      tpu.vector_store_idx %arg31[%add3A_6, %broadcast_in_dim3A], %get3A_138 : memref<32x513xf32, #tpu.memory_space<vmem>>[vector<16xi32>, vector<16xi32>], vector<16xf32>,
      %scan3A_139 = arith.constant 0 : i32
      scf.yield %scan3A_139 : i32
    }
    %scan3A_97 = arith.constant 512 : i32
    %dma_start3A_98 = arith.constant 0 : i32
    %dma_start3A_99 = arith.constant 0 : i32
    %dma_start3A_100 = tpu.memref_slice %arg31[%dma_start3A_98, %dma_start3A_99] : memref<32x513xf32, #tpu.memory_space<vmem>> -> memref<32x512xf32, #tpu.memory_space<vmem>>
    %dma_start3A_101 = arith.constant 0 : i32
    %dma_start3A_102 = tpu.memref_slice %arg7[%dma_start3A_101, %add3A_60] : memref<32x160000xf32, #tpu.memory_space<hbm>> -> memref<32x512xf32, #tpu.memory_space<hbm>>
    %dma_start3A_103 = arith.constant 0 : i32
    %dma_start3A_104 = tpu.memref_slice %arg7[%dma_start3A_103, %add3A_60] : memref<32x160000xf32, #tpu.memory_space<hbm>> -> memref<32x512xf32, #tpu.memory_space<hbm>>
    %dma_start3A_105 = arith.constant 0 : i32
    %dma_start3A_106 = arith.constant 0 : i32
    %dma_start3A_107 = tpu.memref_slice %arg31[%dma_start3A_105, %dma_start3A_106] : memref<32x513xf32, #tpu.memory_space<vmem>> -> memref<32x512xf32, #tpu.memory_space<vmem>>
    tpu.enqueue_dma source(%dma_start3A_107 : memref<32x512xf32, #tpu.memory_space<vmem>>) target(%dma_start3A_104 : memref<32x512xf32, #tpu.memory_space<hbm>>) target_semaphore(%arg35 : memref<!tpu.dma_semaphore, #tpu.memory_space<semaphore_mem>>)
    %dma_wait3A_108 = arith.constant 0 : i32
    %dma_wait3A_109 = arith.constant 0 : i32
    %dma_wait3A_110 = tpu.memref_slice %arg30[%dma_wait3A_108, %dma_wait3A_109] : memref<32x513xf32, #tpu.memory_space<vmem>> -> memref<32x512xf32, #tpu.memory_space<vmem>>
    %dma_wait3A_111 = arith.constant 0 : i32
    %dma_wait3A_112 = arith.constant 0 : i32
    %dma_wait3A_113 = tpu.memref_slice %arg7[%dma_wait3A_111, %dma_wait3A_112] : memref<32x160000xf32, #tpu.memory_space<hbm>> -> memref<32x512xf32, #tpu.memory_space<hbm>>
    %dma_wait3A_114 = arith.constant 0 : i32
    %dma_wait3A_115 = arith.constant 0 : i32
    %dma_wait3A_116 = tpu.memref_slice %arg7[%dma_wait3A_114, %dma_wait3A_115] : memref<32x160000xf32, #tpu.memory_space<hbm>> -> memref<32x512xf32, #tpu.memory_space<hbm>>
    %dma_wait3A_117 = arith.constant 0 : i32
    %dma_wait3A_118 = arith.constant 0 : i32
    %dma_wait3A_119 = tpu.memref_slice %arg30[%dma_wait3A_117, %dma_wait3A_118] : memref<32x513xf32, #tpu.memory_space<vmem>> -> memref<32x512xf32, #tpu.memory_space<vmem>>
    tpu.wait_dma2 semaphore(%arg34 : memref<!tpu.dma_semaphore, #tpu.memory_space<semaphore_mem>>) src(%dma_wait3A_119 : memref<32x512xf32, #tpu.memory_space<vmem>>) dst(%dma_wait3A_116 : memref<32x512xf32, #tpu.memory_space<hbm>>)
    %dma_wait3A_120 = arith.constant 0 : i32
    %dma_wait3A_121 = arith.constant 0 : i32
    %dma_wait3A_122 = tpu.memref_slice %arg31[%dma_wait3A_120, %dma_wait3A_121] : memref<32x513xf32, #tpu.memory_space<vmem>> -> memref<32x512xf32, #tpu.memory_space<vmem>>
    %dma_wait3A_123 = arith.constant 0 : i32
    %dma_wait3A_124 = arith.constant 0 : i32
    %dma_wait3A_125 = tpu.memref_slice %arg7[%dma_wait3A_123, %dma_wait3A_124] : memref<32x160000xf32, #tpu.memory_space<hbm>> -> memref<32x512xf32, #tpu.memory_space<hbm>>
    %dma_wait3A_126 = arith.constant 0 : i32
    %dma_wait3A_127 = arith.constant 0 : i32
    %dma_wait3A_128 = tpu.memref_slice %arg7[%dma_wait3A_126, %dma_wait3A_127] : memref<32x160000xf32, #tpu.memory_space<hbm>> -> memref<32x512xf32, #tpu.memory_space<hbm>>
    %dma_wait3A_129 = arith.constant 0 : i32
    %dma_wait3A_130 = arith.constant 0 : i32
    %dma_wait3A_131 = tpu.memref_slice %arg31[%dma_wait3A_129, %dma_wait3A_130] : memref<32x513xf32, #tpu.memory_space<vmem>> -> memref<32x512xf32, #tpu.memory_space<vmem>>
    tpu.wait_dma2 semaphore(%arg35 : memref<!tpu.dma_semaphore, #tpu.memory_space<semaphore_mem>>) src(%dma_wait3A_131 : memref<32x512xf32, #tpu.memory_space<vmem>>) dst(%dma_wait3A_128 : memref<32x512xf32, #tpu.memory_space<hbm>>)
    return
  }
}

</mosaic_0001>

<sc_bundles>
// kernel: kernel.3.cloned.1.call-start
scs
__scs_entry_jumppad:
0x0: {  	(pc) =	sbr.rel $0x88, $3  }
0x1: {  	(tag) =	ssettag $0x0;
	lr =	simm.s32 $0x1  }
0x2: {  	[smem:$0x3F9C] =	sst lr;
	_ =	strace $0xD0000000  }
0x3: {  	_ = 	snop  }
0x4: {  	_ = 	snop  }
0x5: {  	_ = 	snop  }
0x6: {  	_ = 	snop  }
0x7: {  	_ = 	snop  }
__scs_overlays_trampoline_lowered:
0x8: {  	[smem:$0x3FAB] =	sst s0  }
0x9: {  	[smem:$0x3FAC] =	sst s1  }
0xa: {  	[smem:$0x3FAD] =	sst s2  }
0xb: {  	[smem:$0x3FAE] =	sst s3  }
0xc: {  	[smem:$0x3FAF] =	sst s4  }
0xd: {  	[smem:$0x3FB0] =	sst s5  }
0xe: {  	[smem:$0x3FB1] =	sst s6  }
0xf: {  	[smem:$0x3FB2] =	sst s7  }
0x10: {  	[smem:$0x3FB3] =	sst s8  }
0x11: {  	[smem:$0x3FB4] =	sst s9;
	s0 =	simm.s32 @!p0 $0x0  }
0x12: {  	s1 =	sld [smem:$0x3F9A];
	s0 =	simm.s32 @p0 $0x1  }
0x13: {  	[smem:$0x3FB5] =	sst s0;
	s0 =	simm.s32 @!p1 $0x0  }
0x14: {  	s2 =	sld [smem:$0x3F99];
	s0 =	simm.s32 @p1 $0x1  }
0x15: {  	[smem:$0x3FB6] =	sst s0;
	s0 =	simm.s32 @!p2 $0x0  }
0x16: {  	s3 =	sld [smem:$0x3FDB];
	s0 =	simm.s32 @p2 $0x1  }
0x17: {  	s4 =	simm.s32 $0x1BF5;
	[smem:$0x3FB8] =	sst s0  }
0x18: {  	s0 =	sld [smem:$0x3F9B];
	_ =	swait.ge [sflag:s4], $0x0  }
0x19: {  	s7 =	sld [smem:$0x3F9C]  }
0x1a: {  	s8 =	sadd.s32 $0xFFFFE003, lr  }
0x1b: {  	s9 =	sadd.s32 $0xFFFFFEF7, lr;
	s5 =	simm.s32 $0xFFFFFFFF;
	p2 =	slt.u32 s8, $0xFFFFF086  }
0x1c: {  	p1 =	slt.u32 s9, $0xF7A;
	s5 =	simm.s32 @!p2 $0x0  }
0x1d: {  	s5 =	simm.s32 @p1 $0x1;
	p0 =	seq.s32 s7, s2  }
0x1e: {  	s7 =	smul.u32 @!p0 $0xF7A, s2;
	p2 =	seq.s32 @!p0 s5, $0x0  }
0x1f: {  	s9 =	smul.u32 $0xF7A, s1;
	s8 =	simm.s32 @!p0 $0x1BF5;
	p2 =	por !p2, p0  }
0x20: {  	[sflag:s8] =	ssyncset.s32 @!p0 $0xFFFFF086;
	s6 =	sadd.s32 @!p0 s3, s7;
	s7 =	simm.s32 @!p0 $0x108  }
0x21: {  	s3 =	sadd.s32 s3, s9;
	s6 =	sadd.s32 @!p0 $0x88, s6;
	s7 =	simm.s32 @p2 $0x1082  }
0x22: {  	[simem:s7], [sflag:s8] =	dma.local @!p0 [hbm:s6], $0xF7A  }
0x23: {  	s9 =	sor.u32 $0xD0000000, s2;
	s6 =	simm.s32 $0x108;
	_ =	swait.ge @!p0 [sflag:s8], $0x0  }
0x24: {  	s3 =	sadd.s32 $0x88, s3;
	s6 =	simm.s32 @!p1 $0x1082;
	[sflag:s4] =	ssyncset.s32 $0xFFFFF086  }
0x25: {  	[simem:s6], [sflag:s4] =	dma.local [hbm:s3], $0xF7A  }
0x26: {  	[smem:$0x3F9C] =	sst s1;
	(tag) =	ssettag s2;
	_ =	strace s9  }
0x27: {  	s1 =	sld [smem:$0x3FAC]  }
0x28: {  	s2 =	sld [smem:$0x3FAD]  }
0x29: {  	s4 =	sld [smem:$0x3FAF]  }
0x2a: {  	p0 =	seq.s32 s5, $0x0;
	s5 =	sld [smem:$0x3FB0]  }
0x2b: {  	s6 =	sld [smem:$0x3FB1]  }
0x2c: {  	s7 =	sld [smem:$0x3FB2]  }
0x2d: {  	s3 =	simm.s32 $0x108;
	s8 =	sld [smem:$0x3FB3]  }
0x2e: {  	s3 =	simm.s32 @!p0 $0x1082;
	s9 =	sld [smem:$0x3FB4]  }
0x2f: {  	lr =	sadd.s32 s0, s3;
	s0 =	sld [smem:$0x3FAB]  }
0x30: {  	s3 =	sld [smem:$0x3FAE]  }
0x31: {  	[smem:$0x3FB7] =	sst s10  }
0x32: {  	s10 =	sld [smem:$0x3FB5];
	_ =	sdelay $0x3  }
0x33: {  	p0 =	seq.s32 s10, $0x1;
	s10 =	sld [smem:$0x3FB7];
	_ =	sdelay $0x3  }
0x34: {  	[smem:$0x3FB7] =	sst s10  }
0x35: {  	s10 =	sld [smem:$0x3FB6];
	_ =	sdelay $0x3  }
0x36: {  	p1 =	seq.s32 s10, $0x1;
	s10 =	sld [smem:$0x3FB7];
	_ =	sdelay $0x3  }
0x37: {  	[smem:$0x3FB7] =	sst s10  }
0x38: {  	s10 =	sld [smem:$0x3FB8]  }
0x39: {  	_ = 	snop;
	(pc) =	sbr.ind lr, $3  }
0x3a: {  	_ = 	snop  }
0x3b: {  	_ = 	snop  }
0x3c: {  	p2 =	seq.s32 s10, $0x1;
	s10 =	sld [smem:$0x3FB7]  }
0x3d: {  	_ =	shalt  }
0x3e: {  	_ =	shalt  }
0x3f: {  	_ =	shalt  }
0x40: {  	_ =	shalt  }
0x41: {  	_ =	shalt  }
0x42: {  	_ =	shalt  }
0x43: {  	_ =	shalt  }
0x44: {  	_ =	shalt  }
0x45: {  	_ =	shalt  }
0x46: {  	_ =	shalt  }
0x47: {  	_ =	shalt  }
0x48: {  	_ =	shalt  }
0x49: {  	_ =	shalt  }
0x4a: {  	_ =	shalt  }
0x4b: {  	_ =	shalt  }
0x4c: {  	_ =	shalt  }
0x4d: {  	_ =	shalt  }
0x4e: {  	_ =	shalt  }
0x4f: {  	_ =	shalt  }
0x50: {  	_ =	shalt  }
0x51: {  	_ =	shalt  }
0x52: {  	_ =	shalt  }
0x53: {  	_ =	shalt  }
0x54: {  	_ =	shalt  }
0x55: {  	_ =	shalt  }
0x56: {  	_ =	shalt  }
0x57: {  	_ =	shalt  }
0x58: {  	_ =	shalt  }
0x59: {  	_ =	shalt  }
0x5a: {  	_ =	shalt  }
0x5b: {  	_ =	shalt  }
0x5c: {  	_ =	shalt  }
0x5d: {  	_ =	shalt  }
0x5e: {  	_ =	shalt  }
0x5f: {  	_ =	shalt  }
0x60: {  	_ =	shalt  }
0x61: {  	_ =	shalt  }
0x62: {  	_ =	shalt  }
0x63: {  	_ =	shalt  }
0x64: {  	_ =	shalt  }
0x65: {  	_ =	shalt  }
0x66: {  	_ =	shalt  }
0x67: {  	_ =	shalt  }
0x68: {  	_ =	shalt  }
0x69: {  	_ =	shalt  }
0x6a: {  	_ =	shalt  }
0x6b: {  	_ =	shalt  }
0x6c: {  	_ =	shalt  }
0x6d: {  	_ =	shalt  }
0x6e: {  	_ =	shalt  }
0x6f: {  	_ =	shalt  }
0x70: {  	_ =	shalt  }
0x71: {  	_ =	shalt  }
0x72: {  	_ =	shalt  }
0x73: {  	_ =	shalt  }
0x74: {  	_ =	shalt  }
0x75: {  	_ =	shalt  }
0x76: {  	_ =	shalt  }
0x77: {  	_ =	shalt  }
0x78: {  	_ =	shalt  }
0x79: {  	_ =	shalt  }
0x7a: {  	_ =	shalt  }
0x7b: {  	_ =	shalt  }
0x7c: {  	_ =	shalt  }
0x7d: {  	_ =	shalt  }
0x7e: {  	_ =	shalt  }
0x7f: {  	_ =	shalt  }
0x80: {  	_ =	shalt  }
0x81: {  	_ =	shalt  }
0x82: {  	_ =	shalt  }
0x83: {  	_ =	shalt  }
0x84: {  	_ =	shalt  }
0x85: {  	_ =	shalt  }
0x86: {  	_ =	shalt  }
0x87: {  	_ =	shalt  }
.Lfunc_end0:
.L_simem_size_0:
called_computation.1_lowered:
.L_overlay_start_0:
0x88: {  	s2 =	sld [smem:$0x3FD9]  }
0x89: {  	s3 =	sld [smem:$0x3FFE];
	_ =	sdelay $0x1  }
0x8a: {  	s1 =	srdreg.scid  }
0x8b: {  	s0 =	sand.u32 $0x1, s1  }
0x8c: {  	s17 =	sshll.u32 s0, $0xA;
	s2 =	sadd.s32 s3, s2  }
0x8d: {  	s2 =	sadd.s32 s2, s17  }
0x8e: {  	[smem:$0x3FC3] =	sst s2  }
0x8f: {  	_ = 	snop  }
0x90: {  	s2 =	sld [smem:$0x3FD0];
	(tm) =	ssettm $0x1  }
0x91: {  	s18 =	sld [smem:$0x3FFB];
	_ =	sdelay $0x3  }
0x92: {  	_ =	strace s18  }
0x93: {  	s3 =	sld [smem:$0x3FFC];
	_ =	sdelay $0x3  }
0x94: {  	_ =	strace s3  }
0x95: {  	s3 =	sld [smem:$0x3FFD];
	_ =	sdelay $0x3  }
0x96: {  	_ =	strace s3  }
0x97: {  	_ =	strace $0x8FFFFFFF  }
0x98: {  	s19 =	sld [smem:$0x3FDB];
	_ =	sdelay $0x1  }
0x99: {  	s4 =	simm.s32 $_scs_section_size  }
0x9a: {  	s5 =	simm.s32 $_size__tile_overlayer_lowered;
	s6 =	simm.s32 $_tile_overlayer_lowered  }
0x9b: {  	s22 =	simm.s32 $0x1BFF;
	s21 =	sshll.u32 s6, $0x1;
	s3 =	sadd.s32 s4, s19  }
0x9c: {  	s7 =	simm.s32 $0x0;
	s20 =	sshll.u32 s5, $0x1;
	s5 =	sadd.s32 s21, s3  }
0x9d: {  	[timem:s7], [sflag:s22] =	dma.local [hbm:s5], s20  }
0x9e: {  	_ =	swait.ge [sflag:s22], s20  }
0x9f: {  	s4 =	ssub.s32 $0x0, s20;
	[sflag:s22] =	ssyncset.done $0x0  }
0xa0: {  	[sflag:s22] =	ssyncadd.s32 s4;
	_ =	sdelay $0x1  }
0xa1: {  	s23 =	simm.s32 $0x1B8B  }
0xa2: {  	_ =	swait.ge [sflag:s23], $0x1  }
0xa3: {  	[sflag:s23] =	ssyncset.done $0x0  }
0xa4: {  	s25 =	simm.s32 $0x1B8E;
	s24 =	sld [smem:$0x3FFE];
	[sflag:s23] =	ssyncadd.s32 $0xFFFFFFFF  }
0xa5: {  	s26 =	simm.s32 $execute0_lowered;
	[smem:$0x3FD2] =	sst s25  }
0xa6: {  	s5 =	sshll.u32 s26, $0x1;
	_ =	strace $0x80000049;
	[dreg:$0x1] =	wrdreg $0xFFFFFFFF  }
0xa7: {  	s28 =	simm.s32 $_size_execute0_lowered;
	s3 =	sadd.s32 s3, s5;
	[dreg:$0x0] =	wrdreg $0x0  }
0xa8: {  	s5 =	sshll.u32 s28, $0x1;
	[dreg:$0x2] =	wrdreg s3  }
0xa9: {  	[dreg:$0x3] =	wrdreg s5  }
0xaa: {  	[dreg:$0x4] =	wrdreg $0xC0  }
0xab: {  	_ =	task [dreg:s7], $0x5FFFF  }
0xac: {  	[dreg:$0x1] =	wrdreg $0xFFFFFFFF  }
0xad: {  	[dreg:$0x0] =	wrdreg $0x60  }
0xae: {  	[dreg:$0x2] =	wrdreg s24  }
0xaf: {  	[dreg:$0x3] =	wrdreg s2  }
0xb0: {  	[dreg:$0x4] =	wrdreg $0x9  }
0xb1: {  	_ =	task.clear_ibuf [dreg:s7], $0x5FFFF;
	_ =	strace $0x90000049  }
0xb2: {  	s29 =	simm.s32 $0x9;
	_ =	strace $0x8000004B  }
0xb3: {  	_ =	swait.ge [sflag:s29], $0x1  }
0xb4: {  	[sflag:s29] =	ssyncadd.s32 $0xFFFFFFFF  }
0xb5: {  	_ =	strace $0x9000004B  }
0xb6: {  	_ =	sfence  }
0xb7: {  	s30 =	sld [smem:$0x0];
	_ =	sdelay $0x2  }
0xb8: {  	s31 =	sshll.u32 s1, $0xD;
	s1 =	sshrl.u32 s1, $0x2  }
0xb9: {  	s3 =	sand.u32 $0x4000, s31;
	s1 =	sadd.s32 s1, s30  }
0xba: {  	s0 =	sor.u32 s3, s0;
	s1 =	sshll.u32 s1, $0x11  }
0xbb: {  	s0 =	sor.u32 s1, s0  }
0xbc: {  	s0 =	sadd.s32 $0x8F2B, s0  }
0xbd: {  	[sflag:s0] =	ssyncadd.remote.s32 $0x1  }
0xbe: {  	_ =	sfence.sel $0xFFFF  }
0xbf: {  	[dreg:$0x0] =	wrdreg $0xFFFFFFFF;
	(pc) =	sbr.abs _section_cstart, $3  }
0xc0: {  	[dreg:$0x1] =	wrdreg $0xFFFFFFFF  }
0xc1: {  	_ =	task.clear_ibuf [dreg:s7], $0x2FFFF;
	_ =	strace $0x9FFFFFFF  }
0xc2: {  	(tm) =	ssettm $0x7FFFFFFF  }
0xc3: {  	_ =	shalt  }
tec
execute0_lowered:
.L_overlay_start_1:
0x0: {  	(tag) =	ssettag $0x1  }
0x1: {  	s0 =	rddreg [dreg:$0x0];
	s1 =	srdreg.scid  }
0x2: {  	s3 =	stileid.u32;
	s2 =	rddreg [dreg:$0x1]  }
0x3: {  	s17 =	simm.s32 $0x200;
	s19 =	simm.s32 $0x5;
	s20 =	simm.s32 $0x6  }
0x4: {  	s22 =	simm.s32 $0x7800;
	s24 =	simm.s32 $0xB800;
	s30 =	simm.s32 $0x6600  }
0x5: {  	s31 =	simm.s32 $0x7200;
	s13 =	simm.s32 $0x6A00;
	s12 =	simm.s32 $0x1  }
0x6: {  	s14 =	simm.s32 $0xF800;
	s15 =	simm.s32 $0x2;
	s16 =	simm.s32 $0x13900  }
0x7: {  	s23 =	simm.s32 $0x0;
	s1 =	sand.u32 $0x1, s1;
	s4 =	sshll.u32 s3, $0x1  }
0x8: {  	s3 =	simm.s32 $0x0;
	s7 =	sadd.s32 $0x727800, s0;
	s6 =	sor.u32 s1, s4  }
0x9: {  	s5 =	sadd.s32 $0x2200, s0;
	s8 =	sadd.s32 $0x16A200, s0;
	s4 =	smul.u32 $0x1388, s6  }
0xa: {  	s9 =	sadd.s32 $0x70A200, s0;
	s1 =	ssub.s32 $0x2, s1;
	p0 =	seq.s32 s6, $0x1F  }
0xb: {  	[smem:$0x7FF] =	sst s3;
	s26 =	sshrl.u32 s1, $0x1;
	s4 =	simm.s32 @p0 $0x25D00  }
0xc: {  	s6 =	sadd.s32 $0x744E00, s0;
	s0 =	ssub.s32 s1, s26;
	s10 =	sshrl.u32 s4, $0x3  }
0xd: {  	v0 =	vlaneseq.u32;
	_ =	strace $0x8000004A;
	s0 =	smax.u32 s0, $0x1;
	s11 =	sadd.s32 s8, s10  }
0xe: {  	v0 =	vmul.u32 $0x208, v0;
	s1 =	simm.s32 $0x6800;
	[dreg:$0x5] =	wrdreg s0;
	s28 =	sadd.s32 $0x200, s11  }
0xf: {  	s0 =	simm.s32 $0x7400;
	s29 =	sadd.s32 $0x240, s11;
	[dreg:$0x3] =	wrdreg s28  }
0x10: {  	v1 =	vimm.f32 $0.0e+00;
	v2 =	vadd.s32 $0x2080, v0;
	s10 =	sadd.s32 $0x200, s4;
	s11 =	simm.s32 $0x7600;
	[dreg:$0x4] =	wrdreg s29  }
.LBB2_1:
0x11: {  	[dreg:$0x6] =	wrdreg s23;
	s18 =	simm.s32 $0x0  }
.LBB2_2:
0x12: {  	s21 =	sshll.u32 s18, $0xA  }
0x13: {  	s23 =	sadd.s32 s4, s21  }
0x14: {  	s25 =	sshrl.u32 s23, $0x3  }
0x15: {  	s26 =	sadd.s32 s2, s25  }
0x16: {  	[tilespmem:s3], [sflag:$0x5] =	stream.linear.gather [hbm4b:s26+s3], $0x200, $0x38;
	[tilespmem:$0x17A00] =	vst v63  }
0x17: {  	s28 =	simm.s32 $0x1800;
	s29 =	sadd.s32 s6, s25  }
0x18: {  	[tilespmem:s28], [sflag:$0x5] =	stream.linear.gather [hbm4b:s29+s3], $0x200, $0x38;
	[tilespmem:$0x17A00] =	vst v63  }
0x19: {  	s26 =	sadd.s32 s7, s25;
	s29 =	simm.s32 $0x3000  }
0x1a: {  	[tilespmem:s29], [sflag:$0x5] =	stream.linear.gather [hbm4b:s26+s3], $0x200, $0x38;
	[tilespmem:$0x17A00] =	vst v63  }
0x1b: {  	s26 =	sadd.s32 s9, s25;
	s29 =	simm.s32 $0x4800  }
0x1c: {  	[tilespmem:s29], [sflag:$0x5] =	stream.linear.gather [hbm4b:s26+s3], $0x200, $0x38;
	[tilespmem:$0x17A00] =	vst v63  }
0x1d: {  	s26 =	sadd.s32 $0x4E20, s25  }
0x1e: {  	s29 =	sadd.s32 s2, s26  }
0x1f: {  	[tilespmem:s17], [sflag:$0x5] =	stream.linear.gather [hbm4b:s29+s3], $0x200, $0x38;
	[tilespmem:$0x17A00] =	vst v63  }
0x20: {  	s28 =	sadd.s32 s6, s26;
	s29 =	simm.s32 $0x1A00  }
0x21: {  	[tilespmem:s29], [sflag:$0x5] =	stream.linear.gather [hbm4b:s28+s3], $0x200, $0x38;
	[tilespmem:$0x17A00] =	vst v63  }
0x22: {  	s28 =	sadd.s32 s7, s26;
	s29 =	simm.s32 $0x3200  }
0x23: {  	[tilespmem:s29], [sflag:$0x5] =	stream.linear.gather [hbm4b:s28+s3], $0x200, $0x38;
	[tilespmem:$0x17A00] =	vst v63  }
0x24: {  	s26 =	sadd.s32 s9, s26;
	s29 =	simm.s32 $0x4A00  }
0x25: {  	[tilespmem:s29], [sflag:$0x5] =	stream.linear.gather [hbm4b:s26+s3], $0x200, $0x38;
	[tilespmem:$0x17A00] =	vst v63  }
0x26: {  	s26 =	sadd.s32 $0x9C40, s25  }
0x27: {  	s29 =	simm.s32 $0x400;
	s28 =	sadd.s32 s2, s26  }
0x28: {  	[tilespmem:s29], [sflag:$0x5] =	stream.linear.gather [hbm4b:s28+s3], $0x200, $0x38;
	[tilespmem:$0x17A00] =	vst v63  }
0x29: {  	s28 =	sadd.s32 s6, s26;
	s29 =	simm.s32 $0x1C00  }
0x2a: {  	[tilespmem:s29], [sflag:$0x5] =	stream.linear.gather [hbm4b:s28+s3], $0x200, $0x38;
	[tilespmem:$0x17A00] =	vst v63  }
0x2b: {  	s28 =	sadd.s32 s7, s26;
	s29 =	simm.s32 $0x3400  }
0x2c: {  	[tilespmem:s29], [sflag:$0x5] =	stream.linear.gather [hbm4b:s28+s3], $0x200, $0x38;
	[tilespmem:$0x17A00] =	vst v63  }
0x2d: {  	s26 =	sadd.s32 s9, s26;
	s29 =	simm.s32 $0x4C00  }
0x2e: {  	[tilespmem:s29], [sflag:$0x5] =	stream.linear.gather [hbm4b:s26+s3], $0x200, $0x38;
	[tilespmem:$0x17A00] =	vst v63  }
0x2f: {  	s26 =	sadd.s32 $0xEA60, s25  }
0x30: {  	s29 =	simm.s32 $0x600;
	s28 =	sadd.s32 s2, s26  }
0x31: {  	[tilespmem:s29], [sflag:$0x5] =	stream.linear.gather [hbm4b:s28+s3], $0x200, $0x38;
	[tilespmem:$0x17A00] =	vst v63  }
0x32: {  	s28 =	sadd.s32 s6, s26;
	s29 =	simm.s32 $0x1E00  }
0x33: {  	[tilespmem:s29], [sflag:$0x5] =	stream.linear.gather [hbm4b:s28+s3], $0x200, $0x38;
	[tilespmem:$0x17A00] =	vst v63  }
0x34: {  	s28 =	sadd.s32 s7, s26;
	s29 =	simm.s32 $0x3600  }
0x35: {  	[tilespmem:s29], [sflag:$0x5] =	stream.linear.gather [hbm4b:s28+s3], $0x200, $0x38;
	[tilespmem:$0x17A00] =	vst v63  }
0x36: {  	s26 =	sadd.s32 s9, s26;
	s29 =	simm.s32 $0x4E00  }
0x37: {  	[tilespmem:s29], [sflag:$0x5] =	stream.linear.gather [hbm4b:s26+s3], $0x200, $0x38;
	[tilespmem:$0x17A00] =	vst v63  }
0x38: {  	s26 =	sadd.s32 $0x13880, s25  }
0x39: {  	s29 =	simm.s32 $0x800;
	s28 =	sadd.s32 s2, s26  }
0x3a: {  	[tilespmem:s29], [sflag:$0x5] =	stream.linear.gather [hbm4b:s28+s3], $0x200, $0x38;
	[tilespmem:$0x17A00] =	vst v63  }
0x3b: {  	s28 =	sadd.s32 s6, s26;
	s29 =	simm.s32 $0x2000  }
0x3c: {  	[tilespmem:s29], [sflag:$0x5] =	stream.linear.gather [hbm4b:s28+s3], $0x200, $0x38;
	[tilespmem:$0x17A00] =	vst v63  }
0x3d: {  	s28 =	sadd.s32 s7, s26;
	s29 =	simm.s32 $0x3800  }
0x3e: {  	[tilespmem:s29], [sflag:$0x5] =	stream.linear.gather [hbm4b:s28+s3], $0x200, $0x38;
	[tilespmem:$0x17A00] =	vst v63  }
0x3f: {  	s25 =	sadd.s32 $0x186A0, s25;
	s26 =	sadd.s32 s9, s26;
	s29 =	simm.s32 $0x5000  }
0x40: {  	[tilespmem:s29], [sflag:$0x5] =	stream.linear.gather [hbm4b:s26+s3], $0x200, $0x38;
	[tilespmem:$0x17A00] =	vst v63  }
0x41: {  	s26 =	sadd.s32 s2, s25;
	s29 =	simm.s32 $0xA00  }
0x42: {  	[tilespmem:s29], [sflag:$0x5] =	stream.linear.gather [hbm4b:s26+s3], $0x200, $0x38;
	[tilespmem:$0x17A00] =	vst v63  }
0x43: {  	s26 =	sadd.s32 s6, s25;
	s29 =	simm.s32 $0x2200  }
0x44: {  	[tilespmem:s29], [sflag:$0x5] =	stream.linear.gather [hbm4b:s26+s3], $0x200, $0x38;
	[tilespmem:$0x17A00] =	vst v63  }
0x45: {  	s23 =	sadd.s32 $0x200, s23;
	s26 =	sadd.s32 s7, s25;
	s29 =	simm.s32 $0x3A00  }
0x46: {  	[tilespmem:s29], [sflag:$0x5] =	stream.linear.gather [hbm4b:s26+s3], $0x200, $0x38;
	[tilespmem:$0x17A00] =	vst v63  }
0x47: {  	s23 =	sshrl.u32 s23, $0x3;
	s25 =	sadd.s32 s9, s25;
	s29 =	simm.s32 $0x5200  }
0x48: {  	[tilespmem:s29], [sflag:$0x5] =	stream.linear.gather [hbm4b:s25+s3], $0x200, $0x38;
	[tilespmem:$0x17A00] =	vst v63  }
0x49: {  	s28 =	sadd.s32 s2, s23;
	s29 =	simm.s32 $0xC00  }
0x4a: {  	[tilespmem:s29], [sflag:$0x6] =	stream.linear.gather [hbm4b:s28+s3], $0x200, $0x38;
	[tilespmem:$0x17A00] =	vst v63  }
0x4b: {  	s28 =	sadd.s32 s6, s23;
	s29 =	simm.s32 $0x2400  }
0x4c: {  	[tilespmem:s29], [sflag:$0x6] =	stream.linear.gather [hbm4b:s28+s3], $0x200, $0x38;
	[tilespmem:$0x17A00] =	vst v63  }
0x4d: {  	s28 =	sadd.s32 s7, s23;
	s29 =	simm.s32 $0x3C00  }
0x4e: {  	[tilespmem:s29], [sflag:$0x6] =	stream.linear.gather [hbm4b:s28+s3], $0x200, $0x38;
	[tilespmem:$0x17A00] =	vst v63  }
0x4f: {  	s26 =	sadd.s32 s9, s23;
	s25 =	sadd.s32 $0x4E20, s23;
	s28 =	simm.s32 $0x5400  }
0x50: {  	[tilespmem:s28], [sflag:$0x6] =	stream.linear.gather [hbm4b:s26+s3], $0x200, $0x38;
	[tilespmem:$0x17A00] =	vst v63  }
0x51: {  	s29 =	simm.s32 $0xE00;
	s26 =	sadd.s32 s2, s25  }
0x52: {  	[tilespmem:s29], [sflag:$0x6] =	stream.linear.gather [hbm4b:s26+s3], $0x200, $0x38;
	[tilespmem:$0x17A00] =	vst v63  }
0x53: {  	s26 =	sadd.s32 s6, s25;
	s29 =	simm.s32 $0x2600  }
0x54: {  	[tilespmem:s29], [sflag:$0x6] =	stream.linear.gather [hbm4b:s26+s3], $0x200, $0x38;
	[tilespmem:$0x17A00] =	vst v63  }
0x55: {  	s26 =	sadd.s32 s7, s25;
	s29 =	simm.s32 $0x3E00  }
0x56: {  	[tilespmem:s29], [sflag:$0x6] =	stream.linear.gather [hbm4b:s26+s3], $0x200, $0x38;
	[tilespmem:$0x17A00] =	vst v63  }
0x57: {  	s28 =	simm.s32 $0x5600;
	s25 =	sadd.s32 s9, s25  }
0x58: {  	[tilespmem:s28], [sflag:$0x6] =	stream.linear.gather [hbm4b:s25+s3], $0x200, $0x38;
	[tilespmem:$0x17A00] =	vst v63  }
0x59: {  	s25 =	sadd.s32 $0x9C40, s23  }
0x5a: {  	s29 =	simm.s32 $0x1000;
	s26 =	sadd.s32 s2, s25  }
0x5b: {  	[tilespmem:s29], [sflag:$0x6] =	stream.linear.gather [hbm4b:s26+s3], $0x200, $0x38;
	[tilespmem:$0x17A00] =	vst v63  }
0x5c: {  	s26 =	sadd.s32 s6, s25;
	s29 =	simm.s32 $0x2800  }
0x5d: {  	[tilespmem:s29], [sflag:$0x6] =	stream.linear.gather [hbm4b:s26+s3], $0x200, $0x38;
	[tilespmem:$0x17A00] =	vst v63  }
0x5e: {  	s26 =	sadd.s32 s7, s25;
	s29 =	simm.s32 $0x4000  }
0x5f: {  	[tilespmem:s29], [sflag:$0x6] =	stream.linear.gather [hbm4b:s26+s3], $0x200, $0x38;
	[tilespmem:$0x17A00] =	vst v63  }
0x60: {  	s28 =	simm.s32 $0x5800;
	s25 =	sadd.s32 s9, s25  }
0x61: {  	[tilespmem:s28], [sflag:$0x6] =	stream.linear.gather [hbm4b:s25+s3], $0x200, $0x38;
	[tilespmem:$0x17A00] =	vst v63  }
0x62: {  	s25 =	sadd.s32 $0xEA60, s23  }
0x63: {  	s29 =	simm.s32 $0x1200;
	s26 =	sadd.s32 s2, s25  }
0x64: {  	[tilespmem:s29], [sflag:$0x6] =	stream.linear.gather [hbm4b:s26+s3], $0x200, $0x38;
	[tilespmem:$0x17A00] =	vst v63  }
0x65: {  	s26 =	sadd.s32 s6, s25;
	s29 =	simm.s32 $0x2A00  }
0x66: {  	[tilespmem:s29], [sflag:$0x6] =	stream.linear.gather [hbm4b:s26+s3], $0x200, $0x38;
	[tilespmem:$0x17A00] =	vst v63  }
0x67: {  	s26 =	sadd.s32 s7, s25;
	s29 =	simm.s32 $0x4200  }
0x68: {  	[tilespmem:s29], [sflag:$0x6] =	stream.linear.gather [hbm4b:s26+s3], $0x200, $0x38;
	[tilespmem:$0x17A00] =	vst v63  }
0x69: {  	s28 =	simm.s32 $0x5A00;
	s25 =	sadd.s32 s9, s25  }
0x6a: {  	[tilespmem:s28], [sflag:$0x6] =	stream.linear.gather [hbm4b:s25+s3], $0x200, $0x38;
	[tilespmem:$0x17A00] =	vst v63  }
0x6b: {  	s25 =	sadd.s32 $0x13880, s23  }
0x6c: {  	s29 =	simm.s32 $0x1400;
	s26 =	sadd.s32 s2, s25  }
0x6d: {  	[tilespmem:s29], [sflag:$0x6] =	stream.linear.gather [hbm4b:s26+s3], $0x200, $0x38;
	[tilespmem:$0x17A00] =	vst v63  }
0x6e: {  	s26 =	sadd.s32 s6, s25;
	s29 =	simm.s32 $0x2C00  }
0x6f: {  	[tilespmem:s29], [sflag:$0x6] =	stream.linear.gather [hbm4b:s26+s3], $0x200, $0x38;
	[tilespmem:$0x17A00] =	vst v63  }
0x70: {  	s26 =	sadd.s32 s7, s25;
	s29 =	simm.s32 $0x4400  }
0x71: {  	[tilespmem:s29], [sflag:$0x6] =	stream.linear.gather [hbm4b:s26+s3], $0x200, $0x38;
	[tilespmem:$0x17A00] =	vst v63  }
0x72: {  	s23 =	sadd.s32 $0x186A0, s23;
	s25 =	sadd.s32 s9, s25;
	s29 =	simm.s32 $0x5C00  }
0x73: {  	[tilespmem:s29], [sflag:$0x6] =	stream.linear.gather [hbm4b:s25+s3], $0x200, $0x38;
	[tilespmem:$0x17A00] =	vst v63  }
0x74: {  	s28 =	sadd.s32 s2, s23;
	s29 =	simm.s32 $0x1600  }
0x75: {  	[tilespmem:s29], [sflag:$0x6] =	stream.linear.gather [hbm4b:s28+s3], $0x200, $0x38;
	[tilespmem:$0x17A00] =	vst v63  }
0x76: {  	p0 =	seq.s32 s18, $0x0;
	s28 =	sadd.s32 s6, s23;
	s29 =	simm.s32 $0x2E00  }
0x77: {  	[tilespmem:s29], [sflag:$0x6] =	stream.linear.gather [hbm4b:s28+s3], $0x200, $0x38;
	[tilespmem:$0x17A00] =	vst v63  }
.Ltmp0:
0x78: {  	_ = 	snop;
	(pc) =	sbr.rel @p0 .LBB2_11-.Ltmp0, $4  }
0x79: {  	s26 =	sadd.s32 s7, s23;
	s28 =	simm.s32 $0x4600  }
0x7a: {  	[tilespmem:s28], [sflag:$0x6] =	stream.linear.gather [hbm4b:s26+s3], $0x200, $0x38;
	[tilespmem:$0x17A00] =	vst v63  }
0x7b: {  	s23 =	sadd.s32 s9, s23;
	s29 =	simm.s32 $0x5E00  }
0x7c: {  	[tilespmem:s29], [sflag:$0x6] =	stream.linear.gather [hbm4b:s23+s3], $0x200, $0x38;
	[tilespmem:$0x17A00] =	vst v63  }
0x7d: {  	_ =	swait.ge [sflag:s12], $0x4000  }
0x7e: {  	[sflag:s12] =	ssyncset.done $0x0  }
0x7f: {  	[sflag:s12] =	ssyncadd.s32 $0xFFFFC000  }
0x80: {  	_ =	swait.ge [sflag:s12], $0x4000  }
0x81: {  	[sflag:s12] =	ssyncset.done $0x0  }
0x82: {  	[sflag:s12] =	ssyncadd.s32 $0xFFFFC000  }
0x83: {  	_ =	swait.ge [sflag:s12], $0x4000  }
0x84: {  	[sflag:s12] =	ssyncset.done $0x0  }
0x85: {  	[sflag:s12] =	ssyncadd.s32 $0xFFFFC000  }
0x86: {  	_ =	swait.ge [sflag:s12], $0x4000  }
0x87: {  	[sflag:s12] =	ssyncset.done $0x0  }
0x88: {  	[sflag:s12] =	ssyncadd.s32 $0xFFFFC000  }
0x89: {  	_ =	swait.ge [sflag:s12], $0x4000  }
0x8a: {  	[sflag:s12] =	ssyncset.done $0x0  }
0x8b: {  	[sflag:s12] =	ssyncadd.s32 $0xFFFFC000  }
0x8c: {  	_ =	swait.ge [sflag:s12], $0x4000  }
0x8d: {  	p0 =	seq.s32 s18, $0x1;
	[sflag:s12] =	ssyncset.done $0x0  }
0x8e: {  	s23 =	simm.s32 @!p0 $0x3;
	[sflag:s12] =	ssyncadd.s32 $0xFFFFC000  }
0x8f: {  	s25 =	simm.s32 $0x0;
	_ =	swait.ge @!p0 [sflag:s23], $0x4000  }
0x90: {  	v3 =	vmov s25;
	[sflag:s23] =	ssyncset.done @!p0 $0x0  }
0x91: {  	v4 =	vand.u32 $0x1FF, v3;
	[sflag:s23] =	ssyncadd.s32 @!p0 $0xFFFFC000;
	s23 =	simm.s32 $0x7810  }
0x92: {  	v5 =	vadd.s32 v0, v4;
	v3 =	vld [tilespmem:s23+$0xFFFFFFF0];
	_ =	sdelay $0x4  }
0x93: {  	[tilespmem:v5+s14+$0x0] =	vst.idx.msk $0xffff, v3  }
0x94: {  	v4 =	vadd.s32 v2, v4;
	v3 =	vld [tilespmem:s23+$0x0];
	_ =	sdelay $0x2  }
0x95: {  	s21 =	sadd.s32 $0xFFFFFC00, s21;
	s26 =	simm.s32 $0x1  }
0x96: {  	s25 =	sadd.s32 s4, s21;
	v5 =	vmov s26;
	s26 =	simm.s32 $0x2  }
.LBB2_4:
0x97: {  	p1 =	sne.s32 s26, $0x1FF;
	v5 =	vand.u32 $0x1FF, v5;
	[tilespmem:v4+s14+$0x0] =	vst.idx.msk $0xffff, v3;
	s23 =	sadd.s32 $0x20, s23  }
0x98: {  	v3 =	vld [tilespmem:s23+$0xFFFFFFF0];
	v4 =	vadd.s32 v0, v5;
	_ =	sdelay $0x4  }
0x99: {  	[tilespmem:v4+s14+$0x0] =	vst.idx.msk $0xffff, v3  }
.Ltmp1:
0x9a: {  	v4 =	vadd.s32 v2, v5;
	v3 =	vld [tilespmem:s23+$0x0];
	(pc) =	sbr.rel @p1 .LBB2_4-.Ltmp1, $2  }
0x9b: {  	_ =	sdelay $0x2  }
0x9c: {  	v5 =	vmov s26;
	s26 =	sadd.s32 $0x1, s26  }
0x9d: {  	_ =	sdelay $0x3  }
0x9e: {  	v5 =	vand.u32 $0x1FF, v5;
	[tilespmem:v4+s14+$0x0] =	vst.idx.msk $0xffff, v3;
	s23 =	sadd.s32 $0x20, s23  }
0x9f: {  	v3 =	vld [tilespmem:s23+$0xFFFFFFF0];
	v62 =	vadd.s32 v0, v5;
	_ =	sdelay $0x4  }
0xa0: {  	[tilespmem:v62+s14+$0x0] =	vst.idx.msk $0xffff, v3  }
0xa1: {  	v63 =	vadd.s32 v2, v5;
	v3 =	vld [tilespmem:s23+$0x0];
	_ =	sdelay $0x3  }
0xa2: {  	s28 =	sshrl.u32 s25, $0x3  }
0xa3: {  	s29 =	simm.s32 $0xF800;
	s25 =	simm.s32 $0x820;
	s23 =	sadd.s32 s8, s28;
	[tilespmem:v63+s14+$0x0] =	vst.idx.msk $0xffff, v3  }
0xa4: {  	[hbm4b:s23+s3] =	stream.linear.scatter [tilespmem:s29], [sflag:$0x3], $0x200, $0x38;
	[tilespmem:$0x17A00] =	vst v63  }
.LBB2_6:
0xa5: {  	p1 =	sne.s32 s25, $0xFBE0  }
.Ltmp2:
0xa6: {  	_ = 	snop;
	(pc) =	sbr.rel @p1 .LBB2_6-.Ltmp2, $4  }
0xa7: {  	_ = 	snop  }
0xa8: {  	s26 =	sshra.s32 s25, $0x2;
	s25 =	sadd.s32 $0x820, s25  }
0xa9: {  	s23 =	sadd.s32 $0x4E20, s23;
	s26 =	sadd.s32 $0xF800, s26  }
0xaa: {  	[hbm4b:s23+s3] =	stream.linear.scatter [tilespmem:s26], [sflag:$0x3], $0x200, $0x38;
	[tilespmem:$0x17A00] =	vst v63  }
0xab: {  	_ =	swait.ge [sflag:s15], $0x4000  }
0xac: {  	[sflag:s15] =	ssyncset.done $0x0  }
0xad: {  	[sflag:s15] =	ssyncadd.s32 $0xFFFFC000  }
0xae: {  	_ =	swait.ge [sflag:s15], $0x4000  }
0xaf: {  	[sflag:s15] =	ssyncset.done $0x0  }
0xb0: {  	[sflag:s15] =	ssyncadd.s32 $0xFFFFC000  }
0xb1: {  	_ =	swait.ge [sflag:s15], $0x4000  }
0xb2: {  	[sflag:s15] =	ssyncset.done $0x0  }
0xb3: {  	[sflag:s15] =	ssyncadd.s32 $0xFFFFC000  }
0xb4: {  	_ =	swait.ge [sflag:s15], $0x4000  }
0xb5: {  	[sflag:s15] =	ssyncset.done $0x0  }
0xb6: {  	[sflag:s15] =	ssyncadd.s32 $0xFFFFC000  }
0xb7: {  	_ =	swait.ge [sflag:s15], $0x4000  }
0xb8: {  	[sflag:s15] =	ssyncset.done $0x0  }
0xb9: {  	[sflag:s15] =	ssyncadd.s32 $0xFFFFC000  }
0xba: {  	_ =	swait.ge [sflag:s15], $0x4000  }
0xbb: {  	[sflag:s15] =	ssyncset.done $0x0  }
0xbc: {  	s23 =	simm.s32 @!p0 $0x4;
	[sflag:s15] =	ssyncadd.s32 $0xFFFFC000  }
0xbd: {  	s25 =	simm.s32 $0x0;
	_ =	swait.ge @!p0 [sflag:s23], $0x4000  }
0xbe: {  	v3 =	vmov s25;
	[sflag:s23] =	ssyncset.done @!p0 $0x0  }
0xbf: {  	v4 =	vand.u32 $0x1FF, v3;
	[sflag:s23] =	ssyncadd.s32 @!p0 $0xFFFFC000;
	s23 =	simm.s32 $0xB810  }
0xc0: {  	v5 =	vadd.s32 v0, v4;
	v3 =	vld [tilespmem:s23+$0xFFFFFFF0];
	_ =	sdelay $0x4  }
0xc1: {  	[tilespmem:v5+s16+$0x0] =	vst.idx.msk $0xffff, v3  }
0xc2: {  	v4 =	vadd.s32 v2, v4;
	v3 =	vld [tilespmem:s23+$0x0];
	_ =	sdelay $0x2  }
0xc3: {  	s29 =	simm.s32 $0x1  }
0xc4: {  	s21 =	sadd.s32 s21, s10;
	s25 =	simm.s32 $0x2;
	v5 =	vmov s29  }
.LBB2_8:
0xc5: {  	p0 =	sne.s32 s25, $0x1FF;
	v5 =	vand.u32 $0x1FF, v5;
	[tilespmem:v4+s16+$0x0] =	vst.idx.msk $0xffff, v3;
	s23 =	sadd.s32 $0x20, s23  }
0xc6: {  	v3 =	vld [tilespmem:s23+$0xFFFFFFF0];
	v4 =	vadd.s32 v0, v5;
	_ =	sdelay $0x4  }
0xc7: {  	[tilespmem:v4+s16+$0x0] =	vst.idx.msk $0xffff, v3  }
.Ltmp3:
0xc8: {  	v4 =	vadd.s32 v2, v5;
	v3 =	vld [tilespmem:s23+$0x0];
	(pc) =	sbr.rel @p0 .LBB2_8-.Ltmp3, $2  }
0xc9: {  	_ =	sdelay $0x2  }
0xca: {  	v5 =	vmov s25;
	s25 =	sadd.s32 $0x1, s25  }
0xcb: {  	_ =	sdelay $0x3  }
0xcc: {  	v5 =	vand.u32 $0x1FF, v5;
	[tilespmem:v4+s16+$0x0] =	vst.idx.msk $0xffff, v3;
	s23 =	sadd.s32 $0x20, s23  }
0xcd: {  	v3 =	vld [tilespmem:s23+$0xFFFFFFF0];
	v62 =	vadd.s32 v0, v5;
	_ =	sdelay $0x4  }
0xce: {  	[tilespmem:v62+s16+$0x0] =	vst.idx.msk $0xffff, v3  }
0xcf: {  	v63 =	vadd.s32 v2, v5;
	v3 =	vld [tilespmem:s23+$0x0];
	_ =	sdelay $0x3  }
0xd0: {  	s21 =	sshrl.u32 s21, $0x3  }
0xd1: {  	s29 =	simm.s32 $0x13900;
	s21 =	sadd.s32 s8, s21;
	s23 =	simm.s32 $0x820;
	[tilespmem:v63+s16+$0x0] =	vst.idx.msk $0xffff, v3  }
0xd2: {  	[hbm4b:s21+s3] =	stream.linear.scatter [tilespmem:s29], [sflag:$0x4], $0x200, $0x38;
	[tilespmem:$0x17A00] =	vst v63  }
.LBB2_10:
0xd3: {  	p0 =	sne.s32 s23, $0xFBE0  }
.Ltmp4:
0xd4: {  	_ = 	snop;
	(pc) =	sbr.rel @p0 .LBB2_10-.Ltmp4, $4  }
0xd5: {  	_ = 	snop  }
0xd6: {  	s25 =	sshra.s32 s23, $0x2;
	s23 =	sadd.s32 $0x820, s23  }
0xd7: {  	s21 =	sadd.s32 $0x4E20, s21;
	s25 =	sadd.s32 $0x13900, s25  }
0xd8: {  	[hbm4b:s21+s3] =	stream.linear.scatter [tilespmem:s25], [sflag:$0x4], $0x200, $0x38;
	[tilespmem:$0x17A00] =	vst v63  }
.LBB2_11:
0xd9: {  	_ =	swait.ge [sflag:s19], $0x200  }
0xda: {  	[sflag:s19] =	ssyncset.done $0x0  }
0xdb: {  	[sflag:s19] =	ssyncadd.s32 $0xFFFFFE00  }
0xdc: {  	_ =	swait.ge [sflag:s19], $0x200  }
0xdd: {  	[sflag:s19] =	ssyncset.done $0x0  }
0xde: {  	[sflag:s19] =	ssyncadd.s32 $0xFFFFFE00  }
0xdf: {  	_ =	swait.ge [sflag:s19], $0x200  }
0xe0: {  	[sflag:s19] =	ssyncset.done $0x0  }
0xe1: {  	[sflag:s19] =	ssyncadd.s32 $0xFFFFFE00  }
0xe2: {  	_ =	swait.ge [sflag:s19], $0x200  }
0xe3: {  	[sflag:s19] =	ssyncset.done $0x0  }
0xe4: {  	[sflag:s19] =	ssyncadd.s32 $0xFFFFFE00  }
0xe5: {  	_ =	swait.ge [sflag:s19], $0x200  }
0xe6: {  	[sflag:s19] =	ssyncset.done $0x0  }
0xe7: {  	[sflag:s19] =	ssyncadd.s32 $0xFFFFFE00  }
0xe8: {  	_ =	swait.ge [sflag:s19], $0x200  }
0xe9: {  	[sflag:s19] =	ssyncset.done $0x0  }
0xea: {  	[sflag:s19] =	ssyncadd.s32 $0xFFFFFE00  }
0xeb: {  	_ =	swait.ge [sflag:s19], $0x200  }
0xec: {  	[sflag:s19] =	ssyncset.done $0x0  }
0xed: {  	[sflag:s19] =	ssyncadd.s32 $0xFFFFFE00  }
0xee: {  	_ =	swait.ge [sflag:s19], $0x200  }
0xef: {  	[sflag:s19] =	ssyncset.done $0x0  }
0xf0: {  	[sflag:s19] =	ssyncadd.s32 $0xFFFFFE00  }
0xf1: {  	_ =	swait.ge [sflag:s19], $0x200  }
0xf2: {  	[sflag:s19] =	ssyncset.done $0x0  }
0xf3: {  	[sflag:s19] =	ssyncadd.s32 $0xFFFFFE00  }
0xf4: {  	_ =	swait.ge [sflag:s19], $0x200  }
0xf5: {  	[sflag:s19] =	ssyncset.done $0x0  }
0xf6: {  	[sflag:s19] =	ssyncadd.s32 $0xFFFFFE00  }
0xf7: {  	_ =	swait.ge [sflag:s19], $0x200  }
0xf8: {  	[sflag:s19] =	ssyncset.done $0x0  }
0xf9: {  	[sflag:s19] =	ssyncadd.s32 $0xFFFFFE00  }
0xfa: {  	_ =	swait.ge [sflag:s19], $0x200  }
0xfb: {  	[sflag:s19] =	ssyncset.done $0x0  }
0xfc: {  	[sflag:s19] =	ssyncadd.s32 $0xFFFFFE00  }
0xfd: {  	_ =	swait.ge [sflag:s19], $0x200  }
0xfe: {  	[sflag:s19] =	ssyncset.done $0x0  }
0xff: {  	[sflag:s19] =	ssyncadd.s32 $0xFFFFFE00  }
0x100: {  	_ =	swait.ge [sflag:s19], $0x200  }
0x101: {  	[sflag:s19] =	ssyncset.done $0x0  }
0x102: {  	[sflag:s19] =	ssyncadd.s32 $0xFFFFFE00  }
0x103: {  	_ =	swait.ge [sflag:s19], $0x200  }
0x104: {  	[sflag:s19] =	ssyncset.done $0x0  }
0x105: {  	[sflag:s19] =	ssyncadd.s32 $0xFFFFFE00  }
0x106: {  	_ =	swait.ge [sflag:s19], $0x200  }
0x107: {  	[sflag:s19] =	ssyncset.done $0x0  }
0x108: {  	[sflag:s19] =	ssyncadd.s32 $0xFFFFFE00  }
0x109: {  	_ =	swait.ge [sflag:s19], $0x200  }
0x10a: {  	[sflag:s19] =	ssyncset.done $0x0  }
0x10b: {  	[sflag:s19] =	ssyncadd.s32 $0xFFFFFE00  }
0x10c: {  	_ =	swait.ge [sflag:s19], $0x200  }
0x10d: {  	[sflag:s19] =	ssyncset.done $0x0  }
0x10e: {  	[sflag:s19] =	ssyncadd.s32 $0xFFFFFE00  }
0x10f: {  	_ =	swait.ge [sflag:s19], $0x200  }
0x110: {  	[sflag:s19] =	ssyncset.done $0x0  }
0x111: {  	[sflag:s19] =	ssyncadd.s32 $0xFFFFFE00  }
0x112: {  	_ =	swait.ge [sflag:s19], $0x200  }
0x113: {  	[sflag:s19] =	ssyncset.done $0x0  }
0x114: {  	[sflag:s19] =	ssyncadd.s32 $0xFFFFFE00  }
0x115: {  	_ =	swait.ge [sflag:s19], $0x200  }
0x116: {  	[sflag:s19] =	ssyncset.done $0x0  }
0x117: {  	[sflag:s19] =	ssyncadd.s32 $0xFFFFFE00  }
0x118: {  	_ =	swait.ge [sflag:s19], $0x200  }
0x119: {  	[sflag:s19] =	ssyncset.done $0x0  }
0x11a: {  	[sflag:s19] =	ssyncadd.s32 $0xFFFFFE00  }
0x11b: {  	_ =	swait.ge [sflag:s19], $0x200  }
0x11c: {  	[sflag:s19] =	ssyncset.done $0x0  }
0x11d: {  	[sflag:s19] =	ssyncadd.s32 $0xFFFFFE00  }
0x11e: {  	_ =	swait.ge [sflag:s19], $0x200  }
0x11f: {  	[sflag:s19] =	ssyncset.done $0x0  }
0x120: {  	[sflag:s19] =	ssyncadd.s32 $0xFFFFFE00  }
0x121: {  	_ =	swait.ge [sflag:s20], $0x200  }
0x122: {  	[sflag:s20] =	ssyncset.done $0x0  }
0x123: {  	[sflag:s20] =	ssyncadd.s32 $0xFFFFFE00  }
0x124: {  	_ =	swait.ge [sflag:s20], $0x200  }
0x125: {  	[sflag:s20] =	ssyncset.done $0x0  }
0x126: {  	[sflag:s20] =	ssyncadd.s32 $0xFFFFFE00  }
0x127: {  	_ =	swait.ge [sflag:s20], $0x200  }
0x128: {  	[sflag:s20] =	ssyncset.done $0x0  }
0x129: {  	[sflag:s20] =	ssyncadd.s32 $0xFFFFFE00  }
0x12a: {  	_ =	swait.ge [sflag:s20], $0x200  }
0x12b: {  	[sflag:s20] =	ssyncset.done $0x0  }
0x12c: {  	[sflag:s20] =	ssyncadd.s32 $0xFFFFFE00  }
0x12d: {  	_ =	swait.ge [sflag:s20], $0x200  }
0x12e: {  	[sflag:s20] =	ssyncset.done $0x0  }
0x12f: {  	[sflag:s20] =	ssyncadd.s32 $0xFFFFFE00  }
0x130: {  	_ =	swait.ge [sflag:s20], $0x200  }
0x131: {  	[sflag:s20] =	ssyncset.done $0x0  }
0x132: {  	[sflag:s20] =	ssyncadd.s32 $0xFFFFFE00  }
0x133: {  	_ =	swait.ge [sflag:s20], $0x200  }
0x134: {  	[sflag:s20] =	ssyncset.done $0x0  }
0x135: {  	[sflag:s20] =	ssyncadd.s32 $0xFFFFFE00  }
0x136: {  	_ =	swait.ge [sflag:s20], $0x200  }
0x137: {  	[sflag:s20] =	ssyncset.done $0x0  }
0x138: {  	[sflag:s20] =	ssyncadd.s32 $0xFFFFFE00  }
0x139: {  	_ =	swait.ge [sflag:s20], $0x200  }
0x13a: {  	[sflag:s20] =	ssyncset.done $0x0  }
0x13b: {  	[sflag:s20] =	ssyncadd.s32 $0xFFFFFE00  }
0x13c: {  	_ =	swait.ge [sflag:s20], $0x200  }
0x13d: {  	[sflag:s20] =	ssyncset.done $0x0  }
0x13e: {  	[sflag:s20] =	ssyncadd.s32 $0xFFFFFE00  }
0x13f: {  	_ =	swait.ge [sflag:s20], $0x200  }
0x140: {  	[sflag:s20] =	ssyncset.done $0x0  }
0x141: {  	[sflag:s20] =	ssyncadd.s32 $0xFFFFFE00  }
0x142: {  	_ =	swait.ge [sflag:s20], $0x200  }
0x143: {  	[sflag:s20] =	ssyncset.done $0x0  }
0x144: {  	[sflag:s20] =	ssyncadd.s32 $0xFFFFFE00  }
0x145: {  	_ =	swait.ge [sflag:s20], $0x200  }
0x146: {  	[sflag:s20] =	ssyncset.done $0x0  }
0x147: {  	[sflag:s20] =	ssyncadd.s32 $0xFFFFFE00  }
0x148: {  	_ =	swait.ge [sflag:s20], $0x200  }
0x149: {  	[sflag:s20] =	ssyncset.done $0x0  }
0x14a: {  	[sflag:s20] =	ssyncadd.s32 $0xFFFFFE00  }
0x14b: {  	_ =	swait.ge [sflag:s20], $0x200  }
0x14c: {  	[sflag:s20] =	ssyncset.done $0x0  }
0x14d: {  	[sflag:s20] =	ssyncadd.s32 $0xFFFFFE00  }
0x14e: {  	_ =	swait.ge [sflag:s20], $0x200  }
0x14f: {  	[sflag:s20] =	ssyncset.done $0x0  }
0x150: {  	[sflag:s20] =	ssyncadd.s32 $0xFFFFFE00  }
0x151: {  	_ =	swait.ge [sflag:s20], $0x200  }
0x152: {  	[sflag:s20] =	ssyncset.done $0x0  }
0x153: {  	[sflag:s20] =	ssyncadd.s32 $0xFFFFFE00  }
0x154: {  	_ =	swait.ge [sflag:s20], $0x200  }
0x155: {  	[sflag:s20] =	ssyncset.done $0x0  }
0x156: {  	[sflag:s20] =	ssyncadd.s32 $0xFFFFFE00  }
0x157: {  	_ =	swait.ge [sflag:s20], $0x200  }
0x158: {  	[sflag:s20] =	ssyncset.done $0x0  }
0x159: {  	[sflag:s20] =	ssyncadd.s32 $0xFFFFFE00  }
0x15a: {  	_ =	swait.ge [sflag:s20], $0x200  }
0x15b: {  	[sflag:s20] =	ssyncset.done $0x0  }
0x15c: {  	[sflag:s20] =	ssyncadd.s32 $0xFFFFFE00  }
0x15d: {  	_ =	swait.ge [sflag:s20], $0x200  }
0x15e: {  	[sflag:s20] =	ssyncset.done $0x0  }
0x15f: {  	[sflag:s20] =	ssyncadd.s32 $0xFFFFFE00  }
0x160: {  	_ =	swait.ge [sflag:s20], $0x200  }
0x161: {  	[sflag:s20] =	ssyncset.done $0x0  }
0x162: {  	[sflag:s20] =	ssyncadd.s32 $0xFFFFFE00  }
0x163: {  	_ =	swait.ge [sflag:s20], $0x200  }
0x164: {  	[sflag:s20] =	ssyncset.done $0x0  }
0x165: {  	[sflag:s20] =	ssyncadd.s32 $0xFFFFFE00  }
0x166: {  	_ =	swait.ge [sflag:s20], $0x200  }
0x167: {  	[sflag:s20] =	ssyncset.done $0x0  }
0x168: {  	s21 =	simm.s32 $0x0;
	[sflag:s20] =	ssyncadd.s32 $0xFFFFFE00  }
0x169: {  	v3 =	vld [tilespmem:s21+$0x3A00]  }
0x16a: {  	v4 =	vld [tilespmem:s21+$0x2200]  }
0x16b: {  	v5 =	vld [tilespmem:s21+$0x3200]  }
0x16c: {  	v6 =	vld [tilespmem:s21+$0x1A00]  }
0x16d: {  	v7 =	vld [tilespmem:s21+$0xA00]  }
0x16e: {  	v8 =	vld [tilespmem:s21+$0x5200]  }
0x16f: {  	v9 =	vld [tilespmem:s21+$0x3400]  }
0x170: {  	v10 =	vld [tilespmem:s21+$0x1C00]  }
0x171: {  	v11 =	vld [tilespmem:s21+$0x3600]  }
0x172: {  	v12 =	vld [tilespmem:s21+$0x2000];
	v3 =	vmul.u32 $0x780, v3;
	v4 =	vmul.u32 $0x3C, v4  }
0x173: {  	v13 =	vld [tilespmem:s21+$0x200]  }
0x174: {  	v14 =	vld [tilespmem:s21+$0x400];
	v3 =	vadd.s32 v4, v3  }
0x175: {  	v4 =	vld [tilespmem:s21+$0x1E00];
	v3 =	vadd.s32 v7, v3  }
0x176: {  	v8 =	vadd.s32 $0xFFFFFFFF, v8;
	v7 =	vld [tilespmem:s21+$0x3800];
	v3 =	vadd.s32 $0x4B000, v3  }
0x177: {  	v3 =	vor.u32 v8, v3;
	v8 =	vld [tilespmem:s21+$0x3000]  }
0x178: {  	[tilespmem:s21+$0x6A00] =	vst v3;
	v3 =	vld [tilespmem:s21+$0x1800]  }
0x179: {  	v18 =	vld [tilespmem:s21+$0x4800];
	v5 =	vmul.u32 $0x780, v5;
	v6 =	vmul.u32 $0x3C, v6  }
0x17a: {  	v15 =	vld [tilespmem:s21+$0x600];
	v9 =	vmul.u32 $0x780, v9;
	v10 =	vmul.u32 $0x3C, v10  }
0x17b: {  	v16 =	vld [tilespmem:s21+$0x800];
	v11 =	vmul.u32 $0x780, v11;
	v12 =	vmul.u32 $0x3C, v12;
	v5 =	vadd.s32 v6, v5  }
0x17c: {  	v17 =	vld [tilespmem:s21+$0x0];
	v6 =	vadd.s32 v10, v9;
	v4 =	vmul.u32 $0x3C, v4;
	v7 =	vmul.u32 $0x780, v7  }
0x17d: {  	v10 =	vld [tilespmem:s21+$0x4A00];
	v5 =	vadd.s32 v13, v5;
	v8 =	vmul.u32 $0x780, v8;
	v3 =	vmul.u32 $0x3C, v3  }
0x17e: {  	v9 =	vld [tilespmem:s21+$0x4C00];
	v13 =	vadd.s32 $0xFFFFFFFF, v18;
	v4 =	vadd.s32 v4, v11;
	v11 =	vadd.s32 v12, v7  }
0x17f: {  	v4 =	vadd.s32 v15, v4;
	v12 =	vadd.s32 v8, v3;
	v3 =	vadd.s32 v14, v6;
	v8 =	vld [tilespmem:s21+$0x4E00]  }
0x180: {  	s23 =	simm.s32 $0x10;
	v6 =	vadd.s32 $0x1E000, v3;
	v3 =	vadd.s32 $0x2D000, v4;
	v4 =	vadd.s32 v16, v11;
	v11 =	vld [tilespmem:s21+$0x5000]  }
0x181: {  	s25 =	simm.s32 $0x80;
	v7 =	vadd.s32 $0xF000, v5;
	v12 =	vadd.s32 v17, v12;
	v5 =	vadd.s32 $0x3C000, v4;
	v4 =	vld [tilespmem:s23+$0x3A00]  }
.LBB2_12:
0x182: {  	p0 =	sne.s32 s25, $0x7C0;
	v14 =	vld [tilespmem:s23+$0x2200];
	v12 =	vor.u32 v13, v12;
	v10 =	vadd.s32 $0xFFFFFFFF, v10  }
0x183: {  	v13 =	vld [tilespmem:s23+$0x3200];
	[tilespmem:s21+$0x6000] =	vst v12;
	v7 =	vor.u32 v10, v7;
	v9 =	vadd.s32 $0xFFFFFFFF, v9  }
0x184: {  	v10 =	vld [tilespmem:s23+$0x1A00];
	[tilespmem:s21+$0x6200] =	vst v7;
	v6 =	vor.u32 v9, v6;
	v7 =	vadd.s32 $0xFFFFFFFF, v8  }
0x185: {  	v8 =	vld [tilespmem:s23+$0xA00];
	[tilespmem:s21+$0x6400] =	vst v6;
	v3 =	vor.u32 v7, v3;
	v6 =	vadd.s32 $0xFFFFFFFF, v11  }
0x186: {  	v7 =	vld [tilespmem:s23+$0x5200];
	[tilespmem:s21+$0x6600] =	vst v3;
	v3 =	vor.u32 v6, v5  }
0x187: {  	v4 =	vmul.u32 $0x780, v4;
	v5 =	vld [tilespmem:s23+$0x3400];
	v6 =	vmul.u32 $0x3C, v14;
	[tilespmem:s21+$0x6800] =	vst v3;
	s21 =	smov.u32 s23  }
0x188: {  	v3 =	vmul.u32 $0x780, v13;
	v9 =	vld [tilespmem:s21+$0x1C00]  }
0x189: {  	v10 =	vmul.u32 $0x3C, v10;
	v11 =	vld [tilespmem:s21+$0x3600];
	v4 =	vadd.s32 v6, v4  }
0x18a: {  	v6 =	vld [tilespmem:s21+$0x1E00];
	v4 =	vadd.s32 v8, v4  }
0x18b: {  	v3 =	vadd.s32 v10, v3;
	v8 =	vld [tilespmem:s21+$0x3800];
	v4 =	vadd.s32 $0x4B000, v4;
	v7 =	vadd.s32 $0xFFFFFFFF, v7  }
0x18c: {  	v5 =	vmul.u32 $0x780, v5;
	v10 =	vld [tilespmem:s21+$0x2000];
	v4 =	vor.u32 v7, v4  }
0x18d: {  	v7 =	vld [tilespmem:s21+$0x3000];
	v9 =	vmul.u32 $0x3C, v9;
	[tilespmem:s21+$0x6A00] =	vst v4  }
0x18e: {  	v4 =	vld [tilespmem:s21+$0x1800];
	v11 =	vmul.u32 $0x780, v11  }
0x18f: {  	v12 =	vld [tilespmem:s21+$0x200];
	v5 =	vadd.s32 v9, v5;
	v6 =	vmul.u32 $0x3C, v6  }
0x190: {  	v9 =	vld [tilespmem:s21+$0x400];
	v8 =	vmul.u32 $0x780, v8  }
0x191: {  	v13 =	vld [tilespmem:s21+$0x600];
	v11 =	vadd.s32 v6, v11;
	v6 =	vmul.u32 $0x3C, v10  }
0x192: {  	v7 =	vmul.u32 $0x780, v7;
	v14 =	vld [tilespmem:s21+$0x800]  }
0x193: {  	v4 =	vmul.u32 $0x3C, v4;
	v15 =	vld [tilespmem:s21+$0x0];
	v16 =	vadd.s32 v6, v8  }
0x194: {  	v17 =	vld [tilespmem:s21+$0x4800];
	v3 =	vadd.s32 v12, v3  }
.Ltmp5:
0x195: {  	v4 =	vadd.s32 v7, v4;
	v7 =	vadd.s32 $0xF000, v3;
	v10 =	vld [tilespmem:s21+$0x4A00];
	v3 =	vadd.s32 v9, v5;
	(pc) =	sbr.rel @p0 .LBB2_12-.Ltmp5, $4  }
0x196: {  	v6 =	vadd.s32 $0x1E000, v3;
	v9 =	vld [tilespmem:s21+$0x4C00];
	v3 =	vadd.s32 v13, v11  }
0x197: {  	v3 =	vadd.s32 $0x2D000, v3;
	v8 =	vld [tilespmem:s21+$0x4E00];
	v5 =	vadd.s32 v14, v16  }
0x198: {  	s23 =	sshra.s32 s25, $0x2;
	v12 =	vadd.s32 v15, v4;
	v5 =	vadd.s32 $0x3C000, v5;
	v11 =	vld [tilespmem:s21+$0x5000]  }
0x199: {  	s25 =	sadd.s32 $0x40, s25;
	v4 =	vld [tilespmem:s23+$0x3A00];
	v13 =	vadd.s32 $0xFFFFFFFF, v17  }
0x19a: {  	v14 =	vld [tilespmem:s23+$0x2200];
	v12 =	vor.u32 v13, v12;
	v10 =	vadd.s32 $0xFFFFFFFF, v10  }
0x19b: {  	v43 =	vld [tilespmem:s23+$0x3200];
	[tilespmem:s21+$0x6000] =	vst v12;
	v7 =	vor.u32 v10, v7;
	v9 =	vadd.s32 $0xFFFFFFFF, v9  }
0x19c: {  	v44 =	vld [tilespmem:s23+$0x1A00];
	[tilespmem:s21+$0x6200] =	vst v7;
	v6 =	vor.u32 v9, v6;
	v8 =	vadd.s32 $0xFFFFFFFF, v8  }
0x19d: {  	v7 =	vld [tilespmem:s23+$0xA00];
	[tilespmem:s21+$0x6400] =	vst v6;
	v3 =	vor.u32 v8, v3;
	v45 =	vadd.s32 $0xFFFFFFFF, v11  }
0x19e: {  	v6 =	vld [tilespmem:s23+$0x5200];
	[tilespmem:s21+$0x6600] =	vst v3;
	v3 =	vor.u32 v45, v5  }
0x19f: {  	v46 =	vld [tilespmem:s23+$0x3400];
	[tilespmem:s21+$0x6800] =	vst v3  }
0x1a0: {  	v48 =	vld [tilespmem:s23+$0x1C00]  }
0x1a1: {  	v49 =	vld [tilespmem:s23+$0x3600]  }
0x1a2: {  	v50 =	vld [tilespmem:s23+$0x1E00]  }
0x1a3: {  	v3 =	vmul.u32 $0x780, v4;
	v47 =	vmul.u32 $0x3C, v14;
	v51 =	vld [tilespmem:s23+$0x3800]  }
0x1a4: {  	v52 =	vld [tilespmem:s23+$0x2000]  }
0x1a5: {  	v53 =	vld [tilespmem:s23+$0x3000];
	v3 =	vadd.s32 v47, v3  }
0x1a6: {  	v12 =	vld [tilespmem:s23+$0x200];
	v3 =	vadd.s32 v7, v3  }
0x1a7: {  	v18 =	vld [tilespmem:s23+$0x4800];
	v3 =	vadd.s32 $0x4B000, v3;
	v6 =	vadd.s32 $0xFFFFFFFF, v6  }
0x1a8: {  	v19 =	vld [tilespmem:s23+$0x4A00];
	v3 =	vor.u32 v6, v3  }
0x1a9: {  	v13 =	vmul.u32 $0x780, v43;
	v10 =	vmul.u32 $0x3C, v44;
	[tilespmem:s23+$0x6A00] =	vst v3;
	v3 =	vld [tilespmem:s23+$0x1800]  }
0x1aa: {  	v56 =	vld [tilespmem:s23+$0x4E00]  }
0x1ab: {  	v54 =	vld [tilespmem:s23+$0x400];
	v10 =	vadd.s32 v10, v13  }
0x1ac: {  	v17 =	vld [tilespmem:s23+$0x0];
	v5 =	vmul.u32 $0x780, v46;
	v8 =	vmul.u32 $0x3C, v48;
	v9 =	vmul.u32 $0x780, v49  }
0x1ad: {  	v55 =	vld [tilespmem:s23+$0x4C00];
	v4 =	vmul.u32 $0x3C, v50;
	v7 =	vmul.u32 $0x780, v51;
	v11 =	vmul.u32 $0x3C, v52  }
0x1ae: {  	v15 =	vld [tilespmem:s23+$0x600];
	v6 =	vmul.u32 $0x780, v53;
	v57 =	vadd.s32 v12, v10;
	v3 =	vmul.u32 $0x3C, v3  }
0x1af: {  	v16 =	vld [tilespmem:s23+$0x800];
	v59 =	vadd.s32 $0xFFFFFFFF, v18;
	v60 =	vadd.s32 $0xFFFFFFFF, v19;
	v61 =	vadd.s32 $0xFFFFFFFF, v56  }
0x1b0: {  	v58 =	vld [tilespmem:s23+$0x5000];
	v5 =	vadd.s32 v8, v5;
	v4 =	vadd.s32 v4, v9;
	v3 =	vadd.s32 v6, v3  }
0x1b1: {  	v7 =	vadd.s32 v11, v7;
	v9 =	vadd.s32 $0xF000, v57;
	v3 =	vadd.s32 v17, v3  }
0x1b2: {  	v8 =	vadd.s32 $0xFFFFFFFF, v55;
	v5 =	vadd.s32 v54, v5;
	v3 =	vor.u32 v59, v3  }
0x1b3: {  	v4 =	vadd.s32 v15, v4;
	v5 =	vadd.s32 $0x1E000, v5;
	[tilespmem:s23+$0x6000] =	vst v3;
	v3 =	vor.u32 v60, v9  }
0x1b4: {  	v7 =	vadd.s32 v16, v7;
	v4 =	vadd.s32 $0x2D000, v4;
	[tilespmem:s23+$0x6200] =	vst v3;
	v3 =	vor.u32 v8, v5  }
0x1b5: {  	v63 =	vadd.s32 $0xFFFFFFFF, v58;
	v62 =	vadd.s32 $0x3C000, v7;
	[tilespmem:s23+$0x6400] =	vst v3;
	v3 =	vor.u32 v61, v4  }
0x1b6: {  	[tilespmem:s23+$0x6600] =	vst v3;
	v3 =	vor.u32 v63, v62  }
0x1b7: {  	s21 =	simm.s32 $0x0;
	[tilespmem:s23+$0x6800] =	vst v3;
	s23 =	simm.s32 $0x100  }
.LBB2_14:
0x1b8: {  	p0 =	sne.s32 s23, $0xFF00;
	[tilespmem:s21+$0x7830] =	vst v1;
	s25 =	smov.u32 s23;
	s23 =	sadd.s32 $0x100, s23  }
.Ltmp6:
0x1b9: {  	[tilespmem:s21+$0x7820] =	vst v1;
	(pc) =	sbr.rel @p0 .LBB2_14-.Ltmp6, $3  }
0x1ba: {  	[tilespmem:s21+$0x7800] =	vst v1  }
0x1bb: {  	[tilespmem:s21+$0x7810] =	vst v1;
	_ =	sdelay $0x1  }
0x1bc: {  	s21 =	sshra.s32 s25, $0x2  }
0x1bd: {  	[tilespmem:s21+$0x7830] =	vst v1  }
0x1be: {  	[tilespmem:s21+$0x7820] =	vst v1  }
0x1bf: {  	[tilespmem:s21+$0x7800] =	vst v1  }
0x1c0: {  	[tilespmem:s21+$0x7810] =	vst v1;
	s21 =	simm.s32 $0x0  }
0x1c1: {  	v3 =	vld [tilespmem:s21+$0x4600]  }
0x1c2: {  	v4 =	vld [tilespmem:s21+$0x2E00]  }
0x1c3: {  	v5 =	vld [tilespmem:s21+$0x3E00]  }
0x1c4: {  	v6 =	vld [tilespmem:s21+$0x2600]  }
0x1c5: {  	v7 =	vld [tilespmem:s21+$0x1600]  }
0x1c6: {  	v8 =	vld [tilespmem:s21+$0x5E00]  }
0x1c7: {  	v9 =	vld [tilespmem:s21+$0x4000]  }
0x1c8: {  	v10 =	vld [tilespmem:s21+$0x2800]  }
0x1c9: {  	v11 =	vld [tilespmem:s21+$0x4200]  }
0x1ca: {  	v12 =	vld [tilespmem:s21+$0x2C00];
	v3 =	vmul.u32 $0x780, v3;
	v4 =	vmul.u32 $0x3C, v4  }
0x1cb: {  	v13 =	vld [tilespmem:s21+$0xE00]  }
0x1cc: {  	v14 =	vld [tilespmem:s21+$0x1000];
	v3 =	vadd.s32 v4, v3  }
0x1cd: {  	v4 =	vld [tilespmem:s21+$0x2A00];
	v3 =	vadd.s32 v7, v3  }
0x1ce: {  	v8 =	vadd.s32 $0xFFFFFFFF, v8;
	v7 =	vld [tilespmem:s21+$0x4400];
	v3 =	vadd.s32 $0x4B000, v3  }
0x1cf: {  	v3 =	vor.u32 v8, v3;
	v8 =	vld [tilespmem:s21+$0x3C00]  }
0x1d0: {  	[tilespmem:s21+$0x7600] =	vst v3;
	v3 =	vld [tilespmem:s21+$0x2400]  }
0x1d1: {  	v18 =	vld [tilespmem:s21+$0x5400];
	v5 =	vmul.u32 $0x780, v5;
	v6 =	vmul.u32 $0x3C, v6  }
0x1d2: {  	v15 =	vld [tilespmem:s21+$0x1200];
	v9 =	vmul.u32 $0x780, v9;
	v10 =	vmul.u32 $0x3C, v10  }
0x1d3: {  	v16 =	vld [tilespmem:s21+$0x1400];
	v11 =	vmul.u32 $0x780, v11;
	v12 =	vmul.u32 $0x3C, v12;
	v5 =	vadd.s32 v6, v5  }
0x1d4: {  	v17 =	vld [tilespmem:s21+$0xC00];
	v6 =	vadd.s32 v10, v9;
	v4 =	vmul.u32 $0x3C, v4;
	v7 =	vmul.u32 $0x780, v7  }
0x1d5: {  	v10 =	vld [tilespmem:s21+$0x5600];
	v5 =	vadd.s32 v13, v5;
	v8 =	vmul.u32 $0x780, v8;
	v3 =	vmul.u32 $0x3C, v3  }
0x1d6: {  	v9 =	vld [tilespmem:s21+$0x5800];
	v13 =	vadd.s32 $0xFFFFFFFF, v18;
	v4 =	vadd.s32 v4, v11;
	v11 =	vadd.s32 v12, v7  }
0x1d7: {  	v4 =	vadd.s32 v15, v4;
	v12 =	vadd.s32 v8, v3;
	v3 =	vadd.s32 v14, v6;
	v8 =	vld [tilespmem:s21+$0x5A00]  }
0x1d8: {  	s23 =	simm.s32 $0x10;
	v6 =	vadd.s32 $0x1E000, v3;
	v3 =	vadd.s32 $0x2D000, v4;
	v4 =	vadd.s32 v16, v11;
	v11 =	vld [tilespmem:s21+$0x5C00]  }
0x1d9: {  	s25 =	simm.s32 $0x80;
	v7 =	vadd.s32 $0xF000, v5;
	v12 =	vadd.s32 v17, v12;
	v5 =	vadd.s32 $0x3C000, v4;
	v4 =	vld [tilespmem:s23+$0x4600]  }
.LBB2_16:
0x1da: {  	p0 =	sne.s32 s25, $0x7C0;
	v14 =	vld [tilespmem:s23+$0x2E00];
	v12 =	vor.u32 v13, v12;
	v10 =	vadd.s32 $0xFFFFFFFF, v10  }
0x1db: {  	v13 =	vld [tilespmem:s23+$0x3E00];
	[tilespmem:s21+$0x6C00] =	vst v12;
	v7 =	vor.u32 v10, v7;
	v9 =	vadd.s32 $0xFFFFFFFF, v9  }
0x1dc: {  	v10 =	vld [tilespmem:s23+$0x2600];
	[tilespmem:s21+$0x6E00] =	vst v7;
	v6 =	vor.u32 v9, v6;
	v7 =	vadd.s32 $0xFFFFFFFF, v8  }
0x1dd: {  	v8 =	vld [tilespmem:s23+$0x1600];
	[tilespmem:s21+$0x7000] =	vst v6;
	v3 =	vor.u32 v7, v3;
	v6 =	vadd.s32 $0xFFFFFFFF, v11  }
0x1de: {  	v7 =	vld [tilespmem:s23+$0x5E00];
	[tilespmem:s21+$0x7200] =	vst v3;
	v3 =	vor.u32 v6, v5  }
0x1df: {  	v4 =	vmul.u32 $0x780, v4;
	v5 =	vld [tilespmem:s23+$0x4000];
	v6 =	vmul.u32 $0x3C, v14;
	[tilespmem:s21+$0x7400] =	vst v3;
	s21 =	smov.u32 s23  }
0x1e0: {  	v3 =	vmul.u32 $0x780, v13;
	v9 =	vld [tilespmem:s21+$0x2800]  }
0x1e1: {  	v10 =	vmul.u32 $0x3C, v10;
	v11 =	vld [tilespmem:s21+$0x4200];
	v4 =	vadd.s32 v6, v4  }
0x1e2: {  	v6 =	vld [tilespmem:s21+$0x2A00];
	v4 =	vadd.s32 v8, v4  }
0x1e3: {  	v3 =	vadd.s32 v10, v3;
	v8 =	vld [tilespmem:s21+$0x4400];
	v4 =	vadd.s32 $0x4B000, v4;
	v7 =	vadd.s32 $0xFFFFFFFF, v7  }
0x1e4: {  	v5 =	vmul.u32 $0x780, v5;
	v10 =	vld [tilespmem:s21+$0x2C00];
	v4 =	vor.u32 v7, v4  }
0x1e5: {  	v7 =	vld [tilespmem:s21+$0x3C00];
	v9 =	vmul.u32 $0x3C, v9;
	[tilespmem:s21+$0x7600] =	vst v4  }
0x1e6: {  	v4 =	vld [tilespmem:s21+$0x2400];
	v11 =	vmul.u32 $0x780, v11  }
0x1e7: {  	v12 =	vld [tilespmem:s21+$0xE00];
	v5 =	vadd.s32 v9, v5;
	v6 =	vmul.u32 $0x3C, v6  }
0x1e8: {  	v9 =	vld [tilespmem:s21+$0x1000];
	v8 =	vmul.u32 $0x780, v8  }
0x1e9: {  	v13 =	vld [tilespmem:s21+$0x1200];
	v11 =	vadd.s32 v6, v11;
	v6 =	vmul.u32 $0x3C, v10  }
0x1ea: {  	v7 =	vmul.u32 $0x780, v7;
	v14 =	vld [tilespmem:s21+$0x1400]  }
0x1eb: {  	v4 =	vmul.u32 $0x3C, v4;
	v15 =	vld [tilespmem:s21+$0xC00];
	v16 =	vadd.s32 v6, v8  }
0x1ec: {  	v17 =	vld [tilespmem:s21+$0x5400];
	v3 =	vadd.s32 v12, v3  }
.Ltmp7:
0x1ed: {  	v4 =	vadd.s32 v7, v4;
	v7 =	vadd.s32 $0xF000, v3;
	v10 =	vld [tilespmem:s21+$0x5600];
	v3 =	vadd.s32 v9, v5;
	(pc) =	sbr.rel @p0 .LBB2_16-.Ltmp7, $4  }
0x1ee: {  	v6 =	vadd.s32 $0x1E000, v3;
	v9 =	vld [tilespmem:s21+$0x5800];
	v3 =	vadd.s32 v13, v11  }
0x1ef: {  	v3 =	vadd.s32 $0x2D000, v3;
	v8 =	vld [tilespmem:s21+$0x5A00];
	v5 =	vadd.s32 v14, v16  }
0x1f0: {  	s23 =	sshra.s32 s25, $0x2;
	v12 =	vadd.s32 v15, v4;
	v5 =	vadd.s32 $0x3C000, v5;
	v11 =	vld [tilespmem:s21+$0x5C00]  }
0x1f1: {  	s25 =	sadd.s32 $0x40, s25;
	v4 =	vld [tilespmem:s23+$0x4600];
	v13 =	vadd.s32 $0xFFFFFFFF, v17  }
0x1f2: {  	v14 =	vld [tilespmem:s23+$0x2E00];
	v12 =	vor.u32 v13, v12;
	v10 =	vadd.s32 $0xFFFFFFFF, v10  }
0x1f3: {  	v43 =	vld [tilespmem:s23+$0x3E00];
	[tilespmem:s21+$0x6C00] =	vst v12;
	v7 =	vor.u32 v10, v7;
	v9 =	vadd.s32 $0xFFFFFFFF, v9  }
0x1f4: {  	v44 =	vld [tilespmem:s23+$0x2600];
	[tilespmem:s21+$0x6E00] =	vst v7;
	v6 =	vor.u32 v9, v6;
	v8 =	vadd.s32 $0xFFFFFFFF, v8  }
0x1f5: {  	v7 =	vld [tilespmem:s23+$0x1600];
	[tilespmem:s21+$0x7000] =	vst v6;
	v3 =	vor.u32 v8, v3;
	v45 =	vadd.s32 $0xFFFFFFFF, v11  }
0x1f6: {  	v6 =	vld [tilespmem:s23+$0x5E00];
	[tilespmem:s21+$0x7200] =	vst v3;
	v3 =	vor.u32 v45, v5  }
0x1f7: {  	v46 =	vld [tilespmem:s23+$0x4000];
	[tilespmem:s21+$0x7400] =	vst v3  }
0x1f8: {  	v48 =	vld [tilespmem:s23+$0x2800]  }
0x1f9: {  	v49 =	vld [tilespmem:s23+$0x4200]  }
0x1fa: {  	v50 =	vld [tilespmem:s23+$0x2A00]  }
0x1fb: {  	v3 =	vmul.u32 $0x780, v4;
	v47 =	vmul.u32 $0x3C, v14;
	v51 =	vld [tilespmem:s23+$0x4400]  }
0x1fc: {  	v52 =	vld [tilespmem:s23+$0x2C00]  }
0x1fd: {  	v53 =	vld [tilespmem:s23+$0x3C00];
	v3 =	vadd.s32 v47, v3  }
0x1fe: {  	v12 =	vld [tilespmem:s23+$0xE00];
	v3 =	vadd.s32 v7, v3  }
0x1ff: {  	v18 =	vld [tilespmem:s23+$0x5400];
	v3 =	vadd.s32 $0x4B000, v3;
	v6 =	vadd.s32 $0xFFFFFFFF, v6  }
0x200: {  	v19 =	vld [tilespmem:s23+$0x5600];
	v3 =	vor.u32 v6, v3  }
0x201: {  	v13 =	vmul.u32 $0x780, v43;
	v10 =	vmul.u32 $0x3C, v44;
	[tilespmem:s23+$0x7600] =	vst v3;
	v3 =	vld [tilespmem:s23+$0x2400]  }
0x202: {  	v56 =	vld [tilespmem:s23+$0x5A00]  }
0x203: {  	v54 =	vld [tilespmem:s23+$0x1000];
	v10 =	vadd.s32 v10, v13  }
0x204: {  	v17 =	vld [tilespmem:s23+$0xC00];
	v5 =	vmul.u32 $0x780, v46;
	v8 =	vmul.u32 $0x3C, v48;
	v9 =	vmul.u32 $0x780, v49  }
0x205: {  	v55 =	vld [tilespmem:s23+$0x5800];
	v4 =	vmul.u32 $0x3C, v50;
	v7 =	vmul.u32 $0x780, v51;
	v11 =	vmul.u32 $0x3C, v52  }
0x206: {  	v15 =	vld [tilespmem:s23+$0x1200];
	v6 =	vmul.u32 $0x780, v53;
	v57 =	vadd.s32 v12, v10;
	v3 =	vmul.u32 $0x3C, v3  }
0x207: {  	v16 =	vld [tilespmem:s23+$0x1400];
	v59 =	vadd.s32 $0xFFFFFFFF, v18;
	v60 =	vadd.s32 $0xFFFFFFFF, v19;
	v61 =	vadd.s32 $0xFFFFFFFF, v56  }
0x208: {  	v58 =	vld [tilespmem:s23+$0x5C00];
	v5 =	vadd.s32 v8, v5;
	v4 =	vadd.s32 v4, v9;
	v3 =	vadd.s32 v6, v3  }
0x209: {  	v7 =	vadd.s32 v11, v7;
	v9 =	vadd.s32 $0xF000, v57;
	v3 =	vadd.s32 v17, v3  }
0x20a: {  	v8 =	vadd.s32 $0xFFFFFFFF, v55;
	v5 =	vadd.s32 v54, v5;
	v3 =	vor.u32 v59, v3  }
0x20b: {  	v4 =	vadd.s32 v15, v4;
	v5 =	vadd.s32 $0x1E000, v5;
	[tilespmem:s23+$0x6C00] =	vst v3;
	v3 =	vor.u32 v60, v9  }
0x20c: {  	v7 =	vadd.s32 v16, v7;
	v4 =	vadd.s32 $0x2D000, v4;
	[tilespmem:s23+$0x6E00] =	vst v3;
	v3 =	vor.u32 v8, v5  }
0x20d: {  	v63 =	vadd.s32 $0xFFFFFFFF, v58;
	v62 =	vadd.s32 $0x3C000, v7;
	[tilespmem:s23+$0x7000] =	vst v3;
	v3 =	vor.u32 v61, v4  }
0x20e: {  	[tilespmem:s23+$0x7200] =	vst v3;
	v3 =	vor.u32 v63, v62  }
0x20f: {  	s21 =	simm.s32 $0x0;
	[tilespmem:s23+$0x7400] =	vst v3;
	s23 =	simm.s32 $0x100  }
.LBB2_18:
0x210: {  	p0 =	sne.s32 s23, $0xFF00;
	[tilespmem:s21+$0xB830] =	vst v1;
	s25 =	smov.u32 s23;
	s23 =	sadd.s32 $0x100, s23  }
.Ltmp8:
0x211: {  	[tilespmem:s21+$0xB820] =	vst v1;
	(pc) =	sbr.rel @p0 .LBB2_18-.Ltmp8, $3  }
0x212: {  	[tilespmem:s21+$0xB800] =	vst v1  }
0x213: {  	[tilespmem:s21+$0xB810] =	vst v1;
	_ =	sdelay $0x1  }
0x214: {  	s21 =	sshra.s32 s25, $0x2  }
0x215: {  	[tilespmem:s21+$0xB830] =	vst v1  }
0x216: {  	[tilespmem:s21+$0xB820] =	vst v1  }
0x217: {  	[tilespmem:s21+$0xB800] =	vst v1  }
0x218: {  	[tilespmem:s21+$0xB810] =	vst v1;
	(ifvalue) =	ssetifvalue $0xFFFFFFFF;
	s29 =	simm.s32 $0x6000  }
0x219: {  	[tilespmem:s22], [sflag:$0x1] =	stream.indirect.gather.add.f32 [hbm:s5], $0x20, s29, s17, $0x40b8;
	[tilespmem:$0x17A00] =	vst v63  }
0x21a: {  	s23 =	simm.s32 $0x6C00;
	(ifvalue) =	ssetifvalue $0xFFFFFFFF  }
0x21b: {  	[tilespmem:s24], [sflag:$0x2] =	stream.indirect.gather.add.f32 [hbm:s5], $0x20, s23, s17, $0x40b8;
	[tilespmem:$0x17A00] =	vst v63  }
0x21c: {  	s25 =	simm.s32 $0x6200;
	(ifvalue) =	ssetifvalue $0xFFFFFFFF  }
0x21d: {  	[tilespmem:s22], [sflag:$0x1] =	stream.indirect.gather.add.f32 [hbm:s5], $0x20, s25, s17, $0x40b8;
	[tilespmem:$0x17A00] =	vst v63  }
0x21e: {  	s26 =	simm.s32 $0x6E00;
	(ifvalue) =	ssetifvalue $0xFFFFFFFF  }
0x21f: {  	[tilespmem:s24], [sflag:$0x2] =	stream.indirect.gather.add.f32 [hbm:s5], $0x20, s26, s17, $0x40b8;
	[tilespmem:$0x17A00] =	vst v63  }
0x220: {  	s28 =	simm.s32 $0x6400;
	(ifvalue) =	ssetifvalue $0xFFFFFFFF  }
0x221: {  	[tilespmem:s22], [sflag:$0x1] =	stream.indirect.gather.add.f32 [hbm:s5], $0x20, s28, s17, $0x40b8;
	[tilespmem:$0x17A00] =	vst v63  }
0x222: {  	s29 =	simm.s32 $0x7000;
	(ifvalue) =	ssetifvalue $0xFFFFFFFF  }
0x223: {  	[tilespmem:s24], [sflag:$0x2] =	stream.indirect.gather.add.f32 [hbm:s5], $0x20, s29, s17, $0x40b8;
	[tilespmem:$0x17A00] =	vst v63  }
0x224: {  	(ifvalue) =	ssetifvalue $0xFFFFFFFF  }
0x225: {  	[tilespmem:s22], [sflag:$0x1] =	stream.indirect.gather.add.f32 [hbm:s5], $0x20, s30, s17, $0x40b8;
	[tilespmem:$0x17A00] =	vst v63  }
0x226: {  	(ifvalue) =	ssetifvalue $0xFFFFFFFF  }
0x227: {  	[tilespmem:s24], [sflag:$0x2] =	stream.indirect.gather.add.f32 [hbm:s5], $0x20, s31, s17, $0x40b8;
	[tilespmem:$0x17A00] =	vst v63  }
0x228: {  	s18 =	sadd.s32 $0x1, s18;
	(ifvalue) =	ssetifvalue $0xFFFFFFFF  }
0x229: {  	[tilespmem:s22], [sflag:$0x1] =	stream.indirect.gather.add.f32 [hbm:s5], $0x20, s1, s17, $0x40b8;
	[tilespmem:$0x17A00] =	vst v63  }
0x22a: {  	p0 =	sne.s32 s18, $0x5;
	(ifvalue) =	ssetifvalue $0xFFFFFFFF  }
0x22b: {  	[tilespmem:s24], [sflag:$0x2] =	stream.indirect.gather.add.f32 [hbm:s5], $0x20, s0, s17, $0x40b8;
	[tilespmem:$0x17A00] =	vst v63  }
.Ltmp9:
0x22c: {  	_ = 	snop;
	(pc) =	sbr.rel @p0 .LBB2_2-.Ltmp9, $4  }
0x22d: {  	(ifvalue) =	ssetifvalue $0xFFFFFFFF  }
0x22e: {  	[tilespmem:s22], [sflag:$0x1] =	stream.indirect.gather.add.f32 [hbm:s5], $0x20, s13, s17, $0x40b8;
	[tilespmem:$0x17A00] =	vst v63  }
0x22f: {  	(ifvalue) =	ssetifvalue $0xFFFFFFFF  }
0x230: {  	[tilespmem:s24], [sflag:$0x2] =	stream.indirect.gather.add.f32 [hbm:s5], $0x20, s11, s17, $0x40b8;
	[tilespmem:$0x17A00] =	vst v63  }
0x231: {  	_ =	swait.ge [sflag:s12], $0x4000  }
0x232: {  	[sflag:s12] =	ssyncset.done $0x0  }
0x233: {  	[sflag:s12] =	ssyncadd.s32 $0xFFFFC000  }
0x234: {  	_ =	swait.ge [sflag:s12], $0x4000  }
0x235: {  	[sflag:s12] =	ssyncset.done $0x0  }
0x236: {  	[sflag:s12] =	ssyncadd.s32 $0xFFFFC000  }
0x237: {  	_ =	swait.ge [sflag:s12], $0x4000  }
0x238: {  	[sflag:s12] =	ssyncset.done $0x0  }
0x239: {  	[sflag:s12] =	ssyncadd.s32 $0xFFFFC000  }
0x23a: {  	_ =	swait.ge [sflag:s12], $0x4000  }
0x23b: {  	[sflag:s12] =	ssyncset.done $0x0  }
0x23c: {  	[sflag:s12] =	ssyncadd.s32 $0xFFFFC000  }
0x23d: {  	_ =	swait.ge [sflag:s12], $0x4000  }
0x23e: {  	[sflag:s12] =	ssyncset.done $0x0  }
0x23f: {  	[sflag:s12] =	ssyncadd.s32 $0xFFFFC000  }
0x240: {  	_ =	swait.ge [sflag:s12], $0x4000  }
0x241: {  	[sflag:s12] =	ssyncset.done $0x0  }
0x242: {  	s25 =	simm.s32 $0x3;
	[sflag:s12] =	ssyncadd.s32 $0xFFFFC000  }
0x243: {  	s18 =	simm.s32 $0x0;
	_ =	swait.ge [sflag:s25], $0x4000  }
0x244: {  	v3 =	vmov s18;
	[sflag:s25] =	ssyncset.done $0x0  }
0x245: {  	s18 =	simm.s32 $0x7810;
	v4 =	vand.u32 $0x1FF, v3;
	[sflag:s25] =	ssyncadd.s32 $0xFFFFC000  }
0x246: {  	v5 =	vadd.s32 v0, v4;
	v3 =	vld [tilespmem:s18+$0xFFFFFFF0];
	_ =	sdelay $0x4  }
0x247: {  	[tilespmem:v5+s14+$0x0] =	vst.idx.msk $0xffff, v3  }
0x248: {  	v4 =	vadd.s32 v2, v4;
	v3 =	vld [tilespmem:s18+$0x0];
	_ =	sdelay $0x2  }
0x249: {  	s21 =	simm.s32 $0x1  }
0x24a: {  	v5 =	vmov s21;
	s21 =	simm.s32 $0x2  }
.LBB2_21:
0x24b: {  	p0 =	sne.s32 s21, $0x1FF;
	v5 =	vand.u32 $0x1FF, v5;
	[tilespmem:v4+s14+$0x0] =	vst.idx.msk $0xffff, v3;
	s18 =	sadd.s32 $0x20, s18  }
0x24c: {  	v3 =	vld [tilespmem:s18+$0xFFFFFFF0];
	v4 =	vadd.s32 v0, v5;
	_ =	sdelay $0x4  }
0x24d: {  	[tilespmem:v4+s14+$0x0] =	vst.idx.msk $0xffff, v3  }
.Ltmp10:
0x24e: {  	v4 =	vadd.s32 v2, v5;
	v3 =	vld [tilespmem:s18+$0x0];
	(pc) =	sbr.rel @p0 .LBB2_21-.Ltmp10, $2  }
0x24f: {  	_ =	sdelay $0x2  }
0x250: {  	v5 =	vmov s21;
	s21 =	sadd.s32 $0x1, s21  }
0x251: {  	_ =	sdelay $0x3  }
0x252: {  	v5 =	vand.u32 $0x1FF, v5;
	[tilespmem:v4+s14+$0x0] =	vst.idx.msk $0xffff, v3;
	s18 =	sadd.s32 $0x20, s18  }
0x253: {  	v3 =	vld [tilespmem:s18+$0xFFFFFFF0];
	v62 =	vadd.s32 v0, v5;
	_ =	sdelay $0x4  }
0x254: {  	[tilespmem:v62+s14+$0x0] =	vst.idx.msk $0xffff, v3  }
0x255: {  	v63 =	vadd.s32 v2, v5;
	v3 =	vld [tilespmem:s18+$0x0];
	_ =	sdelay $0x4  }
0x256: {  	s29 =	simm.s32 $0xF800;
	s21 =	rddreg [dreg:$0x3];
	s18 =	simm.s32 $0x820;
	[tilespmem:v63+s14+$0x0] =	vst.idx.msk $0xffff, v3  }
0x257: {  	[hbm4b:s21+s3] =	stream.linear.scatter [tilespmem:s29], [sflag:$0x3], $0x200, $0x38;
	[tilespmem:$0x17A00] =	vst v63  }
.LBB2_23:
0x258: {  	p0 =	sne.s32 s18, $0xFBE0  }
.Ltmp11:
0x259: {  	_ = 	snop;
	(pc) =	sbr.rel @p0 .LBB2_23-.Ltmp11, $4  }
0x25a: {  	_ = 	snop  }
0x25b: {  	s23 =	sshra.s32 s18, $0x2;
	s18 =	sadd.s32 $0x820, s18  }
0x25c: {  	s21 =	sadd.s32 $0x4E20, s21;
	s23 =	sadd.s32 $0xF800, s23  }
0x25d: {  	[hbm4b:s21+s3] =	stream.linear.scatter [tilespmem:s23], [sflag:$0x3], $0x200, $0x38;
	[tilespmem:$0x17A00] =	vst v63  }
0x25e: {  	_ =	swait.ge [sflag:s15], $0x4000  }
0x25f: {  	[sflag:s15] =	ssyncset.done $0x0  }
0x260: {  	[sflag:s15] =	ssyncadd.s32 $0xFFFFC000  }
0x261: {  	_ =	swait.ge [sflag:s15], $0x4000  }
0x262: {  	[sflag:s15] =	ssyncset.done $0x0  }
0x263: {  	[sflag:s15] =	ssyncadd.s32 $0xFFFFC000  }
0x264: {  	_ =	swait.ge [sflag:s15], $0x4000  }
0x265: {  	[sflag:s15] =	ssyncset.done $0x0  }
0x266: {  	[sflag:s15] =	ssyncadd.s32 $0xFFFFC000  }
0x267: {  	_ =	swait.ge [sflag:s15], $0x4000  }
0x268: {  	[sflag:s15] =	ssyncset.done $0x0  }
0x269: {  	[sflag:s15] =	ssyncadd.s32 $0xFFFFC000  }
0x26a: {  	_ =	swait.ge [sflag:s15], $0x4000  }
0x26b: {  	[sflag:s15] =	ssyncset.done $0x0  }
0x26c: {  	[sflag:s15] =	ssyncadd.s32 $0xFFFFC000  }
0x26d: {  	_ =	swait.ge [sflag:s15], $0x4000  }
0x26e: {  	[sflag:s15] =	ssyncset.done $0x0  }
0x26f: {  	s21 =	simm.s32 $0x4;
	[sflag:s15] =	ssyncadd.s32 $0xFFFFC000  }
0x270: {  	s18 =	simm.s32 $0x0;
	_ =	swait.ge [sflag:s21], $0x4000  }
0x271: {  	v3 =	vmov s18;
	[sflag:s21] =	ssyncset.done $0x0  }
0x272: {  	s18 =	simm.s32 $0xB810;
	v4 =	vand.u32 $0x1FF, v3;
	[sflag:s21] =	ssyncadd.s32 $0xFFFFC000  }
0x273: {  	v5 =	vadd.s32 v0, v4;
	v3 =	vld [tilespmem:s18+$0xFFFFFFF0];
	_ =	sdelay $0x4  }
0x274: {  	[tilespmem:v5+s16+$0x0] =	vst.idx.msk $0xffff, v3  }
0x275: {  	v4 =	vadd.s32 v2, v4;
	v3 =	vld [tilespmem:s18+$0x0];
	_ =	sdelay $0x2  }
0x276: {  	s29 =	simm.s32 $0x1  }
0x277: {  	s21 =	simm.s32 $0x2;
	v5 =	vmov s29  }
.LBB2_25:
0x278: {  	p0 =	sne.s32 s21, $0x1FF;
	v5 =	vand.u32 $0x1FF, v5;
	[tilespmem:v4+s16+$0x0] =	vst.idx.msk $0xffff, v3;
	s18 =	sadd.s32 $0x20, s18  }
0x279: {  	v3 =	vld [tilespmem:s18+$0xFFFFFFF0];
	v4 =	vadd.s32 v0, v5;
	_ =	sdelay $0x4  }
0x27a: {  	[tilespmem:v4+s16+$0x0] =	vst.idx.msk $0xffff, v3  }
.Ltmp12:
0x27b: {  	v4 =	vadd.s32 v2, v5;
	v3 =	vld [tilespmem:s18+$0x0];
	(pc) =	sbr.rel @p0 .LBB2_25-.Ltmp12, $2  }
0x27c: {  	_ =	sdelay $0x2  }
0x27d: {  	v5 =	vmov s21;
	s21 =	sadd.s32 $0x1, s21  }
0x27e: {  	_ =	sdelay $0x3  }
0x27f: {  	v5 =	vand.u32 $0x1FF, v5;
	[tilespmem:v4+s16+$0x0] =	vst.idx.msk $0xffff, v3;
	s18 =	sadd.s32 $0x20, s18  }
0x280: {  	v3 =	vld [tilespmem:s18+$0xFFFFFFF0];
	v62 =	vadd.s32 v0, v5;
	_ =	sdelay $0x4  }
0x281: {  	[tilespmem:v62+s16+$0x0] =	vst.idx.msk $0xffff, v3  }
0x282: {  	v63 =	vadd.s32 v2, v5;
	v3 =	vld [tilespmem:s18+$0x0];
	_ =	sdelay $0x4  }
0x283: {  	s29 =	simm.s32 $0x13900;
	s21 =	rddreg [dreg:$0x4];
	s18 =	simm.s32 $0x820;
	[tilespmem:v63+s16+$0x0] =	vst.idx.msk $0xffff, v3  }
0x284: {  	[hbm4b:s21+s3] =	stream.linear.scatter [tilespmem:s29], [sflag:$0x4], $0x200, $0x38;
	[tilespmem:$0x17A00] =	vst v63  }
.LBB2_27:
0x285: {  	p0 =	sne.s32 s18, $0xFBE0  }
.Ltmp13:
0x286: {  	_ = 	snop;
	(pc) =	sbr.rel @p0 .LBB2_27-.Ltmp13, $4  }
0x287: {  	_ = 	snop  }
0x288: {  	s23 =	sshra.s32 s18, $0x2;
	s18 =	sadd.s32 $0x820, s18  }
0x289: {  	s21 =	sadd.s32 $0x4E20, s21;
	s23 =	sadd.s32 $0x13900, s23  }
0x28a: {  	[hbm4b:s21+s3] =	stream.linear.scatter [tilespmem:s23], [sflag:$0x4], $0x200, $0x38;
	[tilespmem:$0x17A00] =	vst v63  }
0x28b: {  	_ =	swait.ge [sflag:s25], $0x4000  }
0x28c: {  	[sflag:s25] =	ssyncset.done $0x0  }
0x28d: {  	s21 =	simm.s32 $0x4;
	[sflag:s25] =	ssyncadd.s32 $0xFFFFC000  }
0x28e: {  	_ =	swait.ge [sflag:s21], $0x4000  }
0x28f: {  	s23 =	rddreg [dreg:$0x6]  }
0x290: {  	s18 =	rddreg [dreg:$0x5];
	s23 =	sadd.s32 $0x1, s23  }
0x291: {  	p0 =	sne.s32 s23, s18  }
.Ltmp14:
0x292: {  	_ = 	snop;
	(pc) =	sbr.rel @p0 .LBB2_1-.Ltmp14, $3  }
0x293: {  	_ =	sdelay $0x1  }
0x294: {  	[sflag:s21] =	ssyncset.done $0x0  }
0x295: {  	[sflag:s21] =	ssyncadd.s32 $0xFFFFC000  }
0x296: {  	_ =	sfence.sel $0x180000  }
0x297: {  	[bflag:$0x0] =	sbarrier.arrive $0xFFFF  }
0x298: {  	_ =	strace $0x9000004A  }
0x299: {  	s0 =	stileid.u32;
	[bflag:$0x2] =	sbarrier.arrive $0xFFFF  }
0x29a: {  	p0 =	sne.s32 s0, $0x0;
	s0 =	rddreg [dreg:$0x2]  }
0x29b: {  	s0 =	sadd.s32 @!p0 $0x100000, s0  }
0x29c: {  	[sflag:s0] =	ssyncadd.tile.s32 @!p0 $0x1;
	_ =	shalt  }
.Lfunc_end2:
_tile_overlayer_lowered:
.L_overlay_start_2:
0x29d: {  	(tag) =	ssettag $0x2  }
0x29e: {  	s0 =	rddreg [dreg:$0x0];
	s2 =	stileid.u32  }
0x29f: {  	s1 =	rddreg [dreg:$0x1];
	p0 =	sne.s32 s2, $0x0  }
0x2a0: {  	s3 =	rddreg [dreg:$0x2];
	[bflag:$0x3] =	sbarrier.arrive $0xFFFF;
	s2 =	simm.s32 @!p0 $0x1C07  }
0x2a1: {  	[timem:s3], [sflag:s2] =	dma.local @!p0 [hbm:s0], s1  }
0x2a2: {  	s0 =	simm.s32 @!p0 $0x7  }
0x2a3: {  	_ =	swait.ge @!p0 [sflag:s0], s1  }
0x2a4: {  	s1 =	ssub.s32 @!p0 $0x0, s1;
	[sflag:s0] =	ssyncset.done @!p0 $0x0  }
0x2a5: {  	[sflag:s0] =	ssyncadd.s32 @!p0 s1  }
0x2a6: {  	[bflag:$0x3] =	sbarrier.arrive $0xFFFF  }
0x2a7: {  	_ =	shalt  }

// kernel: sparse-core-data-format-call.cloned.1.call-start
scs
called_computation_lowered:
.L_overlay_start_0:
0x0: {  	s1 =	sld [smem:$0x3FD9]  }
0x1: {  	s2 =	sld [smem:$0x3FFE];
	_ =	sdelay $0x1  }
0x2: {  	s3 =	srdreg.scid  }
0x3: {  	s0 =	sand.u32 $0x1, s3  }
0x4: {  	s17 =	sshll.u32 s0, $0xA;
	s1 =	sadd.s32 s2, s1  }
0x5: {  	s1 =	sadd.s32 s1, s17  }
0x6: {  	[smem:$0x3FC3] =	sst s1  }
0x7: {  	_ = 	snop  }
0x8: {  	(tm) =	ssettm $0x1  }
0x9: {  	s18 =	sld [smem:$0x3FFB];
	_ =	sdelay $0x3  }
0xa: {  	_ =	strace s18  }
0xb: {  	s1 =	sld [smem:$0x3FFC];
	_ =	sdelay $0x3  }
0xc: {  	_ =	strace s1  }
0xd: {  	s1 =	sld [smem:$0x3FFD];
	_ =	sdelay $0x3  }
0xe: {  	_ =	strace s1  }
0xf: {  	_ =	strace $0x8FFFFFFF  }
0x10: {  	s19 =	sld [smem:$0x3FDB];
	_ =	sdelay $0x1  }
0x11: {  	s20 =	simm.s32 $_scs_section_size  }
0x12: {  	s4 =	simm.s32 $_size__tile_overlayer_lowered;
	s5 =	simm.s32 $_tile_overlayer_lowered  }
0x13: {  	s23 =	simm.s32 $0x1BFF;
	s22 =	sshll.u32 s5, $0x1;
	s1 =	sadd.s32 s20, s19  }
0x14: {  	s6 =	simm.s32 $0x0;
	s21 =	sshll.u32 s4, $0x1;
	s4 =	sadd.s32 s22, s1  }
0x15: {  	[timem:s6], [sflag:s23] =	dma.local [hbm:s4], s21  }
0x16: {  	_ =	swait.ge [sflag:s23], s21  }
0x17: {  	s2 =	ssub.s32 $0x0, s21;
	[sflag:s23] =	ssyncset.done $0x0  }
0x18: {  	[sflag:s23] =	ssyncadd.s32 s2;
	_ =	sdelay $0x1  }
0x19: {  	s24 =	simm.s32 $0x1B8B  }
0x1a: {  	_ =	swait.ge [sflag:s24], $0x1  }
0x1b: {  	[sflag:s24] =	ssyncset.done $0x0  }
0x1c: {  	s26 =	simm.s32 $0x1B8E;
	s25 =	sld [smem:$0x3FFE];
	[sflag:s24] =	ssyncadd.s32 $0xFFFFFFFF  }
0x1d: {  	s27 =	simm.s32 $execute0_lowered;
	[smem:$0x3FD2] =	sst s26  }
0x1e: {  	s4 =	sshll.u32 s27, $0x1;
	_ =	strace $0x80000046;
	[dreg:$0x1] =	wrdreg $0xFFFFFFFF  }
0x1f: {  	s28 =	simm.s32 $_size_execute0_lowered;
	s1 =	sadd.s32 s1, s4;
	[dreg:$0x0] =	wrdreg $0x0  }
0x20: {  	s4 =	sshll.u32 s28, $0x1;
	[dreg:$0x2] =	wrdreg s1  }
0x21: {  	[dreg:$0x3] =	wrdreg s4  }
0x22: {  	[dreg:$0x4] =	wrdreg $0xC0  }
0x23: {  	_ =	task [dreg:s6], $0x5FFFF  }
0x24: {  	[dreg:$0x1] =	wrdreg $0xFFFFFFFF  }
0x25: {  	[dreg:$0x0] =	wrdreg $0x60  }
0x26: {  	[dreg:$0x2] =	wrdreg s25  }
0x27: {  	[dreg:$0x3] =	wrdreg $0x9  }
0x28: {  	_ =	task.clear_ibuf [dreg:s6], $0x4FFFF;
	_ =	strace $0x90000046  }
0x29: {  	s29 =	simm.s32 $0x9;
	_ =	strace $0x80000048  }
0x2a: {  	_ =	swait.ge [sflag:s29], $0x1  }
0x2b: {  	[sflag:s29] =	ssyncadd.s32 $0xFFFFFFFF  }
0x2c: {  	_ =	strace $0x90000048  }
0x2d: {  	_ =	sfence  }
0x2e: {  	s30 =	sld [smem:$0x0];
	_ =	sdelay $0x2  }
0x2f: {  	s31 =	sshll.u32 s3, $0xD;
	s3 =	sshrl.u32 s3, $0x2  }
0x30: {  	s2 =	sand.u32 $0x4000, s31;
	s1 =	sadd.s32 s3, s30  }
0x31: {  	s0 =	sor.u32 s2, s0;
	s1 =	sshll.u32 s1, $0x11  }
0x32: {  	s0 =	sor.u32 s1, s0  }
0x33: {  	s0 =	sadd.s32 $0x8F2B, s0  }
0x34: {  	[sflag:s0] =	ssyncadd.remote.s32 $0x1  }
0x35: {  	_ =	sfence.sel $0xFFFF  }
0x36: {  	[dreg:$0x0] =	wrdreg $0xFFFFFFFF;
	(pc) =	sbr.abs _section_cstart, $3  }
0x37: {  	[dreg:$0x1] =	wrdreg $0xFFFFFFFF  }
0x38: {  	_ =	task.clear_ibuf [dreg:s6], $0x2FFFF;
	_ =	strace $0x9FFFFFFF  }
0x39: {  	(tm) =	ssettm $0x7FFFFFFF  }
tec
execute0_lowered:
.L_overlay_start_1:
0x0: {  	(tag) =	ssettag $0x1  }
0x1: {  	s0 =	srdreg.scid  }
0x2: {  	s1 =	sshll.u32 s0, $0x4  }
0x3: {  	s0 =	stileid.u32;
	s1 =	sand.u32 $0x10, s1  }
0x4: {  	s6 =	rddreg [dreg:$0x0];
	s4 =	simm.s32 $0x1;
	s1 =	sor.u32 s0, s1  }
0x5: {  	s7 =	simm.s32 $0x2;
	s15 =	simm.s32 $0x0;
	s2 =	sshll.u32 s1, $0x9  }
0x6: {  	s8 =	simm.s32 $0x80;
	s13 =	simm.s32 $0x0;
	s3 =	ssub.s32 $0xF000, s2  }
0x7: {  	s14 =	simm.s32 $0x0;
	s10 =	simm.s32 $0x0;
	s31 =	sand.u32 $0x3E00, s3  }
0x8: {  	s11 =	simm.s32 $0x0;
	s1 =	rddreg [dreg:$0x1];
	p0 =	sne.s32 s31, $0x0  }
.Ltmp0:
0x9: {  	s5 =	sshrl.u32 s3, $0xE;
	s4 =	simm.s32 @!p0 $0x0;
	(pc) =	sbr.rel .LBB1_1-.Ltmp0, $4  }
0xa: {  	_ =	strace $0x80000047;
	s3 =	simm.s32 $0x1;
	s4 =	sadd.s32 s4, s5  }
0xb: {  	s12 =	simm.s32 $0x0;
	[sflag:s3] =	ssyncpa.u1 $0x0;
	s4 =	smul.u32 $0x6, s4  }
0xc: {  	s9 =	smov.u32 s2;
	[sflag:s7] =	ssyncpa.u1 $0x0;
	p0 =	por $0x0, $0x0  }
0xd: {  	s5 =	sadd.s32 $0x2200, s6;
	s6 =	sadd.s32 $0x16A200, s6;
	s7 =	sor.u32 $0x1, s4  }
.LBB1_4:
0xe: {  	_ = 	snop  }
0xf: {  	[tilespmem:s20+$0x2D60 ss:$0x21] =	vst.msk $0xffff, v7  }
0x10: {  	[tilespmem:s20+$0x2F70 ss:$0x21] =	vst.msk $0xffff, v6  }
0x11: {  	[tilespmem:s20+$0x3390 ss:$0x21] =	vst.msk $0xffff, v3  }
0x12: {  	s23 =	sor.u32 s26, s25;
	v31 =	vld.idx.msk [tilespmem:v0+s18+$0xC70 ss:$0x1], $0xffff;
	[tilespmem:s20+$0x35A0 ss:$0x21] =	vst.msk $0xffff, v1  }
0x13: {  	[tilespmem:s20+$0x37B0 ss:$0x21] =	vst.msk $0xffff, v2;
	v43 =	vld.idx.msk [tilespmem:v0+s23+$0x410 ss:$0x1], $0xffff  }
0x14: {  	[tilespmem:s20+$0x39C0 ss:$0x21] =	vst.msk $0xffff, v4;
	v44 =	vld.idx.msk [tilespmem:v0+s23+$0x420 ss:$0x1], $0xffff  }
0x15: {  	[tilespmem:s20+$0x3BD0 ss:$0x21] =	vst.msk $0xffff, v5;
	s24 =	sand.u32 $0x3200, s23;
	v45 =	vld.idx.msk [tilespmem:v0+s23+$0x430 ss:$0x1], $0xffff  }
0x16: {  	s22 =	sand.u32 $0x180, s22;
	s26 =	sshra.s32 s21, $0x2;
	[tilespmem:s20+$0x3DE0 ss:$0x21] =	vst.msk $0xffff, v8;
	v46 =	vld.idx.msk [tilespmem:v0+s23+$0x440 ss:$0x1], $0xffff;
	s17 =	sadd.s32 s24, s17  }
0x17: {  	v47 =	vld.idx.msk [tilespmem:v0+s23+$0x450 ss:$0x1], $0xffff;
	s25 =	sadd.s32 s22, s17;
	s17 =	sadd.s32 s26, s19;
	[tilespmem:s20+$0x3FF0 ss:$0x21] =	vst.msk $0xffff, v31  }
0x18: {  	v48 =	vld.idx.msk [tilespmem:v0+s23+$0x460 ss:$0x1], $0xffff;
	[tilespmem:s17+$0x1290 ss:$0x21] =	vst.msk $0xffff, v43  }
0x19: {  	v49 =	vld.idx.msk [tilespmem:v0+s23+$0x470 ss:$0x1], $0xffff;
	[tilespmem:s17+$0x14A0 ss:$0x21] =	vst.msk $0xffff, v44  }
0x1a: {  	v50 =	vld.idx.msk [tilespmem:v0+s23+$0x810 ss:$0x1], $0xffff;
	[tilespmem:s17+$0x16B0 ss:$0x21] =	vst.msk $0xffff, v45  }
0x1b: {  	v51 =	vld.idx.msk [tilespmem:v0+s23+$0x820 ss:$0x1], $0xffff;
	[tilespmem:s17+$0x18C0 ss:$0x21] =	vst.msk $0xffff, v46  }
0x1c: {  	v52 =	vld.idx.msk [tilespmem:v0+s23+$0x830 ss:$0x1], $0xffff;
	[tilespmem:s17+$0x1AD0 ss:$0x21] =	vst.msk $0xffff, v47  }
0x1d: {  	v53 =	vld.idx.msk [tilespmem:v0+s23+$0x840 ss:$0x1], $0xffff;
	[tilespmem:s17+$0x1CE0 ss:$0x21] =	vst.msk $0xffff, v48  }
0x1e: {  	v54 =	vld.idx.msk [tilespmem:v0+s23+$0x850 ss:$0x1], $0xffff;
	[tilespmem:s17+$0x1EF0 ss:$0x21] =	vst.msk $0xffff, v49  }
0x1f: {  	v55 =	vld.idx.msk [tilespmem:v0+s23+$0x860 ss:$0x1], $0xffff;
	[tilespmem:s17+$0x2310 ss:$0x21] =	vst.msk $0xffff, v50  }
0x20: {  	v56 =	vld.idx.msk [tilespmem:v0+s23+$0x870 ss:$0x1], $0xffff;
	[tilespmem:s17+$0x2520 ss:$0x21] =	vst.msk $0xffff, v51  }
0x21: {  	v57 =	vld.idx.msk [tilespmem:v0+s23+$0xC10 ss:$0x1], $0xffff;
	[tilespmem:s17+$0x2730 ss:$0x21] =	vst.msk $0xffff, v52  }
0x22: {  	v58 =	vld.idx.msk [tilespmem:v0+s23+$0xC20 ss:$0x1], $0xffff;
	[tilespmem:s17+$0x2940 ss:$0x21] =	vst.msk $0xffff, v53  }
0x23: {  	v59 =	vld.idx.msk [tilespmem:v0+s23+$0xC30 ss:$0x1], $0xffff;
	[tilespmem:s17+$0x2B50 ss:$0x21] =	vst.msk $0xffff, v54  }
0x24: {  	v60 =	vld.idx.msk [tilespmem:v0+s23+$0xC40 ss:$0x1], $0xffff;
	[tilespmem:s17+$0x2D60 ss:$0x21] =	vst.msk $0xffff, v55  }
0x25: {  	v61 =	vld.idx.msk [tilespmem:v0+s23+$0xC50 ss:$0x1], $0xffff;
	[tilespmem:s17+$0x2F70 ss:$0x21] =	vst.msk $0xffff, v56  }
0x26: {  	v62 =	vld.idx.msk [tilespmem:v0+s23+$0xC60 ss:$0x1], $0xffff;
	[tilespmem:s17+$0x3390 ss:$0x21] =	vst.msk $0xffff, v57  }
0x27: {  	v63 =	vld.idx.msk [tilespmem:v0+s23+$0xC70 ss:$0x1], $0xffff;
	[tilespmem:s17+$0x35A0 ss:$0x21] =	vst.msk $0xffff, v58  }
0x28: {  	v32 =	vld [tilespmem:s25+$0xC00];
	[tilespmem:s17+$0x37B0 ss:$0x21] =	vst.msk $0xffff, v59  }
0x29: {  	v33 =	vld [tilespmem:s25+$0x0];
	[tilespmem:s17+$0x39C0 ss:$0x21] =	vst.msk $0xffff, v60  }
0x2a: {  	v34 =	vld [tilespmem:s25+$0x10];
	[tilespmem:s17+$0x3BD0 ss:$0x21] =	vst.msk $0xffff, v61  }
0x2b: {  	s15 =	sshll.u32 s15, $0x7;
	s27 =	sshll.u32 s13, $0x3;
	v35 =	vld [tilespmem:s25+$0x20];
	[tilespmem:s17+$0x3DE0 ss:$0x21] =	vst.msk $0xffff, v62  }
0x2c: {  	s28 =	sand.u32 $0xFFFFFC00, s15;
	s18 =	sand.u32 $0xFFFFFC00, s27;
	v36 =	vld [tilespmem:s25+$0x30];
	[tilespmem:s17+$0x3FF0 ss:$0x21] =	vst.msk $0xffff, v63  }
0x2d: {  	s15 =	sand.u32 $0x380, s15;
	s18 =	sadd.s32 s18, s28;
	v37 =	vld [tilespmem:s25+$0x40];
	[tilespmem:s17+$0x3180 ss:$0x21] =	vst.msk $0xffff, v32  }
0x2e: {  	s15 =	sor.u32 s15, s18;
	v38 =	vld [tilespmem:s25+$0x50];
	[tilespmem:s17+$0x0 ss:$0x21] =	vst.msk $0xffff, v33  }
0x2f: {  	v39 =	vld [tilespmem:s25+$0x60];
	s15 =	sshrl.u32 s15, $0x7;
	[tilespmem:s17+$0x210 ss:$0x21] =	vst.msk $0xffff, v34  }
0x30: {  	v40 =	vld [tilespmem:s25+$0x70];
	s29 =	smulhi.u32 $0x2222223, s15;
	[tilespmem:s17+$0x420 ss:$0x21] =	vst.msk $0xffff, v35  }
0x31: {  	v41 =	vld [tilespmem:s25+$0x400];
	[tilespmem:s17+$0x630 ss:$0x21] =	vst.msk $0xffff, v36  }
0x32: {  	s14 =	smul.u32 $0xF0000, s14;
	v42 =	vld [tilespmem:s25+$0x800];
	s18 =	sshrl.u32 s29, $0x9;
	[tilespmem:s17+$0x840 ss:$0x21] =	vst.msk $0xffff, v37  }
0x33: {  	s18 =	smul.u32 $0xF000, s18;
	[tilespmem:s17+$0xA50 ss:$0x21] =	vst.msk $0xffff, v38  }
0x34: {  	s30 =	sshrl.u32 s13, $0x3;
	s31 =	sand.u32 $0x7, s13;
	[tilespmem:s17+$0xC60 ss:$0x21] =	vst.msk $0xffff, v39  }
0x35: {  	s14 =	sadd.s32 s6, s14;
	[tilespmem:s17+$0xE70 ss:$0x21] =	vst.msk $0xffff, v40;
	s15 =	ssub.s32 s15, s18;
	s18 =	sand.u32 $0xF, s30  }
0x36: {  	s13 =	sshll.u32 s31, $0x12;
	[tilespmem:s17+$0x1080 ss:$0x21] =	vst.msk $0xffff, v41;
	s15 =	sshll.u32 s15, $0x4;
	s14 =	sadd.s32 s18, s14  }
0x37: {  	s13 =	sor.u32 $0x20, s13;
	[tilespmem:s17+$0x2100 ss:$0x21] =	vst.msk $0xffff, v42;
	s14 =	sadd.s32 s15, s14  }
0x38: {  	[hbm4b:s14+s13] =	stream.strided.scatter [tilespmem:s16], [sflag:$0x2], $0x4000, s8, s13, $0x10;
	[tilespmem:$0x10400] =	vst v63  }
.LBB1_5:
0x39: {  	s16 =	sadd.s32 $0x4000, s9  }
0x3a: {  	s13 =	sadd.s32 $0x20, s10;
	s17 =	smov.u32 s10;
	p2 =	sgt.s32 s16, $0xEFFF  }
0x3b: {  	s17 =	smov.u32 @p2 s13  }
0x3c: {  	s13 =	simm.s32 $0x1;
	p3 =	sgt.s32 s17, $0x1F  }
0x3d: {  	s13 =	simm.s32 @!p3 $0x0  }
0x3e: {  	s19 =	sadd.s32 s13, s11  }
0x3f: {  	s16 =	smov.u32 @p2 s2;
	p2 =	sgt.s32 s19, $0x5  }
0x40: {  	p1 =	slt.u32 s12, $0x2;
	s19 =	simm.s32 @p2 $0x0;
	p2 =	sne.s32 s12, s7  }
.Ltmp1:
0x41: {  	s18 =	simm.s32 @!p1 $0x2;
	(pc) =	sbr.rel @!p2 .LBB1_6-.Ltmp1, $4  }
0x42: {  	s15 =	smov.u32 s9;
	s14 =	smov.u32 s11;
	_ =	swait.ge @!p1 [sflag:s18], $0x4000  }
0x43: {  	p0 =	por !p0, !p0;
	[sflag:s18] =	ssyncset.done @!p1 $0x0;
	s9 =	smov.u32 s16  }
0x44: {  	s17 =	simm.s32 @p3 $0x0;
	[sflag:s18] =	ssyncadd.s32 @!p1 $0xFFFFC000;
	s13 =	smov.u32 s10  }
0x45: {  	s10 =	smov.u32 s17;
	s12 =	sadd.s32 $0x1, s12;
	s11 =	smov.u32 s19  }
.LBB1_1:
0x46: {  	p1 =	sge.u32 s12, s4  }
0x47: {  	s16 =	sshrl.u32 @!p1 s10, $0x3  }
0x48: {  	s17 =	sshll.u32 @!p1 s9, $0x3;
	s18 =	sshll.u32 @!p1 s10, $0x7;
	s16 =	smul.u32 @!p1 $0x78000, s16  }
0x49: {  	s19 =	sand.u32 @!p1 $0x7F, s9;
	s17 =	sand.u32 @!p1 $0xFFFFFC00, s17;
	s18 =	sand.u32 @!p1 $0x380, s18  }
0x4a: {  	s16 =	sadd.s32 @!p1 s16, s17;
	s17 =	sor.u32 @!p1 s19, s18  }
0x4b: {  	s17 =	sor.u32 @!p1 s16, s17  }
0x4c: {  	s18 =	smulhi.u32 @!p1 $0x88888889, s17  }
0x4d: {  	s16 =	smulhi.u32 @!p1 $0x88888889, s16  }
0x4e: {  	s18 =	sshrl.u32 @!p1 s18, $0xF  }
0x4f: {  	s31 =	sadd.s32 $0xFFFFFFFF, s12;
	s16 =	sshrl.u32 @!p1 s16, $0xF;
	s18 =	smul.u32 @!p1 $0xF000, s18  }
0x50: {  	s20 =	smul.u32 @!p1 $0x3C000, s11;
	s19 =	sxor.u32 @!p1 $0xFFFFFFFF, s12;
	s16 =	sand.u32 @!p1 $0x1F, s16  }
0x51: {  	s19 =	sshll.u32 @!p1 s19, $0xE;
	s16 =	smul.u32 @!p1 $0x1E00, s16;
	s17 =	ssub.s32 @!p1 s17, s18  }
0x52: {  	s18 =	sand.u32 @!p1 $0x4000, s19;
	s19 =	sadd.s32 @!p1 s5, s20;
	s20 =	sand.u32 @!p1 $0x7, s17  }
0x53: {  	s17 =	sshrl.u32 @!p1 s17, $0x3;
	s16 =	sadd.s32 @!p1 s16, s19;
	s19 =	sshll.u32 @!p1 s20, $0x12  }
0x54: {  	s16 =	sadd.s32 @!p1 s17, s16;
	s17 =	sor.u32 @!p1 $0x1000, s19;
	s19 =	simm.s32 @!p1 $0x78000  }
0x55: {  	[tilespmem:s18], [sflag:$0x1] =	stream.strided.gather @!p1 [hbm4b:s16+s17], $0x4000, s19, s17, $0x38;
	[tilespmem:$0x10400] =	vst v63  }
0x56: {  	p1 =	sge.u32 s31, s4  }
.Ltmp2:
0x57: {  	_ = 	snop;
	(pc) =	sbr.rel @p1 .LBB1_5-.Ltmp2, $1  }
0x58: {  	_ =	sdelay $0x3  }
0x59: {  	s19 =	simm.s32 $0x0  }
0x5a: {  	s18 =	sand.u32 $0x3000, s19;
	s20 =	sand.u32 $0x380, s19  }
0x5b: {  	s16 =	sand.u32 $0x1, s12;
	s18 =	sor.u32 s20, s18  }
0x5c: {  	_ =	swait.ge [sflag:s3], $0x4000;
	s17 =	sshll.u32 s16, $0xE;
	s20 =	sand.u32 $0x3200, s18  }
0x5d: {  	[sflag:s3] =	ssyncset.done $0x0;
	s19 =	sand.u32 $0x180, s19;
	s20 =	sadd.s32 s20, s17  }
0x5e: {  	[sflag:s3] =	ssyncadd.s32 $0xFFFFC000;
	s22 =	sadd.s32 s19, s20  }
0x5f: {  	v4 =	vld [tilespmem:s22+$0xC00]  }
0x60: {  	s21 =	simm.s32 $0x1;
	v0 =	vmov s17;
	v5 =	vld [tilespmem:s22+$0x0]  }
0x61: {  	s21 =	simm.s32 @!p0 $0x0;
	v6 =	vld [tilespmem:s22+$0x10]  }
0x62: {  	s31 =	smul.u32 $0x10800, s21;
	v7 =	vld [tilespmem:s22+$0x20]  }
0x63: {  	v8 =	vld [tilespmem:s22+$0x30]  }
0x64: {  	s19 =	sshrl.u32 s31, $0x2;
	v9 =	vld [tilespmem:s22+$0x40]  }
0x65: {  	s19 =	sor.u32 $0x8000, s19;
	v1 =	vld.idx.msk [tilespmem:v0+s18+$0x410 ss:$0x1], $0xffff  }
0x66: {  	v2 =	vld.idx.msk [tilespmem:v0+s18+$0x420 ss:$0x1], $0xffff;
	s20 =	sadd.s32 $0x0, s19  }
0x67: {  	v3 =	vld.idx.msk [tilespmem:v0+s18+$0x430 ss:$0x1], $0xffff;
	[tilespmem:s20+$0x3180 ss:$0x21] =	vst.msk $0xffff, v4  }
0x68: {  	v10 =	vld.idx.msk [tilespmem:v0+s18+$0x820 ss:$0x1], $0xffff;
	[tilespmem:s20+$0x0 ss:$0x21] =	vst.msk $0xffff, v5  }
0x69: {  	v11 =	vld.idx.msk [tilespmem:v0+s18+$0x830 ss:$0x1], $0xffff;
	[tilespmem:s20+$0x210 ss:$0x21] =	vst.msk $0xffff, v6  }
0x6a: {  	v12 =	vld.idx.msk [tilespmem:v0+s18+$0x840 ss:$0x1], $0xffff;
	[tilespmem:s20+$0x420 ss:$0x21] =	vst.msk $0xffff, v7  }
0x6b: {  	v13 =	vld.idx.msk [tilespmem:v0+s18+$0x850 ss:$0x1], $0xffff;
	[tilespmem:s20+$0x630 ss:$0x21] =	vst.msk $0xffff, v8  }
0x6c: {  	v4 =	vld [tilespmem:s22+$0x50];
	[tilespmem:s20+$0x840 ss:$0x21] =	vst.msk $0xffff, v9  }
0x6d: {  	v5 =	vld [tilespmem:s22+$0x60];
	[tilespmem:s20+$0x1290 ss:$0x21] =	vst.msk $0xffff, v1  }
0x6e: {  	v6 =	vld [tilespmem:s22+$0x70];
	[tilespmem:s20+$0x14A0 ss:$0x21] =	vst.msk $0xffff, v2  }
0x6f: {  	v7 =	vld [tilespmem:s22+$0x400];
	[tilespmem:s20+$0x16B0 ss:$0x21] =	vst.msk $0xffff, v3  }
0x70: {  	v8 =	vld [tilespmem:s22+$0x800];
	[tilespmem:s20+$0x2520 ss:$0x21] =	vst.msk $0xffff, v10  }
0x71: {  	v9 =	vld.idx.msk [tilespmem:v0+s18+$0x470 ss:$0x1], $0xffff;
	[tilespmem:s20+$0x2730 ss:$0x21] =	vst.msk $0xffff, v11  }
0x72: {  	v3 =	vld.idx.msk [tilespmem:v0+s18+$0xC10 ss:$0x1], $0xffff;
	[tilespmem:s20+$0x2940 ss:$0x21] =	vst.msk $0xffff, v12  }
0x73: {  	v1 =	vld.idx.msk [tilespmem:v0+s18+$0xC20 ss:$0x1], $0xffff;
	[tilespmem:s20+$0x2B50 ss:$0x21] =	vst.msk $0xffff, v13  }
0x74: {  	v2 =	vld.idx.msk [tilespmem:v0+s18+$0xC30 ss:$0x1], $0xffff;
	[tilespmem:s20+$0xA50 ss:$0x21] =	vst.msk $0xffff, v4  }
0x75: {  	[tilespmem:s20+$0xE70 ss:$0x21] =	vst.msk $0xffff, v6;
	v6 =	vld.idx.msk [tilespmem:v0+s18+$0x460 ss:$0x1], $0xffff  }
0x76: {  	v4 =	vld.idx.msk [tilespmem:v0+s18+$0x440 ss:$0x1], $0xffff;
	[tilespmem:s20+$0xC60 ss:$0x21] =	vst.msk $0xffff, v5  }
0x77: {  	v5 =	vld.idx.msk [tilespmem:v0+s18+$0x450 ss:$0x1], $0xffff;
	[tilespmem:s20+$0x1080 ss:$0x21] =	vst.msk $0xffff, v7  }
0x78: {  	[tilespmem:s20+$0x2100 ss:$0x21] =	vst.msk $0xffff, v8;
	v8 =	vld.idx.msk [tilespmem:v0+s18+$0x810 ss:$0x1], $0xffff  }
0x79: {  	v7 =	vld.idx.msk [tilespmem:v0+s18+$0x860 ss:$0x1], $0xffff;
	[tilespmem:s20+$0x1EF0 ss:$0x21] =	vst.msk $0xffff, v9  }
0x7a: {  	s16 =	smul.u32 $0x10800, s16;
	[tilespmem:s20+$0x1CE0 ss:$0x21] =	vst.msk $0xffff, v6;
	v6 =	vld.idx.msk [tilespmem:v0+s18+$0x870 ss:$0x1], $0xffff  }
0x7b: {  	s23 =	simm.s32 $0x200;
	s24 =	simm.s32 $0x8;
	[tilespmem:s20+$0x18C0 ss:$0x21] =	vst.msk $0xffff, v4;
	v4 =	vld.idx.msk [tilespmem:v0+s18+$0xC40 ss:$0x1], $0xffff  }
0x7c: {  	s25 =	sand.u32 $0x3000, s23;
	s16 =	sshrl.u32 s16, $0x2;
	s22 =	simm.s32 $0x80;
	[tilespmem:s20+$0x1AD0 ss:$0x21] =	vst.msk $0xffff, v5;
	v5 =	vld.idx.msk [tilespmem:v0+s18+$0xC50 ss:$0x1], $0xffff  }
0x7d: {  	s21 =	simm.s32 $0x4;
	s16 =	sor.u32 $0x8000, s16;
	s26 =	sand.u32 $0x380, s22;
	[tilespmem:s20+$0x2310 ss:$0x21] =	vst.msk $0xffff, v8;
	v8 =	vld.idx.msk [tilespmem:v0+s18+$0xC60 ss:$0x1], $0xffff  }
.LBB1_3:
0x7e: {  	p1 =	sne.s32 s24, $0x7C;
	[tilespmem:s20+$0x2D60 ss:$0x21] =	vst.msk $0xffff, v7;
	v7 =	vld.idx.msk [tilespmem:v0+s18+$0xC70 ss:$0x1], $0xffff;
	s18 =	sor.u32 s26, s25  }
0x7f: {  	s25 =	sand.u32 $0x3200, s18;
	v9 =	vld.idx.msk [tilespmem:v0+s18+$0x410 ss:$0x1], $0xffff;
	[tilespmem:s20+$0x2F70 ss:$0x21] =	vst.msk $0xffff, v6  }
0x80: {  	s26 =	sand.u32 $0x180, s22;
	s25 =	sadd.s32 s25, s17;
	v6 =	vld.idx.msk [tilespmem:v0+s18+$0x420 ss:$0x1], $0xffff;
	[tilespmem:s20+$0x3390 ss:$0x21] =	vst.msk $0xffff, v3  }
0x81: {  	s25 =	sadd.s32 s26, s25;
	v3 =	vld.idx.msk [tilespmem:v0+s18+$0x430 ss:$0x1], $0xffff;
	[tilespmem:s20+$0x35A0 ss:$0x21] =	vst.msk $0xffff, v1  }
0x82: {  	v1 =	vld [tilespmem:s25+$0xC00];
	[tilespmem:s20+$0x37B0 ss:$0x21] =	vst.msk $0xffff, v2  }
0x83: {  	v2 =	vld [tilespmem:s25+$0x0];
	[tilespmem:s20+$0x39C0 ss:$0x21] =	vst.msk $0xffff, v4  }
0x84: {  	v4 =	vld [tilespmem:s25+$0x10];
	[tilespmem:s20+$0x3BD0 ss:$0x21] =	vst.msk $0xffff, v5  }
0x85: {  	s26 =	sshra.s32 s21, $0x2;
	s21 =	smov.u32 s24;
	v5 =	vld [tilespmem:s25+$0x20];
	[tilespmem:s20+$0x3DE0 ss:$0x21] =	vst.msk $0xffff, v8  }
0x86: {  	v8 =	vld [tilespmem:s25+$0x30];
	[tilespmem:s20+$0x3FF0 ss:$0x21] =	vst.msk $0xffff, v7;
	s20 =	sadd.s32 s26, s19  }
0x87: {  	v7 =	vld [tilespmem:s25+$0x40];
	[tilespmem:s20+$0x3180 ss:$0x21] =	vst.msk $0xffff, v1  }
0x88: {  	[tilespmem:s20+$0x0 ss:$0x21] =	vst.msk $0xffff, v2;
	v1 =	vld [tilespmem:s25+$0x50]  }
0x89: {  	[tilespmem:s20+$0x210 ss:$0x21] =	vst.msk $0xffff, v4;
	v2 =	vld [tilespmem:s25+$0x60]  }
0x8a: {  	[tilespmem:s20+$0x420 ss:$0x21] =	vst.msk $0xffff, v5;
	v4 =	vld [tilespmem:s25+$0x70]  }
0x8b: {  	[tilespmem:s20+$0x630 ss:$0x21] =	vst.msk $0xffff, v8;
	v5 =	vld [tilespmem:s25+$0x400]  }
0x8c: {  	[tilespmem:s20+$0x840 ss:$0x21] =	vst.msk $0xffff, v7;
	v7 =	vld [tilespmem:s25+$0x800]  }
0x8d: {  	[tilespmem:s20+$0xA50 ss:$0x21] =	vst.msk $0xffff, v1;
	v1 =	vld.idx.msk [tilespmem:v0+s18+$0x440 ss:$0x1], $0xffff  }
0x8e: {  	[tilespmem:s20+$0xC60 ss:$0x21] =	vst.msk $0xffff, v2;
	v2 =	vld.idx.msk [tilespmem:v0+s18+$0x450 ss:$0x1], $0xffff  }
0x8f: {  	[tilespmem:s20+$0xE70 ss:$0x21] =	vst.msk $0xffff, v4;
	v4 =	vld.idx.msk [tilespmem:v0+s18+$0x460 ss:$0x1], $0xffff  }
0x90: {  	[tilespmem:s20+$0x1080 ss:$0x21] =	vst.msk $0xffff, v5;
	v5 =	vld.idx.msk [tilespmem:v0+s18+$0x470 ss:$0x1], $0xffff  }
0x91: {  	[tilespmem:s20+$0x2100 ss:$0x21] =	vst.msk $0xffff, v7;
	v8 =	vld.idx.msk [tilespmem:v0+s18+$0x810 ss:$0x1], $0xffff  }
0x92: {  	[tilespmem:s20+$0x1290 ss:$0x21] =	vst.msk $0xffff, v9;
	v9 =	vld.idx.msk [tilespmem:v0+s18+$0x820 ss:$0x1], $0xffff  }
0x93: {  	[tilespmem:s20+$0x14A0 ss:$0x21] =	vst.msk $0xffff, v6;
	v10 =	vld.idx.msk [tilespmem:v0+s18+$0x830 ss:$0x1], $0xffff  }
0x94: {  	[tilespmem:s20+$0x16B0 ss:$0x21] =	vst.msk $0xffff, v3;
	v11 =	vld.idx.msk [tilespmem:v0+s18+$0x840 ss:$0x1], $0xffff  }
0x95: {  	[tilespmem:s20+$0x18C0 ss:$0x21] =	vst.msk $0xffff, v1;
	v12 =	vld.idx.msk [tilespmem:v0+s18+$0x850 ss:$0x1], $0xffff  }
0x96: {  	[tilespmem:s20+$0x1AD0 ss:$0x21] =	vst.msk $0xffff, v2;
	v7 =	vld.idx.msk [tilespmem:v0+s18+$0x860 ss:$0x1], $0xffff  }
0x97: {  	[tilespmem:s20+$0x1CE0 ss:$0x21] =	vst.msk $0xffff, v4;
	v6 =	vld.idx.msk [tilespmem:v0+s18+$0x870 ss:$0x1], $0xffff  }
0x98: {  	[tilespmem:s20+$0x1EF0 ss:$0x21] =	vst.msk $0xffff, v5;
	v3 =	vld.idx.msk [tilespmem:v0+s18+$0xC10 ss:$0x1], $0xffff  }
.Ltmp3:
0x99: {  	[tilespmem:s20+$0x2310 ss:$0x21] =	vst.msk $0xffff, v8;
	v1 =	vld.idx.msk [tilespmem:v0+s18+$0xC20 ss:$0x1], $0xffff;
	(pc) =	sbr.rel @p1 .LBB1_3-.Ltmp3, $4  }
0x9a: {  	[tilespmem:s20+$0x2520 ss:$0x21] =	vst.msk $0xffff, v9;
	v2 =	vld.idx.msk [tilespmem:v0+s18+$0xC30 ss:$0x1], $0xffff  }
0x9b: {  	[tilespmem:s20+$0x2730 ss:$0x21] =	vst.msk $0xffff, v10;
	v4 =	vld.idx.msk [tilespmem:v0+s18+$0xC40 ss:$0x1], $0xffff  }
0x9c: {  	s22 =	sadd.s32 $0x80, s22;
	s23 =	sadd.s32 $0x200, s23;
	[tilespmem:s20+$0x2940 ss:$0x21] =	vst.msk $0xffff, v11;
	v5 =	vld.idx.msk [tilespmem:v0+s18+$0xC50 ss:$0x1], $0xffff  }
0x9d: {  	s24 =	sadd.s32 $0x4, s24;
	s26 =	sand.u32 $0x380, s22;
	s25 =	sand.u32 $0x3000, s23;
	[tilespmem:s20+$0x2B50 ss:$0x21] =	vst.msk $0xffff, v12;
	v8 =	vld.idx.msk [tilespmem:v0+s18+$0xC60 ss:$0x1], $0xffff  }
.Ltmp4:
0x9e: {  	_ = 	snop;
	(pc) =	sbr.rel .LBB1_4-.Ltmp4, $1  }
0x9f: {  	_ =	sdelay $0x3  }
.LBB1_6:
0xa0: {  	_ =	sfence.sel $0x180000  }
0xa1: {  	s2 =	simm.s32 $0x1;
	[bflag:$0x0] =	sbarrier.arrive $0xFFFF  }
0xa2: {  	s31 =	simm.s32 $0x2;
	[sflag:s2] =	ssyncpa.u1 $0x1  }
0xa3: {  	[sflag:s31] =	ssyncpa.u1 $0x1  }
0xa4: {  	p0 =	sne.s32 s0, $0x0;
	_ =	strace $0x90000047  }
0xa5: {  	s0 =	sadd.s32 @!p0 $0x100000, s1;
	[bflag:$0x2] =	sbarrier.arrive $0xFFFF  }
0xa6: {  	[sflag:s0] =	ssyncadd.tile.s32 @!p0 $0x1;
	_ =	shalt  }
.Lfunc_end1:
_tile_overlayer_lowered:
.L_overlay_start_2:
0xa7: {  	(tag) =	ssettag $0x2  }
0xa8: {  	s0 =	rddreg [dreg:$0x0];
	s2 =	stileid.u32  }
0xa9: {  	s1 =	rddreg [dreg:$0x1];
	p0 =	sne.s32 s2, $0x0  }
0xaa: {  	s3 =	rddreg [dreg:$0x2];
	[bflag:$0x3] =	sbarrier.arrive $0xFFFF;
	s2 =	simm.s32 @!p0 $0x1C01  }
0xab: {  	[timem:s3], [sflag:s2] =	dma.local @!p0 [hbm:s0], s1  }
0xac: {  	s0 =	simm.s32 @!p0 $0x1  }
0xad: {  	_ =	swait.ge @!p0 [sflag:s0], s1  }
0xae: {  	s1 =	ssub.s32 @!p0 $0x0, s1;
	[sflag:s0] =	ssyncset.done @!p0 $0x0  }
0xaf: {  	[sflag:s0] =	ssyncadd.s32 @!p0 s1  }
0xb0: {  	[bflag:$0x3] =	sbarrier.arrive $0xFFFF  }
0xb1: {  	_ =	shalt  }

</sc_bundles>
